<compile_context>
chip_gen: v7x
topology: tpu7x:2x2x1
jax: 0.10.2.dev20260603
libtpu: 0.0.44.dev20260713+nightly
codegen_flags: <defaults>
</compile_context>

<pallas_src>
import functools

import jax
import jax.numpy as jnp
from jax import lax
from jax.experimental import pallas as pl
from jax.experimental.pallas import tpu as pltpu
from jax.experimental.pallas import tpu_sc as plsc

_TILE = 512
_E = 64
_GPB = 2


def _router_tc_body(xa_ref, xb_ref, wt_ref, b_ref, gate_ref, gsc_ref):
    h = wt_ref.shape[0] // 2
    logits = (jnp.dot(xa_ref[...], wt_ref[:h],
                      preferred_element_type=jnp.float32)
              + jnp.dot(xb_ref[...], wt_ref[h:],
                        preferred_element_type=jnp.float32)
              + b_ref[...])
    m = jnp.max(logits, axis=-1, keepdims=True)
    e = jnp.exp(logits - m)
    s = jnp.sum(e, axis=-1, keepdims=True)
    g = e / s
    gate_ref[...] = g
    gsc_ref[...] = g.T.reshape(1, _E, _TILE)


def _make_sc_top2(n_tokens):
    info = plsc.get_sparse_core_info()
    nc, ns, L = info.num_cores, info.num_subcores, info.num_lanes
    nw = nc * ns
    tpw = n_tokens // nw
    mesh = plsc.VectorSubcoreMesh(core_axis_name="c", subcore_axis_name="s",
                                  num_cores=nc)

    def body(gs_ref, v1_ref, v2_ref, i1_ref, i2_ref,
             gt_v, v1_v, v2_v, i1_v, i2_v):
        wid = lax.axis_index("s") * nc + lax.axis_index("c")
        base = wid * tpw
        pltpu.sync_copy(gs_ref.at[wid], gt_v)

        def group_body(g, carry):
            offs = [g * (_GPB * L) + k * L for k in range(_GPB)]
            m1 = [gt_v[pl.ds(o, L)] for o in offs]
            i1 = [jnp.zeros((L,), jnp.int32) for _ in offs]
            m2 = [jnp.full((L,), -1.0, jnp.float32) for _ in offs]
            i2 = [jnp.zeros((L,), jnp.int32) for _ in offs]
            for e in range(1, _E):
                ev = jnp.full((L,), e, jnp.int32)
                for k, o in enumerate(offs):
                    v = gt_v[pl.ds(e * tpw + o, L)]
                    gt1 = v > m1[k]
                    gt2 = v > m2[k]
                    nm2 = jnp.where(gt1, m1[k], jnp.where(gt2, v, m2[k]))
                    ni2 = jnp.where(gt1, i1[k], jnp.where(gt2, ev, i2[k]))
                    m1[k] = jnp.where(gt1, v, m1[k])
                    i1[k] = jnp.where(gt1, ev, i1[k])
                    m2[k] = nm2
                    i2[k] = ni2
            for k, o in enumerate(offs):
                v1_v[pl.ds(o, L)] = m1[k]
                v2_v[pl.ds(o, L)] = m2[k]
                i1_v[pl.ds(o, L)] = i1[k]
                i2_v[pl.ds(o, L)] = i2[k]
            return carry

        lax.fori_loop(0, tpw // (_GPB * L), group_body, 0)
        pltpu.sync_copy(v1_v, v1_ref.at[pl.ds(base, tpw)])
        pltpu.sync_copy(v2_v, v2_ref.at[pl.ds(base, tpw)])
        pltpu.sync_copy(i1_v, i1_ref.at[pl.ds(base, tpw)])
        pltpu.sync_copy(i2_v, i2_ref.at[pl.ds(base, tpw)])

    vec = jax.ShapeDtypeStruct((n_tokens,), jnp.float32)
    ivec = jax.ShapeDtypeStruct((n_tokens,), jnp.int32)
    return nw, tpw, functools.partial(
        pl.kernel, mesh=mesh,
        out_type=[vec, vec, ivec, ivec],
        scratch_types=[
            pltpu.VMEM((_E * tpw,), jnp.float32),
            pltpu.VMEM((tpw,), jnp.float32),
            pltpu.VMEM((tpw,), jnp.float32),
            pltpu.VMEM((tpw,), jnp.int32),
            pltpu.VMEM((tpw,), jnp.int32),
        ],
    )(body)


@jax.jit
def kernel(x, W, b):
    B, S, D = x.shape
    E = W.shape[0]
    N = B * S
    xf = x.reshape(N, D)
    wt = W.T
    b2 = b.reshape(1, E)
    grid = (N // _TILE,)
    gate, gate_sc = pl.pallas_call(
        _router_tc_body,
        grid=grid,
        in_specs=[
            pl.BlockSpec((_TILE, D // 2), lambda i: (i, 0)),
            pl.BlockSpec((_TILE, D // 2), lambda i: (i, 1)),
            pl.BlockSpec((D, E), lambda i: (0, 0)),
            pl.BlockSpec((1, E), lambda i: (0, 0)),
        ],
        out_specs=[
            pl.BlockSpec((_TILE, E), lambda i: (i, 0)),
            pl.BlockSpec((1, E, _TILE), lambda i: (i, 0, 0)),
        ],
        out_shape=[
            jax.ShapeDtypeStruct((N, E), jnp.float32),
            jax.ShapeDtypeStruct((N // _TILE, E, _TILE), jnp.float32),
        ],
    )(xf, xf, wt, b2)

    nw, tpw, sc_top2 = _make_sc_top2(N)
    gs = gate_sc.reshape(nw, E * tpw)
    v1, v2, i1, i2 = sc_top2(gs)

    top2_val = jnp.stack([v1, v2], axis=-1).reshape(B, S, 2)
    top2_idx = jnp.stack([i1, i2], axis=-1).reshape(B, S, 2).astype(jnp.int64)
    return (top2_val, top2_idx, gate.reshape(B, S, E))

# --- scband reference (transcript-rebuilt; emitter-appended) ---
"""Pipeline reference for scband-top2-router-66116726554789 (READ-ONLY COPY).

The authoritative reference and input builder live on the scoring server;
editing this copy changes nothing except your own understanding.
"""

import jax, jax.numpy as jnp
import numpy as np

B, S, D, E = 4, 4096, 2048, 64

def setup_inputs(seed: int = 0) -> dict:
    key = jax.random.key(seed)
    kx, kw, kb = jax.random.split(key, 3)
    x = jax.random.normal(kx, (B, S, D), dtype=jnp.float32)
    bound = 1.0 / np.sqrt(D)
    W = jax.random.uniform(kw, (E, D), dtype=jnp.float32, minval=-bound, maxval=bound)
    b = jax.random.uniform(kb, (E,), dtype=jnp.float32, minval=-bound, maxval=bound)
    return {"x": x, "W": W, "b": b}

def reference(x, W, b):
    # logits = Linear(d_model -> n_experts)
    logits = jnp.einsum('bsd,ed->bse', x, W) + b
    gate = jax.nn.softmax(logits, axis=-1)
    top2_val, top2_idx = jax.lax.top_k(gate, 2)
    return (top2_val, top2_idx.astype(jnp.int64), gate)

if __name__ == "__main__":
    import jax
    _d = setup_inputs()
    print(jax.jit(kernel)(*tuple(_d.values())))

</pallas_src>

<mosaic_0001>
#map = affine_map<(d0, d1) -> (0, 0)>
#map1 = affine_map<(d0, d1) -> (0)>
module attributes {stable_mosaic.version = 14 : i64} {
  func.func @body(%arg0: i32, %arg1: i32, %arg2: memref<32x32768xf32, #tpu.memory_space<hbm>>, %arg3: memref<16384xf32, #tpu.memory_space<hbm>>, %arg4: memref<16384xf32, #tpu.memory_space<hbm>>, %arg5: memref<16384xi32, #tpu.memory_space<hbm>>, %arg6: memref<16384xi32, #tpu.memory_space<hbm>>, %arg7: memref<32768xf32, #tpu.memory_space<vmem>>, %arg8: memref<512xf32, #tpu.memory_space<vmem>>, %arg9: memref<512xf32, #tpu.memory_space<vmem>>, %arg10: memref<512xi32, #tpu.memory_space<vmem>>, %arg11: memref<512xi32, #tpu.memory_space<vmem>>) attributes {dimension_semantics = [#tpu.dimension_semantics<core_parallel>, #tpu.dimension_semantics<subcore_parallel>], iteration_bounds = array<i64: 2, 16>, scalar_prefetch = 0 : i64, scratch_operands = 5 : i64, tpu.core_type = #tpu.core_type<sc_vector_subcore>, window_params = [{transform_indices = #map}, {transform_indices = #map1}, {transform_indices = #map1}, {transform_indices = #map1}, {transform_indices = #map1}]} {
    %mul3A = arith.constant 2 : i32
    %mul3A_0 = arith.muli %arg1, %mul3A : i32
    %add3A = arith.addi %mul3A_0, %arg0 : i32
    %mul3A_1 = arith.constant 512 : i32
    %mul3A_2 = arith.muli %add3A, %mul3A_1 : i32
    "tpu.region"() ({
      %run_scoped3A = tpu.sem_alloc : memref<!tpu.dma_semaphore, #tpu.memory_space<semaphore_mem>>
      %dma_start3A = arith.constant 0 : i32
      %dma_start3A_8 = tpu.memref_slice %arg2[%add3A, %dma_start3A] : memref<32x32768xf32, #tpu.memory_space<hbm>> -> memref<1x32768xf32, #tpu.memory_space<hbm>>
      %dma_start3A_9 = tpu.memref_squeeze %dma_start3A_8 : memref<1x32768xf32, #tpu.memory_space<hbm>> -> memref<32768xf32, #tpu.memory_space<hbm>>
      %dma_start3A_10 = arith.constant 0 : i32
      %dma_start3A_11 = tpu.memref_slice %arg2[%add3A, %dma_start3A_10] : memref<32x32768xf32, #tpu.memory_space<hbm>> -> memref<1x32768xf32, #tpu.memory_space<hbm>>
      %dma_start3A_12 = tpu.memref_squeeze %dma_start3A_11 : memref<1x32768xf32, #tpu.memory_space<hbm>> -> memref<32768xf32, #tpu.memory_space<hbm>>
      tpu.enqueue_dma source(%dma_start3A_12 : memref<32768xf32, #tpu.memory_space<hbm>>) target(%arg7 : memref<32768xf32, #tpu.memory_space<vmem>>) target_semaphore(%run_scoped3A : memref<!tpu.dma_semaphore, #tpu.memory_space<semaphore_mem>>)
      %dma_wait3A = arith.constant 0 : i32
      %dma_wait3A_13 = tpu.memref_slice %arg2[%add3A, %dma_wait3A] : memref<32x32768xf32, #tpu.memory_space<hbm>> -> memref<1x32768xf32, #tpu.memory_space<hbm>>
      %dma_wait3A_14 = tpu.memref_squeeze %dma_wait3A_13 : memref<1x32768xf32, #tpu.memory_space<hbm>> -> memref<32768xf32, #tpu.memory_space<hbm>>
      %dma_wait3A_15 = arith.constant 0 : i32
      %dma_wait3A_16 = tpu.memref_slice %arg2[%add3A, %dma_wait3A_15] : memref<32x32768xf32, #tpu.memory_space<hbm>> -> memref<1x32768xf32, #tpu.memory_space<hbm>>
      %dma_wait3A_17 = tpu.memref_squeeze %dma_wait3A_16 : memref<1x32768xf32, #tpu.memory_space<hbm>> -> memref<32768xf32, #tpu.memory_space<hbm>>
      tpu.wait_dma2 semaphore(%run_scoped3A : memref<!tpu.dma_semaphore, #tpu.memory_space<semaphore_mem>>) src(%dma_wait3A_17 : memref<32768xf32, #tpu.memory_space<hbm>>) dst(%arg7 : memref<32768xf32, #tpu.memory_space<vmem>>)
      tpu.yield
    }) : () -> ()
    %scan3A = arith.constant 0 : i32
    %scan3A_3 = arith.constant 0 : i32
    %scan3A_4 = arith.constant 16 : i32
    %scan3A_5 = arith.addi %scan3A_3, %scan3A_4 : i32
    %scan3A_6 = arith.constant 1 : i32
    scf.for %scan3A_8 = %scan3A_3 to %scan3A_5 step %scan3A_6  : i32 {
      %mul3A_9 = arith.constant 32 : i32
      %mul3A_10 = arith.muli %scan3A_8, %mul3A_9 : i32
      %add3A_11 = arith.constant 0 : i32
      %add3A_12 = arith.addi %mul3A_10, %add3A_11 : i32
      %mul3A_13 = arith.constant 32 : i32
      %mul3A_14 = arith.muli %scan3A_8, %mul3A_13 : i32
      %add3A_15 = arith.constant 16 : i32
      %add3A_16 = arith.addi %mul3A_14, %add3A_15 : i32
      %get3A = arith.index_cast %add3A_12 : i32 to index
      %get3A_17 = tpu.vector_load %arg7[%get3A] {strides = array<i32>} : memref<32768xf32, #tpu.memory_space<vmem>>, vector<16xf32>,
      %get3A_18 = vector.shape_cast %get3A_17 : vector<16xf32> to vector<16xf32>
      %get3A_19 = arith.index_cast %add3A_16 : i32 to index
      %get3A_20 = tpu.vector_load %arg7[%get3A_19] {strides = array<i32>} : memref<32768xf32, #tpu.memory_space<vmem>>, vector<16xf32>,
      %get3A_21 = vector.shape_cast %get3A_20 : vector<16xf32> to vector<16xf32>
      %broadcast_in_dim3A = arith.constant 0 : i32
      %broadcast_in_dim3A_22 = vector.broadcast %broadcast_in_dim3A : i32 to vector<16xi32>
      %broadcast_in_dim3A_23 = arith.constant 0 : i32
      %broadcast_in_dim3A_24 = vector.broadcast %broadcast_in_dim3A_23 : i32 to vector<16xi32>
      %broadcast_in_dim3A_25 = arith.constant -1.000000e+00 : f32
      %broadcast_in_dim3A_26 = vector.broadcast %broadcast_in_dim3A_25 : f32 to vector<16xf32>
      %broadcast_in_dim3A_27 = arith.constant -1.000000e+00 : f32
      %broadcast_in_dim3A_28 = vector.broadcast %broadcast_in_dim3A_27 : f32 to vector<16xf32>
      %broadcast_in_dim3A_29 = arith.constant 0 : i32
      %broadcast_in_dim3A_30 = vector.broadcast %broadcast_in_dim3A_29 : i32 to vector<16xi32>
      %broadcast_in_dim3A_31 = arith.constant 0 : i32
      %broadcast_in_dim3A_32 = vector.broadcast %broadcast_in_dim3A_31 : i32 to vector<16xi32>
      %broadcast_in_dim3A_33 = arith.constant 1 : i32
      %broadcast_in_dim3A_34 = vector.broadcast %broadcast_in_dim3A_33 : i32 to vector<16xi32>
      %add3A_35 = arith.constant 512 : i32
      %add3A_36 = arith.addi %add3A_35, %add3A_12 : i32
      %get3A_37 = arith.index_cast %add3A_36 : i32 to index
      %get3A_38 = tpu.vector_load %arg7[%get3A_37] {strides = array<i32>} : memref<32768xf32, #tpu.memory_space<vmem>>, vector<16xf32>,
      %get3A_39 = vector.shape_cast %get3A_38 : vector<16xf32> to vector<16xf32>
      %gt3A = arith.cmpf ogt, %get3A_39, %get3A_18 : vector<16xf32>
      %gt3A_40 = arith.cmpf ogt, %get3A_39, %broadcast_in_dim3A_26 : vector<16xf32>
      %select_n3A = arith.select %gt3A_40, %get3A_39, %broadcast_in_dim3A_26 : vector<16xi1>, vector<16xf32>
      %select_n3A_41 = arith.select %gt3A, %get3A_18, %select_n3A : vector<16xi1>, vector<16xf32>
      %select_n3A_42 = arith.select %gt3A_40, %broadcast_in_dim3A_34, %broadcast_in_dim3A_30 : vector<16xi1>, vector<16xi32>
      %select_n3A_43 = arith.select %gt3A, %broadcast_in_dim3A_22, %select_n3A_42 : vector<16xi1>, vector<16xi32>
      %select_n3A_44 = arith.select %gt3A, %get3A_39, %get3A_18 : vector<16xi1>, vector<16xf32>
      %select_n3A_45 = arith.select %gt3A, %broadcast_in_dim3A_34, %broadcast_in_dim3A_22 : vector<16xi1>, vector<16xi32>
      %add3A_46 = arith.constant 512 : i32
      %add3A_47 = arith.addi %add3A_46, %add3A_16 : i32
      %get3A_48 = arith.index_cast %add3A_47 : i32 to index
      %get3A_49 = tpu.vector_load %arg7[%get3A_48] {strides = array<i32>} : memref<32768xf32, #tpu.memory_space<vmem>>, vector<16xf32>,
      %get3A_50 = vector.shape_cast %get3A_49 : vector<16xf32> to vector<16xf32>
      %gt3A_51 = arith.cmpf ogt, %get3A_50, %get3A_21 : vector<16xf32>
      %gt3A_52 = arith.cmpf ogt, %get3A_50, %broadcast_in_dim3A_28 : vector<16xf32>
      %select_n3A_53 = arith.select %gt3A_52, %get3A_50, %broadcast_in_dim3A_28 : vector<16xi1>, vector<16xf32>
      %select_n3A_54 = arith.select %gt3A_51, %get3A_21, %select_n3A_53 : vector<16xi1>, vector<16xf32>
      %select_n3A_55 = arith.select %gt3A_52, %broadcast_in_dim3A_34, %broadcast_in_dim3A_32 : vector<16xi1>, vector<16xi32>
      %select_n3A_56 = arith.select %gt3A_51, %broadcast_in_dim3A_24, %select_n3A_55 : vector<16xi1>, vector<16xi32>
      %select_n3A_57 = arith.select %gt3A_51, %get3A_50, %get3A_21 : vector<16xi1>, vector<16xf32>
      %select_n3A_58 = arith.select %gt3A_51, %broadcast_in_dim3A_34, %broadcast_in_dim3A_24 : vector<16xi1>, vector<16xi32>
      %broadcast_in_dim3A_59 = arith.constant 2 : i32
      %broadcast_in_dim3A_60 = vector.broadcast %broadcast_in_dim3A_59 : i32 to vector<16xi32>
      %add3A_61 = arith.constant 1024 : i32
      %add3A_62 = arith.addi %add3A_61, %add3A_12 : i32
      %get3A_63 = arith.index_cast %add3A_62 : i32 to index
      %get3A_64 = tpu.vector_load %arg7[%get3A_63] {strides = array<i32>} : memref<32768xf32, #tpu.memory_space<vmem>>, vector<16xf32>,
      %get3A_65 = vector.shape_cast %get3A_64 : vector<16xf32> to vector<16xf32>
      %gt3A_66 = arith.cmpf ogt, %get3A_65, %select_n3A_44 : vector<16xf32>
      %gt3A_67 = arith.cmpf ogt, %get3A_65, %select_n3A_41 : vector<16xf32>
      %select_n3A_68 = arith.select %gt3A_67, %get3A_65, %select_n3A_41 : vector<16xi1>, vector<16xf32>
      %select_n3A_69 = arith.select %gt3A_66, %select_n3A_44, %select_n3A_68 : vector<16xi1>, vector<16xf32>
      %select_n3A_70 = arith.select %gt3A_67, %broadcast_in_dim3A_60, %select_n3A_43 : vector<16xi1>, vector<16xi32>
      %select_n3A_71 = arith.select %gt3A_66, %select_n3A_45, %select_n3A_70 : vector<16xi1>, vector<16xi32>
      %select_n3A_72 = arith.select %gt3A_66, %get3A_65, %select_n3A_44 : vector<16xi1>, vector<16xf32>
      %select_n3A_73 = arith.select %gt3A_66, %broadcast_in_dim3A_60, %select_n3A_45 : vector<16xi1>, vector<16xi32>
      %add3A_74 = arith.constant 1024 : i32
      %add3A_75 = arith.addi %add3A_74, %add3A_16 : i32
      %get3A_76 = arith.index_cast %add3A_75 : i32 to index
      %get3A_77 = tpu.vector_load %arg7[%get3A_76] {strides = array<i32>} : memref<32768xf32, #tpu.memory_space<vmem>>, vector<16xf32>,
      %get3A_78 = vector.shape_cast %get3A_77 : vector<16xf32> to vector<16xf32>
      %gt3A_79 = arith.cmpf ogt, %get3A_78, %select_n3A_57 : vector<16xf32>
      %gt3A_80 = arith.cmpf ogt, %get3A_78, %select_n3A_54 : vector<16xf32>
      %select_n3A_81 = arith.select %gt3A_80, %get3A_78, %select_n3A_54 : vector<16xi1>, vector<16xf32>
      %select_n3A_82 = arith.select %gt3A_79, %select_n3A_57, %select_n3A_81 : vector<16xi1>, vector<16xf32>
      %select_n3A_83 = arith.select %gt3A_80, %broadcast_in_dim3A_60, %select_n3A_56 : vector<16xi1>, vector<16xi32>
      %select_n3A_84 = arith.select %gt3A_79, %select_n3A_58, %select_n3A_83 : vector<16xi1>, vector<16xi32>
      %select_n3A_85 = arith.select %gt3A_79, %get3A_78, %select_n3A_57 : vector<16xi1>, vector<16xf32>
      %select_n3A_86 = arith.select %gt3A_79, %broadcast_in_dim3A_60, %select_n3A_58 : vector<16xi1>, vector<16xi32>
      %broadcast_in_dim3A_87 = arith.constant 3 : i32
      %broadcast_in_dim3A_88 = vector.broadcast %broadcast_in_dim3A_87 : i32 to vector<16xi32>
      %add3A_89 = arith.constant 1536 : i32
      %add3A_90 = arith.addi %add3A_89, %add3A_12 : i32
      %get3A_91 = arith.index_cast %add3A_90 : i32 to index
      %get3A_92 = tpu.vector_load %arg7[%get3A_91] {strides = array<i32>} : memref<32768xf32, #tpu.memory_space<vmem>>, vector<16xf32>,
      %get3A_93 = vector.shape_cast %get3A_92 : vector<16xf32> to vector<16xf32>
      %gt3A_94 = arith.cmpf ogt, %get3A_93, %select_n3A_72 : vector<16xf32>
      %gt3A_95 = arith.cmpf ogt, %get3A_93, %select_n3A_69 : vector<16xf32>
      %select_n3A_96 = arith.select %gt3A_95, %get3A_93, %select_n3A_69 : vector<16xi1>, vector<16xf32>
      %select_n3A_97 = arith.select %gt3A_94, %select_n3A_72, %select_n3A_96 : vector<16xi1>, vector<16xf32>
      %select_n3A_98 = arith.select %gt3A_95, %broadcast_in_dim3A_88, %select_n3A_71 : vector<16xi1>, vector<16xi32>
      %select_n3A_99 = arith.select %gt3A_94, %select_n3A_73, %select_n3A_98 : vector<16xi1>, vector<16xi32>
      %select_n3A_100 = arith.select %gt3A_94, %get3A_93, %select_n3A_72 : vector<16xi1>, vector<16xf32>
      %select_n3A_101 = arith.select %gt3A_94, %broadcast_in_dim3A_88, %select_n3A_73 : vector<16xi1>, vector<16xi32>
      %add3A_102 = arith.constant 1536 : i32
      %add3A_103 = arith.addi %add3A_102, %add3A_16 : i32
      %get3A_104 = arith.index_cast %add3A_103 : i32 to index
      %get3A_105 = tpu.vector_load %arg7[%get3A_104] {strides = array<i32>} : memref<32768xf32, #tpu.memory_space<vmem>>, vector<16xf32>,
      %get3A_106 = vector.shape_cast %get3A_105 : vector<16xf32> to vector<16xf32>
      %gt3A_107 = arith.cmpf ogt, %get3A_106, %select_n3A_85 : vector<16xf32>
      %gt3A_108 = arith.cmpf ogt, %get3A_106, %select_n3A_82 : vector<16xf32>
      %select_n3A_109 = arith.select %gt3A_108, %get3A_106, %select_n3A_82 : vector<16xi1>, vector<16xf32>
      %select_n3A_110 = arith.select %gt3A_107, %select_n3A_85, %select_n3A_109 : vector<16xi1>, vector<16xf32>
      %select_n3A_111 = arith.select %gt3A_108, %broadcast_in_dim3A_88, %select_n3A_84 : vector<16xi1>, vector<16xi32>
      %select_n3A_112 = arith.select %gt3A_107, %select_n3A_86, %select_n3A_111 : vector<16xi1>, vector<16xi32>
      %select_n3A_113 = arith.select %gt3A_107, %get3A_106, %select_n3A_85 : vector<16xi1>, vector<16xf32>
      %select_n3A_114 = arith.select %gt3A_107, %broadcast_in_dim3A_88, %select_n3A_86 : vector<16xi1>, vector<16xi32>
      %broadcast_in_dim3A_115 = arith.constant 4 : i32
      %broadcast_in_dim3A_116 = vector.broadcast %broadcast_in_dim3A_115 : i32 to vector<16xi32>
      %add3A_117 = arith.constant 2048 : i32
      %add3A_118 = arith.addi %add3A_117, %add3A_12 : i32
      %get3A_119 = arith.index_cast %add3A_118 : i32 to index
      %get3A_120 = tpu.vector_load %arg7[%get3A_119] {strides = array<i32>} : memref<32768xf32, #tpu.memory_space<vmem>>, vector<16xf32>,
      %get3A_121 = vector.shape_cast %get3A_120 : vector<16xf32> to vector<16xf32>
      %gt3A_122 = arith.cmpf ogt, %get3A_121, %select_n3A_100 : vector<16xf32>
      %gt3A_123 = arith.cmpf ogt, %get3A_121, %select_n3A_97 : vector<16xf32>
      %select_n3A_124 = arith.select %gt3A_123, %get3A_121, %select_n3A_97 : vector<16xi1>, vector<16xf32>
      %select_n3A_125 = arith.select %gt3A_122, %select_n3A_100, %select_n3A_124 : vector<16xi1>, vector<16xf32>
      %select_n3A_126 = arith.select %gt3A_123, %broadcast_in_dim3A_116, %select_n3A_99 : vector<16xi1>, vector<16xi32>
      %select_n3A_127 = arith.select %gt3A_122, %select_n3A_101, %select_n3A_126 : vector<16xi1>, vector<16xi32>
      %select_n3A_128 = arith.select %gt3A_122, %get3A_121, %select_n3A_100 : vector<16xi1>, vector<16xf32>
      %select_n3A_129 = arith.select %gt3A_122, %broadcast_in_dim3A_116, %select_n3A_101 : vector<16xi1>, vector<16xi32>
      %add3A_130 = arith.constant 2048 : i32
      %add3A_131 = arith.addi %add3A_130, %add3A_16 : i32
      %get3A_132 = arith.index_cast %add3A_131 : i32 to index
      %get3A_133 = tpu.vector_load %arg7[%get3A_132] {strides = array<i32>} : memref<32768xf32, #tpu.memory_space<vmem>>, vector<16xf32>,
      %get3A_134 = vector.shape_cast %get3A_133 : vector<16xf32> to vector<16xf32>
      %gt3A_135 = arith.cmpf ogt, %get3A_134, %select_n3A_113 : vector<16xf32>
      %gt3A_136 = arith.cmpf ogt, %get3A_134, %select_n3A_110 : vector<16xf32>
      %select_n3A_137 = arith.select %gt3A_136, %get3A_134, %select_n3A_110 : vector<16xi1>, vector<16xf32>
      %select_n3A_138 = arith.select %gt3A_135, %select_n3A_113, %select_n3A_137 : vector<16xi1>, vector<16xf32>
      %select_n3A_139 = arith.select %gt3A_136, %broadcast_in_dim3A_116, %select_n3A_112 : vector<16xi1>, vector<16xi32>
      %select_n3A_140 = arith.select %gt3A_135, %select_n3A_114, %select_n3A_139 : vector<16xi1>, vector<16xi32>
      %select_n3A_141 = arith.select %gt3A_135, %get3A_134, %select_n3A_113 : vector<16xi1>, vector<16xf32>
      %select_n3A_142 = arith.select %gt3A_135, %broadcast_in_dim3A_116, %select_n3A_114 : vector<16xi1>, vector<16xi32>
      %broadcast_in_dim3A_143 = arith.constant 5 : i32
      %broadcast_in_dim3A_144 = vector.broadcast %broadcast_in_dim3A_143 : i32 to vector<16xi32>
      %add3A_145 = arith.constant 2560 : i32
      %add3A_146 = arith.addi %add3A_145, %add3A_12 : i32
      %get3A_147 = arith.index_cast %add3A_146 : i32 to index
      %get3A_148 = tpu.vector_load %arg7[%get3A_147] {strides = array<i32>} : memref<32768xf32, #tpu.memory_space<vmem>>, vector<16xf32>,
      %get3A_149 = vector.shape_cast %get3A_148 : vector<16xf32> to vector<16xf32>
      %gt3A_150 = arith.cmpf ogt, %get3A_149, %select_n3A_128 : vector<16xf32>
      %gt3A_151 = arith.cmpf ogt, %get3A_149, %select_n3A_125 : vector<16xf32>
      %select_n3A_152 = arith.select %gt3A_151, %get3A_149, %select_n3A_125 : vector<16xi1>, vector<16xf32>
      %select_n3A_153 = arith.select %gt3A_150, %select_n3A_128, %select_n3A_152 : vector<16xi1>, vector<16xf32>
      %select_n3A_154 = arith.select %gt3A_151, %broadcast_in_dim3A_144, %select_n3A_127 : vector<16xi1>, vector<16xi32>
      %select_n3A_155 = arith.select %gt3A_150, %select_n3A_129, %select_n3A_154 : vector<16xi1>, vector<16xi32>
      %select_n3A_156 = arith.select %gt3A_150, %get3A_149, %select_n3A_128 : vector<16xi1>, vector<16xf32>
      %select_n3A_157 = arith.select %gt3A_150, %broadcast_in_dim3A_144, %select_n3A_129 : vector<16xi1>, vector<16xi32>
      %add3A_158 = arith.constant 2560 : i32
      %add3A_159 = arith.addi %add3A_158, %add3A_16 : i32
      %get3A_160 = arith.index_cast %add3A_159 : i32 to index
      %get3A_161 = tpu.vector_load %arg7[%get3A_160] {strides = array<i32>} : memref<32768xf32, #tpu.memory_space<vmem>>, vector<16xf32>,
      %get3A_162 = vector.shape_cast %get3A_161 : vector<16xf32> to vector<16xf32>
      %gt3A_163 = arith.cmpf ogt, %get3A_162, %select_n3A_141 : vector<16xf32>
      %gt3A_164 = arith.cmpf ogt, %get3A_162, %select_n3A_138 : vector<16xf32>
      %select_n3A_165 = arith.select %gt3A_164, %get3A_162, %select_n3A_138 : vector<16xi1>, vector<16xf32>
      %select_n3A_166 = arith.select %gt3A_163, %select_n3A_141, %select_n3A_165 : vector<16xi1>, vector<16xf32>
      %select_n3A_167 = arith.select %gt3A_164, %broadcast_in_dim3A_144, %select_n3A_140 : vector<16xi1>, vector<16xi32>
      %select_n3A_168 = arith.select %gt3A_163, %select_n3A_142, %select_n3A_167 : vector<16xi1>, vector<16xi32>
      %select_n3A_169 = arith.select %gt3A_163, %get3A_162, %select_n3A_141 : vector<16xi1>, vector<16xf32>
      %select_n3A_170 = arith.select %gt3A_163, %broadcast_in_dim3A_144, %select_n3A_142 : vector<16xi1>, vector<16xi32>
      %broadcast_in_dim3A_171 = arith.constant 6 : i32
      %broadcast_in_dim3A_172 = vector.broadcast %broadcast_in_dim3A_171 : i32 to vector<16xi32>
      %add3A_173 = arith.constant 3072 : i32
      %add3A_174 = arith.addi %add3A_173, %add3A_12 : i32
      %get3A_175 = arith.index_cast %add3A_174 : i32 to index
      %get3A_176 = tpu.vector_load %arg7[%get3A_175] {strides = array<i32>} : memref<32768xf32, #tpu.memory_space<vmem>>, vector<16xf32>,
      %get3A_177 = vector.shape_cast %get3A_176 : vector<16xf32> to vector<16xf32>
      %gt3A_178 = arith.cmpf ogt, %get3A_177, %select_n3A_156 : vector<16xf32>
      %gt3A_179 = arith.cmpf ogt, %get3A_177, %select_n3A_153 : vector<16xf32>
      %select_n3A_180 = arith.select %gt3A_179, %get3A_177, %select_n3A_153 : vector<16xi1>, vector<16xf32>
      %select_n3A_181 = arith.select %gt3A_178, %select_n3A_156, %select_n3A_180 : vector<16xi1>, vector<16xf32>
      %select_n3A_182 = arith.select %gt3A_179, %broadcast_in_dim3A_172, %select_n3A_155 : vector<16xi1>, vector<16xi32>
      %select_n3A_183 = arith.select %gt3A_178, %select_n3A_157, %select_n3A_182 : vector<16xi1>, vector<16xi32>
      %select_n3A_184 = arith.select %gt3A_178, %get3A_177, %select_n3A_156 : vector<16xi1>, vector<16xf32>
      %select_n3A_185 = arith.select %gt3A_178, %broadcast_in_dim3A_172, %select_n3A_157 : vector<16xi1>, vector<16xi32>
      %add3A_186 = arith.constant 3072 : i32
      %add3A_187 = arith.addi %add3A_186, %add3A_16 : i32
      %get3A_188 = arith.index_cast %add3A_187 : i32 to index
      %get3A_189 = tpu.vector_load %arg7[%get3A_188] {strides = array<i32>} : memref<32768xf32, #tpu.memory_space<vmem>>, vector<16xf32>,
      %get3A_190 = vector.shape_cast %get3A_189 : vector<16xf32> to vector<16xf32>
      %gt3A_191 = arith.cmpf ogt, %get3A_190, %select_n3A_169 : vector<16xf32>
      %gt3A_192 = arith.cmpf ogt, %get3A_190, %select_n3A_166 : vector<16xf32>
      %select_n3A_193 = arith.select %gt3A_192, %get3A_190, %select_n3A_166 : vector<16xi1>, vector<16xf32>
      %select_n3A_194 = arith.select %gt3A_191, %select_n3A_169, %select_n3A_193 : vector<16xi1>, vector<16xf32>
      %select_n3A_195 = arith.select %gt3A_192, %broadcast_in_dim3A_172, %select_n3A_168 : vector<16xi1>, vector<16xi32>
      %select_n3A_196 = arith.select %gt3A_191, %select_n3A_170, %select_n3A_195 : vector<16xi1>, vector<16xi32>
      %select_n3A_197 = arith.select %gt3A_191, %get3A_190, %select_n3A_169 : vector<16xi1>, vector<16xf32>
      %select_n3A_198 = arith.select %gt3A_191, %broadcast_in_dim3A_172, %select_n3A_170 : vector<16xi1>, vector<16xi32>
      %broadcast_in_dim3A_199 = arith.constant 7 : i32
      %broadcast_in_dim3A_200 = vector.broadcast %broadcast_in_dim3A_199 : i32 to vector<16xi32>
      %add3A_201 = arith.constant 3584 : i32
      %add3A_202 = arith.addi %add3A_201, %add3A_12 : i32
      %get3A_203 = arith.index_cast %add3A_202 : i32 to index
      %get3A_204 = tpu.vector_load %arg7[%get3A_203] {strides = array<i32>} : memref<32768xf32, #tpu.memory_space<vmem>>, vector<16xf32>,
      %get3A_205 = vector.shape_cast %get3A_204 : vector<16xf32> to vector<16xf32>
      %gt3A_206 = arith.cmpf ogt, %get3A_205, %select_n3A_184 : vector<16xf32>
      %gt3A_207 = arith.cmpf ogt, %get3A_205, %select_n3A_181 : vector<16xf32>
      %select_n3A_208 = arith.select %gt3A_207, %get3A_205, %select_n3A_181 : vector<16xi1>, vector<16xf32>
      %select_n3A_209 = arith.select %gt3A_206, %select_n3A_184, %select_n3A_208 : vector<16xi1>, vector<16xf32>
      %select_n3A_210 = arith.select %gt3A_207, %broadcast_in_dim3A_200, %select_n3A_183 : vector<16xi1>, vector<16xi32>
      %select_n3A_211 = arith.select %gt3A_206, %select_n3A_185, %select_n3A_210 : vector<16xi1>, vector<16xi32>
      %select_n3A_212 = arith.select %gt3A_206, %get3A_205, %select_n3A_184 : vector<16xi1>, vector<16xf32>
      %select_n3A_213 = arith.select %gt3A_206, %broadcast_in_dim3A_200, %select_n3A_185 : vector<16xi1>, vector<16xi32>
      %add3A_214 = arith.constant 3584 : i32
      %add3A_215 = arith.addi %add3A_214, %add3A_16 : i32
      %get3A_216 = arith.index_cast %add3A_215 : i32 to index
      %get3A_217 = tpu.vector_load %arg7[%get3A_216] {strides = array<i32>} : memref<32768xf32, #tpu.memory_space<vmem>>, vector<16xf32>,
      %get3A_218 = vector.shape_cast %get3A_217 : vector<16xf32> to vector<16xf32>
      %gt3A_219 = arith.cmpf ogt, %get3A_218, %select_n3A_197 : vector<16xf32>
      %gt3A_220 = arith.cmpf ogt, %get3A_218, %select_n3A_194 : vector<16xf32>
      %select_n3A_221 = arith.select %gt3A_220, %get3A_218, %select_n3A_194 : vector<16xi1>, vector<16xf32>
      %select_n3A_222 = arith.select %gt3A_219, %select_n3A_197, %select_n3A_221 : vector<16xi1>, vector<16xf32>
      %select_n3A_223 = arith.select %gt3A_220, %broadcast_in_dim3A_200, %select_n3A_196 : vector<16xi1>, vector<16xi32>
      %select_n3A_224 = arith.select %gt3A_219, %select_n3A_198, %select_n3A_223 : vector<16xi1>, vector<16xi32>
      %select_n3A_225 = arith.select %gt3A_219, %get3A_218, %select_n3A_197 : vector<16xi1>, vector<16xf32>
      %select_n3A_226 = arith.select %gt3A_219, %broadcast_in_dim3A_200, %select_n3A_198 : vector<16xi1>, vector<16xi32>
      %broadcast_in_dim3A_227 = arith.constant 8 : i32
      %broadcast_in_dim3A_228 = vector.broadcast %broadcast_in_dim3A_227 : i32 to vector<16xi32>
      %add3A_229 = arith.constant 4096 : i32
      %add3A_230 = arith.addi %add3A_229, %add3A_12 : i32
      %get3A_231 = arith.index_cast %add3A_230 : i32 to index
      %get3A_232 = tpu.vector_load %arg7[%get3A_231] {strides = array<i32>} : memref<32768xf32, #tpu.memory_space<vmem>>, vector<16xf32>,
      %get3A_233 = vector.shape_cast %get3A_232 : vector<16xf32> to vector<16xf32>
      %gt3A_234 = arith.cmpf ogt, %get3A_233, %select_n3A_212 : vector<16xf32>
      %gt3A_235 = arith.cmpf ogt, %get3A_233, %select_n3A_209 : vector<16xf32>
      %select_n3A_236 = arith.select %gt3A_235, %get3A_233, %select_n3A_209 : vector<16xi1>, vector<16xf32>
      %select_n3A_237 = arith.select %gt3A_234, %select_n3A_212, %select_n3A_236 : vector<16xi1>, vector<16xf32>
      %select_n3A_238 = arith.select %gt3A_235, %broadcast_in_dim3A_228, %select_n3A_211 : vector<16xi1>, vector<16xi32>
      %select_n3A_239 = arith.select %gt3A_234, %select_n3A_213, %select_n3A_238 : vector<16xi1>, vector<16xi32>
      %select_n3A_240 = arith.select %gt3A_234, %get3A_233, %select_n3A_212 : vector<16xi1>, vector<16xf32>
      %select_n3A_241 = arith.select %gt3A_234, %broadcast_in_dim3A_228, %select_n3A_213 : vector<16xi1>, vector<16xi32>
      %add3A_242 = arith.constant 4096 : i32
      %add3A_243 = arith.addi %add3A_242, %add3A_16 : i32
      %get3A_244 = arith.index_cast %add3A_243 : i32 to index
      %get3A_245 = tpu.vector_load %arg7[%get3A_244] {strides = array<i32>} : memref<32768xf32, #tpu.memory_space<vmem>>, vector<16xf32>,
      %get3A_246 = vector.shape_cast %get3A_245 : vector<16xf32> to vector<16xf32>
      %gt3A_247 = arith.cmpf ogt, %get3A_246, %select_n3A_225 : vector<16xf32>
      %gt3A_248 = arith.cmpf ogt, %get3A_246, %select_n3A_222 : vector<16xf32>
      %select_n3A_249 = arith.select %gt3A_248, %get3A_246, %select_n3A_222 : vector<16xi1>, vector<16xf32>
      %select_n3A_250 = arith.select %gt3A_247, %select_n3A_225, %select_n3A_249 : vector<16xi1>, vector<16xf32>
      %select_n3A_251 = arith.select %gt3A_248, %broadcast_in_dim3A_228, %select_n3A_224 : vector<16xi1>, vector<16xi32>
      %select_n3A_252 = arith.select %gt3A_247, %select_n3A_226, %select_n3A_251 : vector<16xi1>, vector<16xi32>
      %select_n3A_253 = arith.select %gt3A_247, %get3A_246, %select_n3A_225 : vector<16xi1>, vector<16xf32>
      %select_n3A_254 = arith.select %gt3A_247, %broadcast_in_dim3A_228, %select_n3A_226 : vector<16xi1>, vector<16xi32>
      %broadcast_in_dim3A_255 = arith.constant 9 : i32
      %broadcast_in_dim3A_256 = vector.broadcast %broadcast_in_dim3A_255 : i32 to vector<16xi32>
      %add3A_257 = arith.constant 4608 : i32
      %add3A_258 = arith.addi %add3A_257, %add3A_12 : i32
      %get3A_259 = arith.index_cast %add3A_258 : i32 to index
      %get3A_260 = tpu.vector_load %arg7[%get3A_259] {strides = array<i32>} : memref<32768xf32, #tpu.memory_space<vmem>>, vector<16xf32>,
      %get3A_261 = vector.shape_cast %get3A_260 : vector<16xf32> to vector<16xf32>
      %gt3A_262 = arith.cmpf ogt, %get3A_261, %select_n3A_240 : vector<16xf32>
      %gt3A_263 = arith.cmpf ogt, %get3A_261, %select_n3A_237 : vector<16xf32>
      %select_n3A_264 = arith.select %gt3A_263, %get3A_261, %select_n3A_237 : vector<16xi1>, vector<16xf32>
      %select_n3A_265 = arith.select %gt3A_262, %select_n3A_240, %select_n3A_264 : vector<16xi1>, vector<16xf32>
      %select_n3A_266 = arith.select %gt3A_263, %broadcast_in_dim3A_256, %select_n3A_239 : vector<16xi1>, vector<16xi32>
      %select_n3A_267 = arith.select %gt3A_262, %select_n3A_241, %select_n3A_266 : vector<16xi1>, vector<16xi32>
      %select_n3A_268 = arith.select %gt3A_262, %get3A_261, %select_n3A_240 : vector<16xi1>, vector<16xf32>
      %select_n3A_269 = arith.select %gt3A_262, %broadcast_in_dim3A_256, %select_n3A_241 : vector<16xi1>, vector<16xi32>
      %add3A_270 = arith.constant 4608 : i32
      %add3A_271 = arith.addi %add3A_270, %add3A_16 : i32
      %get3A_272 = arith.index_cast %add3A_271 : i32 to index
      %get3A_273 = tpu.vector_load %arg7[%get3A_272] {strides = array<i32>} : memref<32768xf32, #tpu.memory_space<vmem>>, vector<16xf32>,
      %get3A_274 = vector.shape_cast %get3A_273 : vector<16xf32> to vector<16xf32>
      %gt3A_275 = arith.cmpf ogt, %get3A_274, %select_n3A_253 : vector<16xf32>
      %gt3A_276 = arith.cmpf ogt, %get3A_274, %select_n3A_250 : vector<16xf32>
      %select_n3A_277 = arith.select %gt3A_276, %get3A_274, %select_n3A_250 : vector<16xi1>, vector<16xf32>
      %select_n3A_278 = arith.select %gt3A_275, %select_n3A_253, %select_n3A_277 : vector<16xi1>, vector<16xf32>
      %select_n3A_279 = arith.select %gt3A_276, %broadcast_in_dim3A_256, %select_n3A_252 : vector<16xi1>, vector<16xi32>
      %select_n3A_280 = arith.select %gt3A_275, %select_n3A_254, %select_n3A_279 : vector<16xi1>, vector<16xi32>
      %select_n3A_281 = arith.select %gt3A_275, %get3A_274, %select_n3A_253 : vector<16xi1>, vector<16xf32>
      %select_n3A_282 = arith.select %gt3A_275, %broadcast_in_dim3A_256, %select_n3A_254 : vector<16xi1>, vector<16xi32>
      %broadcast_in_dim3A_283 = arith.constant 10 : i32
      %broadcast_in_dim3A_284 = vector.broadcast %broadcast_in_dim3A_283 : i32 to vector<16xi32>
      %add3A_285 = arith.constant 5120 : i32
      %add3A_286 = arith.addi %add3A_285, %add3A_12 : i32
      %get3A_287 = arith.index_cast %add3A_286 : i32 to index
      %get3A_288 = tpu.vector_load %arg7[%get3A_287] {strides = array<i32>} : memref<32768xf32, #tpu.memory_space<vmem>>, vector<16xf32>,
      %get3A_289 = vector.shape_cast %get3A_288 : vector<16xf32> to vector<16xf32>
      %gt3A_290 = arith.cmpf ogt, %get3A_289, %select_n3A_268 : vector<16xf32>
      %gt3A_291 = arith.cmpf ogt, %get3A_289, %select_n3A_265 : vector<16xf32>
      %select_n3A_292 = arith.select %gt3A_291, %get3A_289, %select_n3A_265 : vector<16xi1>, vector<16xf32>
      %select_n3A_293 = arith.select %gt3A_290, %select_n3A_268, %select_n3A_292 : vector<16xi1>, vector<16xf32>
      %select_n3A_294 = arith.select %gt3A_291, %broadcast_in_dim3A_284, %select_n3A_267 : vector<16xi1>, vector<16xi32>
      %select_n3A_295 = arith.select %gt3A_290, %select_n3A_269, %select_n3A_294 : vector<16xi1>, vector<16xi32>
      %select_n3A_296 = arith.select %gt3A_290, %get3A_289, %select_n3A_268 : vector<16xi1>, vector<16xf32>
      %select_n3A_297 = arith.select %gt3A_290, %broadcast_in_dim3A_284, %select_n3A_269 : vector<16xi1>, vector<16xi32>
      %add3A_298 = arith.constant 5120 : i32
      %add3A_299 = arith.addi %add3A_298, %add3A_16 : i32
      %get3A_300 = arith.index_cast %add3A_299 : i32 to index
      %get3A_301 = tpu.vector_load %arg7[%get3A_300] {strides = array<i32>} : memref<32768xf32, #tpu.memory_space<vmem>>, vector<16xf32>,
      %get3A_302 = vector.shape_cast %get3A_301 : vector<16xf32> to vector<16xf32>
      %gt3A_303 = arith.cmpf ogt, %get3A_302, %select_n3A_281 : vector<16xf32>
      %gt3A_304 = arith.cmpf ogt, %get3A_302, %select_n3A_278 : vector<16xf32>
      %select_n3A_305 = arith.select %gt3A_304, %get3A_302, %select_n3A_278 : vector<16xi1>, vector<16xf32>
      %select_n3A_306 = arith.select %gt3A_303, %select_n3A_281, %select_n3A_305 : vector<16xi1>, vector<16xf32>
      %select_n3A_307 = arith.select %gt3A_304, %broadcast_in_dim3A_284, %select_n3A_280 : vector<16xi1>, vector<16xi32>
      %select_n3A_308 = arith.select %gt3A_303, %select_n3A_282, %select_n3A_307 : vector<16xi1>, vector<16xi32>
      %select_n3A_309 = arith.select %gt3A_303, %get3A_302, %select_n3A_281 : vector<16xi1>, vector<16xf32>
      %select_n3A_310 = arith.select %gt3A_303, %broadcast_in_dim3A_284, %select_n3A_282 : vector<16xi1>, vector<16xi32>
      %broadcast_in_dim3A_311 = arith.constant 11 : i32
      %broadcast_in_dim3A_312 = vector.broadcast %broadcast_in_dim3A_311 : i32 to vector<16xi32>
      %add3A_313 = arith.constant 5632 : i32
      %add3A_314 = arith.addi %add3A_313, %add3A_12 : i32
      %get3A_315 = arith.index_cast %add3A_314 : i32 to index
      %get3A_316 = tpu.vector_load %arg7[%get3A_315] {strides = array<i32>} : memref<32768xf32, #tpu.memory_space<vmem>>, vector<16xf32>,
      %get3A_317 = vector.shape_cast %get3A_316 : vector<16xf32> to vector<16xf32>
      %gt3A_318 = arith.cmpf ogt, %get3A_317, %select_n3A_296 : vector<16xf32>
      %gt3A_319 = arith.cmpf ogt, %get3A_317, %select_n3A_293 : vector<16xf32>
      %select_n3A_320 = arith.select %gt3A_319, %get3A_317, %select_n3A_293 : vector<16xi1>, vector<16xf32>
      %select_n3A_321 = arith.select %gt3A_318, %select_n3A_296, %select_n3A_320 : vector<16xi1>, vector<16xf32>
      %select_n3A_322 = arith.select %gt3A_319, %broadcast_in_dim3A_312, %select_n3A_295 : vector<16xi1>, vector<16xi32>
      %select_n3A_323 = arith.select %gt3A_318, %select_n3A_297, %select_n3A_322 : vector<16xi1>, vector<16xi32>
      %select_n3A_324 = arith.select %gt3A_318, %get3A_317, %select_n3A_296 : vector<16xi1>, vector<16xf32>
      %select_n3A_325 = arith.select %gt3A_318, %broadcast_in_dim3A_312, %select_n3A_297 : vector<16xi1>, vector<16xi32>
      %add3A_326 = arith.constant 5632 : i32
      %add3A_327 = arith.addi %add3A_326, %add3A_16 : i32
      %get3A_328 = arith.index_cast %add3A_327 : i32 to index
      %get3A_329 = tpu.vector_load %arg7[%get3A_328] {strides = array<i32>} : memref<32768xf32, #tpu.memory_space<vmem>>, vector<16xf32>,
      %get3A_330 = vector.shape_cast %get3A_329 : vector<16xf32> to vector<16xf32>
      %gt3A_331 = arith.cmpf ogt, %get3A_330, %select_n3A_309 : vector<16xf32>
      %gt3A_332 = arith.cmpf ogt, %get3A_330, %select_n3A_306 : vector<16xf32>
      %select_n3A_333 = arith.select %gt3A_332, %get3A_330, %select_n3A_306 : vector<16xi1>, vector<16xf32>
      %select_n3A_334 = arith.select %gt3A_331, %select_n3A_309, %select_n3A_333 : vector<16xi1>, vector<16xf32>
      %select_n3A_335 = arith.select %gt3A_332, %broadcast_in_dim3A_312, %select_n3A_308 : vector<16xi1>, vector<16xi32>
      %select_n3A_336 = arith.select %gt3A_331, %select_n3A_310, %select_n3A_335 : vector<16xi1>, vector<16xi32>
      %select_n3A_337 = arith.select %gt3A_331, %get3A_330, %select_n3A_309 : vector<16xi1>, vector<16xf32>
      %select_n3A_338 = arith.select %gt3A_331, %broadcast_in_dim3A_312, %select_n3A_310 : vector<16xi1>, vector<16xi32>
      %broadcast_in_dim3A_339 = arith.constant 12 : i32
      %broadcast_in_dim3A_340 = vector.broadcast %broadcast_in_dim3A_339 : i32 to vector<16xi32>
      %add3A_341 = arith.constant 6144 : i32
      %add3A_342 = arith.addi %add3A_341, %add3A_12 : i32
      %get3A_343 = arith.index_cast %add3A_342 : i32 to index
      %get3A_344 = tpu.vector_load %arg7[%get3A_343] {strides = array<i32>} : memref<32768xf32, #tpu.memory_space<vmem>>, vector<16xf32>,
      %get3A_345 = vector.shape_cast %get3A_344 : vector<16xf32> to vector<16xf32>
      %gt3A_346 = arith.cmpf ogt, %get3A_345, %select_n3A_324 : vector<16xf32>
      %gt3A_347 = arith.cmpf ogt, %get3A_345, %select_n3A_321 : vector<16xf32>
      %select_n3A_348 = arith.select %gt3A_347, %get3A_345, %select_n3A_321 : vector<16xi1>, vector<16xf32>
      %select_n3A_349 = arith.select %gt3A_346, %select_n3A_324, %select_n3A_348 : vector<16xi1>, vector<16xf32>
      %select_n3A_350 = arith.select %gt3A_347, %broadcast_in_dim3A_340, %select_n3A_323 : vector<16xi1>, vector<16xi32>
      %select_n3A_351 = arith.select %gt3A_346, %select_n3A_325, %select_n3A_350 : vector<16xi1>, vector<16xi32>
      %select_n3A_352 = arith.select %gt3A_346, %get3A_345, %select_n3A_324 : vector<16xi1>, vector<16xf32>
      %select_n3A_353 = arith.select %gt3A_346, %broadcast_in_dim3A_340, %select_n3A_325 : vector<16xi1>, vector<16xi32>
      %add3A_354 = arith.constant 6144 : i32
      %add3A_355 = arith.addi %add3A_354, %add3A_16 : i32
      %get3A_356 = arith.index_cast %add3A_355 : i32 to index
      %get3A_357 = tpu.vector_load %arg7[%get3A_356] {strides = array<i32>} : memref<32768xf32, #tpu.memory_space<vmem>>, vector<16xf32>,
      %get3A_358 = vector.shape_cast %get3A_357 : vector<16xf32> to vector<16xf32>
      %gt3A_359 = arith.cmpf ogt, %get3A_358, %select_n3A_337 : vector<16xf32>
      %gt3A_360 = arith.cmpf ogt, %get3A_358, %select_n3A_334 : vector<16xf32>
      %select_n3A_361 = arith.select %gt3A_360, %get3A_358, %select_n3A_334 : vector<16xi1>, vector<16xf32>
      %select_n3A_362 = arith.select %gt3A_359, %select_n3A_337, %select_n3A_361 : vector<16xi1>, vector<16xf32>
      %select_n3A_363 = arith.select %gt3A_360, %broadcast_in_dim3A_340, %select_n3A_336 : vector<16xi1>, vector<16xi32>
      %select_n3A_364 = arith.select %gt3A_359, %select_n3A_338, %select_n3A_363 : vector<16xi1>, vector<16xi32>
      %select_n3A_365 = arith.select %gt3A_359, %get3A_358, %select_n3A_337 : vector<16xi1>, vector<16xf32>
      %select_n3A_366 = arith.select %gt3A_359, %broadcast_in_dim3A_340, %select_n3A_338 : vector<16xi1>, vector<16xi32>
      %broadcast_in_dim3A_367 = arith.constant 13 : i32
      %broadcast_in_dim3A_368 = vector.broadcast %broadcast_in_dim3A_367 : i32 to vector<16xi32>
      %add3A_369 = arith.constant 6656 : i32
      %add3A_370 = arith.addi %add3A_369, %add3A_12 : i32
      %get3A_371 = arith.index_cast %add3A_370 : i32 to index
      %get3A_372 = tpu.vector_load %arg7[%get3A_371] {strides = array<i32>} : memref<32768xf32, #tpu.memory_space<vmem>>, vector<16xf32>,
      %get3A_373 = vector.shape_cast %get3A_372 : vector<16xf32> to vector<16xf32>
      %gt3A_374 = arith.cmpf ogt, %get3A_373, %select_n3A_352 : vector<16xf32>
      %gt3A_375 = arith.cmpf ogt, %get3A_373, %select_n3A_349 : vector<16xf32>
      %select_n3A_376 = arith.select %gt3A_375, %get3A_373, %select_n3A_349 : vector<16xi1>, vector<16xf32>
      %select_n3A_377 = arith.select %gt3A_374, %select_n3A_352, %select_n3A_376 : vector<16xi1>, vector<16xf32>
      %select_n3A_378 = arith.select %gt3A_375, %broadcast_in_dim3A_368, %select_n3A_351 : vector<16xi1>, vector<16xi32>
      %select_n3A_379 = arith.select %gt3A_374, %select_n3A_353, %select_n3A_378 : vector<16xi1>, vector<16xi32>
      %select_n3A_380 = arith.select %gt3A_374, %get3A_373, %select_n3A_352 : vector<16xi1>, vector<16xf32>
      %select_n3A_381 = arith.select %gt3A_374, %broadcast_in_dim3A_368, %select_n3A_353 : vector<16xi1>, vector<16xi32>
      %add3A_382 = arith.constant 6656 : i32
      %add3A_383 = arith.addi %add3A_382, %add3A_16 : i32
      %get3A_384 = arith.index_cast %add3A_383 : i32 to index
      %get3A_385 = tpu.vector_load %arg7[%get3A_384] {strides = array<i32>} : memref<32768xf32, #tpu.memory_space<vmem>>, vector<16xf32>,
      %get3A_386 = vector.shape_cast %get3A_385 : vector<16xf32> to vector<16xf32>
      %gt3A_387 = arith.cmpf ogt, %get3A_386, %select_n3A_365 : vector<16xf32>
      %gt3A_388 = arith.cmpf ogt, %get3A_386, %select_n3A_362 : vector<16xf32>
      %select_n3A_389 = arith.select %gt3A_388, %get3A_386, %select_n3A_362 : vector<16xi1>, vector<16xf32>
      %select_n3A_390 = arith.select %gt3A_387, %select_n3A_365, %select_n3A_389 : vector<16xi1>, vector<16xf32>
      %select_n3A_391 = arith.select %gt3A_388, %broadcast_in_dim3A_368, %select_n3A_364 : vector<16xi1>, vector<16xi32>
      %select_n3A_392 = arith.select %gt3A_387, %select_n3A_366, %select_n3A_391 : vector<16xi1>, vector<16xi32>
      %select_n3A_393 = arith.select %gt3A_387, %get3A_386, %select_n3A_365 : vector<16xi1>, vector<16xf32>
      %select_n3A_394 = arith.select %gt3A_387, %broadcast_in_dim3A_368, %select_n3A_366 : vector<16xi1>, vector<16xi32>
      %broadcast_in_dim3A_395 = arith.constant 14 : i32
      %broadcast_in_dim3A_396 = vector.broadcast %broadcast_in_dim3A_395 : i32 to vector<16xi32>
      %add3A_397 = arith.constant 7168 : i32
      %add3A_398 = arith.addi %add3A_397, %add3A_12 : i32
      %get3A_399 = arith.index_cast %add3A_398 : i32 to index
      %get3A_400 = tpu.vector_load %arg7[%get3A_399] {strides = array<i32>} : memref<32768xf32, #tpu.memory_space<vmem>>, vector<16xf32>,
      %get3A_401 = vector.shape_cast %get3A_400 : vector<16xf32> to vector<16xf32>
      %gt3A_402 = arith.cmpf ogt, %get3A_401, %select_n3A_380 : vector<16xf32>
      %gt3A_403 = arith.cmpf ogt, %get3A_401, %select_n3A_377 : vector<16xf32>
      %select_n3A_404 = arith.select %gt3A_403, %get3A_401, %select_n3A_377 : vector<16xi1>, vector<16xf32>
      %select_n3A_405 = arith.select %gt3A_402, %select_n3A_380, %select_n3A_404 : vector<16xi1>, vector<16xf32>
      %select_n3A_406 = arith.select %gt3A_403, %broadcast_in_dim3A_396, %select_n3A_379 : vector<16xi1>, vector<16xi32>
      %select_n3A_407 = arith.select %gt3A_402, %select_n3A_381, %select_n3A_406 : vector<16xi1>, vector<16xi32>
      %select_n3A_408 = arith.select %gt3A_402, %get3A_401, %select_n3A_380 : vector<16xi1>, vector<16xf32>
      %select_n3A_409 = arith.select %gt3A_402, %broadcast_in_dim3A_396, %select_n3A_381 : vector<16xi1>, vector<16xi32>
      %add3A_410 = arith.constant 7168 : i32
      %add3A_411 = arith.addi %add3A_410, %add3A_16 : i32
      %get3A_412 = arith.index_cast %add3A_411 : i32 to index
      %get3A_413 = tpu.vector_load %arg7[%get3A_412] {strides = array<i32>} : memref<32768xf32, #tpu.memory_space<vmem>>, vector<16xf32>,
      %get3A_414 = vector.shape_cast %get3A_413 : vector<16xf32> to vector<16xf32>
      %gt3A_415 = arith.cmpf ogt, %get3A_414, %select_n3A_393 : vector<16xf32>
      %gt3A_416 = arith.cmpf ogt, %get3A_414, %select_n3A_390 : vector<16xf32>
      %select_n3A_417 = arith.select %gt3A_416, %get3A_414, %select_n3A_390 : vector<16xi1>, vector<16xf32>
      %select_n3A_418 = arith.select %gt3A_415, %select_n3A_393, %select_n3A_417 : vector<16xi1>, vector<16xf32>
      %select_n3A_419 = arith.select %gt3A_416, %broadcast_in_dim3A_396, %select_n3A_392 : vector<16xi1>, vector<16xi32>
      %select_n3A_420 = arith.select %gt3A_415, %select_n3A_394, %select_n3A_419 : vector<16xi1>, vector<16xi32>
      %select_n3A_421 = arith.select %gt3A_415, %get3A_414, %select_n3A_393 : vector<16xi1>, vector<16xf32>
      %select_n3A_422 = arith.select %gt3A_415, %broadcast_in_dim3A_396, %select_n3A_394 : vector<16xi1>, vector<16xi32>
      %broadcast_in_dim3A_423 = arith.constant 15 : i32
      %broadcast_in_dim3A_424 = vector.broadcast %broadcast_in_dim3A_423 : i32 to vector<16xi32>
      %add3A_425 = arith.constant 7680 : i32
      %add3A_426 = arith.addi %add3A_425, %add3A_12 : i32
      %get3A_427 = arith.index_cast %add3A_426 : i32 to index
      %get3A_428 = tpu.vector_load %arg7[%get3A_427] {strides = array<i32>} : memref<32768xf32, #tpu.memory_space<vmem>>, vector<16xf32>,
      %get3A_429 = vector.shape_cast %get3A_428 : vector<16xf32> to vector<16xf32>
      %gt3A_430 = arith.cmpf ogt, %get3A_429, %select_n3A_408 : vector<16xf32>
      %gt3A_431 = arith.cmpf ogt, %get3A_429, %select_n3A_405 : vector<16xf32>
      %select_n3A_432 = arith.select %gt3A_431, %get3A_429, %select_n3A_405 : vector<16xi1>, vector<16xf32>
      %select_n3A_433 = arith.select %gt3A_430, %select_n3A_408, %select_n3A_432 : vector<16xi1>, vector<16xf32>
      %select_n3A_434 = arith.select %gt3A_431, %broadcast_in_dim3A_424, %select_n3A_407 : vector<16xi1>, vector<16xi32>
      %select_n3A_435 = arith.select %gt3A_430, %select_n3A_409, %select_n3A_434 : vector<16xi1>, vector<16xi32>
      %select_n3A_436 = arith.select %gt3A_430, %get3A_429, %select_n3A_408 : vector<16xi1>, vector<16xf32>
      %select_n3A_437 = arith.select %gt3A_430, %broadcast_in_dim3A_424, %select_n3A_409 : vector<16xi1>, vector<16xi32>
      %add3A_438 = arith.constant 7680 : i32
      %add3A_439 = arith.addi %add3A_438, %add3A_16 : i32
      %get3A_440 = arith.index_cast %add3A_439 : i32 to index
      %get3A_441 = tpu.vector_load %arg7[%get3A_440] {strides = array<i32>} : memref<32768xf32, #tpu.memory_space<vmem>>, vector<16xf32>,
      %get3A_442 = vector.shape_cast %get3A_441 : vector<16xf32> to vector<16xf32>
      %gt3A_443 = arith.cmpf ogt, %get3A_442, %select_n3A_421 : vector<16xf32>
      %gt3A_444 = arith.cmpf ogt, %get3A_442, %select_n3A_418 : vector<16xf32>
      %select_n3A_445 = arith.select %gt3A_444, %get3A_442, %select_n3A_418 : vector<16xi1>, vector<16xf32>
      %select_n3A_446 = arith.select %gt3A_443, %select_n3A_421, %select_n3A_445 : vector<16xi1>, vector<16xf32>
      %select_n3A_447 = arith.select %gt3A_444, %broadcast_in_dim3A_424, %select_n3A_420 : vector<16xi1>, vector<16xi32>
      %select_n3A_448 = arith.select %gt3A_443, %select_n3A_422, %select_n3A_447 : vector<16xi1>, vector<16xi32>
      %select_n3A_449 = arith.select %gt3A_443, %get3A_442, %select_n3A_421 : vector<16xi1>, vector<16xf32>
      %select_n3A_450 = arith.select %gt3A_443, %broadcast_in_dim3A_424, %select_n3A_422 : vector<16xi1>, vector<16xi32>
      %broadcast_in_dim3A_451 = arith.constant 16 : i32
      %broadcast_in_dim3A_452 = vector.broadcast %broadcast_in_dim3A_451 : i32 to vector<16xi32>
      %add3A_453 = arith.constant 8192 : i32
      %add3A_454 = arith.addi %add3A_453, %add3A_12 : i32
      %get3A_455 = arith.index_cast %add3A_454 : i32 to index
      %get3A_456 = tpu.vector_load %arg7[%get3A_455] {strides = array<i32>} : memref<32768xf32, #tpu.memory_space<vmem>>, vector<16xf32>,
      %get3A_457 = vector.shape_cast %get3A_456 : vector<16xf32> to vector<16xf32>
      %gt3A_458 = arith.cmpf ogt, %get3A_457, %select_n3A_436 : vector<16xf32>
      %gt3A_459 = arith.cmpf ogt, %get3A_457, %select_n3A_433 : vector<16xf32>
      %select_n3A_460 = arith.select %gt3A_459, %get3A_457, %select_n3A_433 : vector<16xi1>, vector<16xf32>
      %select_n3A_461 = arith.select %gt3A_458, %select_n3A_436, %select_n3A_460 : vector<16xi1>, vector<16xf32>
      %select_n3A_462 = arith.select %gt3A_459, %broadcast_in_dim3A_452, %select_n3A_435 : vector<16xi1>, vector<16xi32>
      %select_n3A_463 = arith.select %gt3A_458, %select_n3A_437, %select_n3A_462 : vector<16xi1>, vector<16xi32>
      %select_n3A_464 = arith.select %gt3A_458, %get3A_457, %select_n3A_436 : vector<16xi1>, vector<16xf32>
      %select_n3A_465 = arith.select %gt3A_458, %broadcast_in_dim3A_452, %select_n3A_437 : vector<16xi1>, vector<16xi32>
      %add3A_466 = arith.constant 8192 : i32
      %add3A_467 = arith.addi %add3A_466, %add3A_16 : i32
      %get3A_468 = arith.index_cast %add3A_467 : i32 to index
      %get3A_469 = tpu.vector_load %arg7[%get3A_468] {strides = array<i32>} : memref<32768xf32, #tpu.memory_space<vmem>>, vector<16xf32>,
      %get3A_470 = vector.shape_cast %get3A_469 : vector<16xf32> to vector<16xf32>
      %gt3A_471 = arith.cmpf ogt, %get3A_470, %select_n3A_449 : vector<16xf32>
      %gt3A_472 = arith.cmpf ogt, %get3A_470, %select_n3A_446 : vector<16xf32>
      %select_n3A_473 = arith.select %gt3A_472, %get3A_470, %select_n3A_446 : vector<16xi1>, vector<16xf32>
      %select_n3A_474 = arith.select %gt3A_471, %select_n3A_449, %select_n3A_473 : vector<16xi1>, vector<16xf32>
      %select_n3A_475 = arith.select %gt3A_472, %broadcast_in_dim3A_452, %select_n3A_448 : vector<16xi1>, vector<16xi32>
      %select_n3A_476 = arith.select %gt3A_471, %select_n3A_450, %select_n3A_475 : vector<16xi1>, vector<16xi32>
      %select_n3A_477 = arith.select %gt3A_471, %get3A_470, %select_n3A_449 : vector<16xi1>, vector<16xf32>
      %select_n3A_478 = arith.select %gt3A_471, %broadcast_in_dim3A_452, %select_n3A_450 : vector<16xi1>, vector<16xi32>
      %broadcast_in_dim3A_479 = arith.constant 17 : i32
      %broadcast_in_dim3A_480 = vector.broadcast %broadcast_in_dim3A_479 : i32 to vector<16xi32>
      %add3A_481 = arith.constant 8704 : i32
      %add3A_482 = arith.addi %add3A_481, %add3A_12 : i32
      %get3A_483 = arith.index_cast %add3A_482 : i32 to index
      %get3A_484 = tpu.vector_load %arg7[%get3A_483] {strides = array<i32>} : memref<32768xf32, #tpu.memory_space<vmem>>, vector<16xf32>,
      %get3A_485 = vector.shape_cast %get3A_484 : vector<16xf32> to vector<16xf32>
      %gt3A_486 = arith.cmpf ogt, %get3A_485, %select_n3A_464 : vector<16xf32>
      %gt3A_487 = arith.cmpf ogt, %get3A_485, %select_n3A_461 : vector<16xf32>
      %select_n3A_488 = arith.select %gt3A_487, %get3A_485, %select_n3A_461 : vector<16xi1>, vector<16xf32>
      %select_n3A_489 = arith.select %gt3A_486, %select_n3A_464, %select_n3A_488 : vector<16xi1>, vector<16xf32>
      %select_n3A_490 = arith.select %gt3A_487, %broadcast_in_dim3A_480, %select_n3A_463 : vector<16xi1>, vector<16xi32>
      %select_n3A_491 = arith.select %gt3A_486, %select_n3A_465, %select_n3A_490 : vector<16xi1>, vector<16xi32>
      %select_n3A_492 = arith.select %gt3A_486, %get3A_485, %select_n3A_464 : vector<16xi1>, vector<16xf32>
      %select_n3A_493 = arith.select %gt3A_486, %broadcast_in_dim3A_480, %select_n3A_465 : vector<16xi1>, vector<16xi32>
      %add3A_494 = arith.constant 8704 : i32
      %add3A_495 = arith.addi %add3A_494, %add3A_16 : i32
      %get3A_496 = arith.index_cast %add3A_495 : i32 to index
      %get3A_497 = tpu.vector_load %arg7[%get3A_496] {strides = array<i32>} : memref<32768xf32, #tpu.memory_space<vmem>>, vector<16xf32>,
      %get3A_498 = vector.shape_cast %get3A_497 : vector<16xf32> to vector<16xf32>
      %gt3A_499 = arith.cmpf ogt, %get3A_498, %select_n3A_477 : vector<16xf32>
      %gt3A_500 = arith.cmpf ogt, %get3A_498, %select_n3A_474 : vector<16xf32>
      %select_n3A_501 = arith.select %gt3A_500, %get3A_498, %select_n3A_474 : vector<16xi1>, vector<16xf32>
      %select_n3A_502 = arith.select %gt3A_499, %select_n3A_477, %select_n3A_501 : vector<16xi1>, vector<16xf32>
      %select_n3A_503 = arith.select %gt3A_500, %broadcast_in_dim3A_480, %select_n3A_476 : vector<16xi1>, vector<16xi32>
      %select_n3A_504 = arith.select %gt3A_499, %select_n3A_478, %select_n3A_503 : vector<16xi1>, vector<16xi32>
      %select_n3A_505 = arith.select %gt3A_499, %get3A_498, %select_n3A_477 : vector<16xi1>, vector<16xf32>
      %select_n3A_506 = arith.select %gt3A_499, %broadcast_in_dim3A_480, %select_n3A_478 : vector<16xi1>, vector<16xi32>
      %broadcast_in_dim3A_507 = arith.constant 18 : i32
      %broadcast_in_dim3A_508 = vector.broadcast %broadcast_in_dim3A_507 : i32 to vector<16xi32>
      %add3A_509 = arith.constant 9216 : i32
      %add3A_510 = arith.addi %add3A_509, %add3A_12 : i32
      %get3A_511 = arith.index_cast %add3A_510 : i32 to index
      %get3A_512 = tpu.vector_load %arg7[%get3A_511] {strides = array<i32>} : memref<32768xf32, #tpu.memory_space<vmem>>, vector<16xf32>,
      %get3A_513 = vector.shape_cast %get3A_512 : vector<16xf32> to vector<16xf32>
      %gt3A_514 = arith.cmpf ogt, %get3A_513, %select_n3A_492 : vector<16xf32>
      %gt3A_515 = arith.cmpf ogt, %get3A_513, %select_n3A_489 : vector<16xf32>
      %select_n3A_516 = arith.select %gt3A_515, %get3A_513, %select_n3A_489 : vector<16xi1>, vector<16xf32>
      %select_n3A_517 = arith.select %gt3A_514, %select_n3A_492, %select_n3A_516 : vector<16xi1>, vector<16xf32>
      %select_n3A_518 = arith.select %gt3A_515, %broadcast_in_dim3A_508, %select_n3A_491 : vector<16xi1>, vector<16xi32>
      %select_n3A_519 = arith.select %gt3A_514, %select_n3A_493, %select_n3A_518 : vector<16xi1>, vector<16xi32>
      %select_n3A_520 = arith.select %gt3A_514, %get3A_513, %select_n3A_492 : vector<16xi1>, vector<16xf32>
      %select_n3A_521 = arith.select %gt3A_514, %broadcast_in_dim3A_508, %select_n3A_493 : vector<16xi1>, vector<16xi32>
      %add3A_522 = arith.constant 9216 : i32
      %add3A_523 = arith.addi %add3A_522, %add3A_16 : i32
      %get3A_524 = arith.index_cast %add3A_523 : i32 to index
      %get3A_525 = tpu.vector_load %arg7[%get3A_524] {strides = array<i32>} : memref<32768xf32, #tpu.memory_space<vmem>>, vector<16xf32>,
      %get3A_526 = vector.shape_cast %get3A_525 : vector<16xf32> to vector<16xf32>
      %gt3A_527 = arith.cmpf ogt, %get3A_526, %select_n3A_505 : vector<16xf32>
      %gt3A_528 = arith.cmpf ogt, %get3A_526, %select_n3A_502 : vector<16xf32>
      %select_n3A_529 = arith.select %gt3A_528, %get3A_526, %select_n3A_502 : vector<16xi1>, vector<16xf32>
      %select_n3A_530 = arith.select %gt3A_527, %select_n3A_505, %select_n3A_529 : vector<16xi1>, vector<16xf32>
      %select_n3A_531 = arith.select %gt3A_528, %broadcast_in_dim3A_508, %select_n3A_504 : vector<16xi1>, vector<16xi32>
      %select_n3A_532 = arith.select %gt3A_527, %select_n3A_506, %select_n3A_531 : vector<16xi1>, vector<16xi32>
      %select_n3A_533 = arith.select %gt3A_527, %get3A_526, %select_n3A_505 : vector<16xi1>, vector<16xf32>
      %select_n3A_534 = arith.select %gt3A_527, %broadcast_in_dim3A_508, %select_n3A_506 : vector<16xi1>, vector<16xi32>
      %broadcast_in_dim3A_535 = arith.constant 19 : i32
      %broadcast_in_dim3A_536 = vector.broadcast %broadcast_in_dim3A_535 : i32 to vector<16xi32>
      %add3A_537 = arith.constant 9728 : i32
      %add3A_538 = arith.addi %add3A_537, %add3A_12 : i32
      %get3A_539 = arith.index_cast %add3A_538 : i32 to index
      %get3A_540 = tpu.vector_load %arg7[%get3A_539] {strides = array<i32>} : memref<32768xf32, #tpu.memory_space<vmem>>, vector<16xf32>,
      %get3A_541 = vector.shape_cast %get3A_540 : vector<16xf32> to vector<16xf32>
      %gt3A_542 = arith.cmpf ogt, %get3A_541, %select_n3A_520 : vector<16xf32>
      %gt3A_543 = arith.cmpf ogt, %get3A_541, %select_n3A_517 : vector<16xf32>
      %select_n3A_544 = arith.select %gt3A_543, %get3A_541, %select_n3A_517 : vector<16xi1>, vector<16xf32>
      %select_n3A_545 = arith.select %gt3A_542, %select_n3A_520, %select_n3A_544 : vector<16xi1>, vector<16xf32>
      %select_n3A_546 = arith.select %gt3A_543, %broadcast_in_dim3A_536, %select_n3A_519 : vector<16xi1>, vector<16xi32>
      %select_n3A_547 = arith.select %gt3A_542, %select_n3A_521, %select_n3A_546 : vector<16xi1>, vector<16xi32>
      %select_n3A_548 = arith.select %gt3A_542, %get3A_541, %select_n3A_520 : vector<16xi1>, vector<16xf32>
      %select_n3A_549 = arith.select %gt3A_542, %broadcast_in_dim3A_536, %select_n3A_521 : vector<16xi1>, vector<16xi32>
      %add3A_550 = arith.constant 9728 : i32
      %add3A_551 = arith.addi %add3A_550, %add3A_16 : i32
      %get3A_552 = arith.index_cast %add3A_551 : i32 to index
      %get3A_553 = tpu.vector_load %arg7[%get3A_552] {strides = array<i32>} : memref<32768xf32, #tpu.memory_space<vmem>>, vector<16xf32>,
      %get3A_554 = vector.shape_cast %get3A_553 : vector<16xf32> to vector<16xf32>
      %gt3A_555 = arith.cmpf ogt, %get3A_554, %select_n3A_533 : vector<16xf32>
      %gt3A_556 = arith.cmpf ogt, %get3A_554, %select_n3A_530 : vector<16xf32>
      %select_n3A_557 = arith.select %gt3A_556, %get3A_554, %select_n3A_530 : vector<16xi1>, vector<16xf32>
      %select_n3A_558 = arith.select %gt3A_555, %select_n3A_533, %select_n3A_557 : vector<16xi1>, vector<16xf32>
      %select_n3A_559 = arith.select %gt3A_556, %broadcast_in_dim3A_536, %select_n3A_532 : vector<16xi1>, vector<16xi32>
      %select_n3A_560 = arith.select %gt3A_555, %select_n3A_534, %select_n3A_559 : vector<16xi1>, vector<16xi32>
      %select_n3A_561 = arith.select %gt3A_555, %get3A_554, %select_n3A_533 : vector<16xi1>, vector<16xf32>
      %select_n3A_562 = arith.select %gt3A_555, %broadcast_in_dim3A_536, %select_n3A_534 : vector<16xi1>, vector<16xi32>
      %broadcast_in_dim3A_563 = arith.constant 20 : i32
      %broadcast_in_dim3A_564 = vector.broadcast %broadcast_in_dim3A_563 : i32 to vector<16xi32>
      %add3A_565 = arith.constant 10240 : i32
      %add3A_566 = arith.addi %add3A_565, %add3A_12 : i32
      %get3A_567 = arith.index_cast %add3A_566 : i32 to index
      %get3A_568 = tpu.vector_load %arg7[%get3A_567] {strides = array<i32>} : memref<32768xf32, #tpu.memory_space<vmem>>, vector<16xf32>,
      %get3A_569 = vector.shape_cast %get3A_568 : vector<16xf32> to vector<16xf32>
      %gt3A_570 = arith.cmpf ogt, %get3A_569, %select_n3A_548 : vector<16xf32>
      %gt3A_571 = arith.cmpf ogt, %get3A_569, %select_n3A_545 : vector<16xf32>
      %select_n3A_572 = arith.select %gt3A_571, %get3A_569, %select_n3A_545 : vector<16xi1>, vector<16xf32>
      %select_n3A_573 = arith.select %gt3A_570, %select_n3A_548, %select_n3A_572 : vector<16xi1>, vector<16xf32>
      %select_n3A_574 = arith.select %gt3A_571, %broadcast_in_dim3A_564, %select_n3A_547 : vector<16xi1>, vector<16xi32>
      %select_n3A_575 = arith.select %gt3A_570, %select_n3A_549, %select_n3A_574 : vector<16xi1>, vector<16xi32>
      %select_n3A_576 = arith.select %gt3A_570, %get3A_569, %select_n3A_548 : vector<16xi1>, vector<16xf32>
      %select_n3A_577 = arith.select %gt3A_570, %broadcast_in_dim3A_564, %select_n3A_549 : vector<16xi1>, vector<16xi32>
      %add3A_578 = arith.constant 10240 : i32
      %add3A_579 = arith.addi %add3A_578, %add3A_16 : i32
      %get3A_580 = arith.index_cast %add3A_579 : i32 to index
      %get3A_581 = tpu.vector_load %arg7[%get3A_580] {strides = array<i32>} : memref<32768xf32, #tpu.memory_space<vmem>>, vector<16xf32>,
      %get3A_582 = vector.shape_cast %get3A_581 : vector<16xf32> to vector<16xf32>
      %gt3A_583 = arith.cmpf ogt, %get3A_582, %select_n3A_561 : vector<16xf32>
      %gt3A_584 = arith.cmpf ogt, %get3A_582, %select_n3A_558 : vector<16xf32>
      %select_n3A_585 = arith.select %gt3A_584, %get3A_582, %select_n3A_558 : vector<16xi1>, vector<16xf32>
      %select_n3A_586 = arith.select %gt3A_583, %select_n3A_561, %select_n3A_585 : vector<16xi1>, vector<16xf32>
      %select_n3A_587 = arith.select %gt3A_584, %broadcast_in_dim3A_564, %select_n3A_560 : vector<16xi1>, vector<16xi32>
      %select_n3A_588 = arith.select %gt3A_583, %select_n3A_562, %select_n3A_587 : vector<16xi1>, vector<16xi32>
      %select_n3A_589 = arith.select %gt3A_583, %get3A_582, %select_n3A_561 : vector<16xi1>, vector<16xf32>
      %select_n3A_590 = arith.select %gt3A_583, %broadcast_in_dim3A_564, %select_n3A_562 : vector<16xi1>, vector<16xi32>
      %broadcast_in_dim3A_591 = arith.constant 21 : i32
      %broadcast_in_dim3A_592 = vector.broadcast %broadcast_in_dim3A_591 : i32 to vector<16xi32>
      %add3A_593 = arith.constant 10752 : i32
      %add3A_594 = arith.addi %add3A_593, %add3A_12 : i32
      %get3A_595 = arith.index_cast %add3A_594 : i32 to index
      %get3A_596 = tpu.vector_load %arg7[%get3A_595] {strides = array<i32>} : memref<32768xf32, #tpu.memory_space<vmem>>, vector<16xf32>,
      %get3A_597 = vector.shape_cast %get3A_596 : vector<16xf32> to vector<16xf32>
      %gt3A_598 = arith.cmpf ogt, %get3A_597, %select_n3A_576 : vector<16xf32>
      %gt3A_599 = arith.cmpf ogt, %get3A_597, %select_n3A_573 : vector<16xf32>
      %select_n3A_600 = arith.select %gt3A_599, %get3A_597, %select_n3A_573 : vector<16xi1>, vector<16xf32>
      %select_n3A_601 = arith.select %gt3A_598, %select_n3A_576, %select_n3A_600 : vector<16xi1>, vector<16xf32>
      %select_n3A_602 = arith.select %gt3A_599, %broadcast_in_dim3A_592, %select_n3A_575 : vector<16xi1>, vector<16xi32>
      %select_n3A_603 = arith.select %gt3A_598, %select_n3A_577, %select_n3A_602 : vector<16xi1>, vector<16xi32>
      %select_n3A_604 = arith.select %gt3A_598, %get3A_597, %select_n3A_576 : vector<16xi1>, vector<16xf32>
      %select_n3A_605 = arith.select %gt3A_598, %broadcast_in_dim3A_592, %select_n3A_577 : vector<16xi1>, vector<16xi32>
      %add3A_606 = arith.constant 10752 : i32
      %add3A_607 = arith.addi %add3A_606, %add3A_16 : i32
      %get3A_608 = arith.index_cast %add3A_607 : i32 to index
      %get3A_609 = tpu.vector_load %arg7[%get3A_608] {strides = array<i32>} : memref<32768xf32, #tpu.memory_space<vmem>>, vector<16xf32>,
      %get3A_610 = vector.shape_cast %get3A_609 : vector<16xf32> to vector<16xf32>
      %gt3A_611 = arith.cmpf ogt, %get3A_610, %select_n3A_589 : vector<16xf32>
      %gt3A_612 = arith.cmpf ogt, %get3A_610, %select_n3A_586 : vector<16xf32>
      %select_n3A_613 = arith.select %gt3A_612, %get3A_610, %select_n3A_586 : vector<16xi1>, vector<16xf32>
      %select_n3A_614 = arith.select %gt3A_611, %select_n3A_589, %select_n3A_613 : vector<16xi1>, vector<16xf32>
      %select_n3A_615 = arith.select %gt3A_612, %broadcast_in_dim3A_592, %select_n3A_588 : vector<16xi1>, vector<16xi32>
      %select_n3A_616 = arith.select %gt3A_611, %select_n3A_590, %select_n3A_615 : vector<16xi1>, vector<16xi32>
      %select_n3A_617 = arith.select %gt3A_611, %get3A_610, %select_n3A_589 : vector<16xi1>, vector<16xf32>
      %select_n3A_618 = arith.select %gt3A_611, %broadcast_in_dim3A_592, %select_n3A_590 : vector<16xi1>, vector<16xi32>
      %broadcast_in_dim3A_619 = arith.constant 22 : i32
      %broadcast_in_dim3A_620 = vector.broadcast %broadcast_in_dim3A_619 : i32 to vector<16xi32>
      %add3A_621 = arith.constant 11264 : i32
      %add3A_622 = arith.addi %add3A_621, %add3A_12 : i32
      %get3A_623 = arith.index_cast %add3A_622 : i32 to index
      %get3A_624 = tpu.vector_load %arg7[%get3A_623] {strides = array<i32>} : memref<32768xf32, #tpu.memory_space<vmem>>, vector<16xf32>,
      %get3A_625 = vector.shape_cast %get3A_624 : vector<16xf32> to vector<16xf32>
      %gt3A_626 = arith.cmpf ogt, %get3A_625, %select_n3A_604 : vector<16xf32>
      %gt3A_627 = arith.cmpf ogt, %get3A_625, %select_n3A_601 : vector<16xf32>
      %select_n3A_628 = arith.select %gt3A_627, %get3A_625, %select_n3A_601 : vector<16xi1>, vector<16xf32>
      %select_n3A_629 = arith.select %gt3A_626, %select_n3A_604, %select_n3A_628 : vector<16xi1>, vector<16xf32>
      %select_n3A_630 = arith.select %gt3A_627, %broadcast_in_dim3A_620, %select_n3A_603 : vector<16xi1>, vector<16xi32>
      %select_n3A_631 = arith.select %gt3A_626, %select_n3A_605, %select_n3A_630 : vector<16xi1>, vector<16xi32>
      %select_n3A_632 = arith.select %gt3A_626, %get3A_625, %select_n3A_604 : vector<16xi1>, vector<16xf32>
      %select_n3A_633 = arith.select %gt3A_626, %broadcast_in_dim3A_620, %select_n3A_605 : vector<16xi1>, vector<16xi32>
      %add3A_634 = arith.constant 11264 : i32
      %add3A_635 = arith.addi %add3A_634, %add3A_16 : i32
      %get3A_636 = arith.index_cast %add3A_635 : i32 to index
      %get3A_637 = tpu.vector_load %arg7[%get3A_636] {strides = array<i32>} : memref<32768xf32, #tpu.memory_space<vmem>>, vector<16xf32>,
      %get3A_638 = vector.shape_cast %get3A_637 : vector<16xf32> to vector<16xf32>
      %gt3A_639 = arith.cmpf ogt, %get3A_638, %select_n3A_617 : vector<16xf32>
      %gt3A_640 = arith.cmpf ogt, %get3A_638, %select_n3A_614 : vector<16xf32>
      %select_n3A_641 = arith.select %gt3A_640, %get3A_638, %select_n3A_614 : vector<16xi1>, vector<16xf32>
      %select_n3A_642 = arith.select %gt3A_639, %select_n3A_617, %select_n3A_641 : vector<16xi1>, vector<16xf32>
      %select_n3A_643 = arith.select %gt3A_640, %broadcast_in_dim3A_620, %select_n3A_616 : vector<16xi1>, vector<16xi32>
      %select_n3A_644 = arith.select %gt3A_639, %select_n3A_618, %select_n3A_643 : vector<16xi1>, vector<16xi32>
      %select_n3A_645 = arith.select %gt3A_639, %get3A_638, %select_n3A_617 : vector<16xi1>, vector<16xf32>
      %select_n3A_646 = arith.select %gt3A_639, %broadcast_in_dim3A_620, %select_n3A_618 : vector<16xi1>, vector<16xi32>
      %broadcast_in_dim3A_647 = arith.constant 23 : i32
      %broadcast_in_dim3A_648 = vector.broadcast %broadcast_in_dim3A_647 : i32 to vector<16xi32>
      %add3A_649 = arith.constant 11776 : i32
      %add3A_650 = arith.addi %add3A_649, %add3A_12 : i32
      %get3A_651 = arith.index_cast %add3A_650 : i32 to index
      %get3A_652 = tpu.vector_load %arg7[%get3A_651] {strides = array<i32>} : memref<32768xf32, #tpu.memory_space<vmem>>, vector<16xf32>,
      %get3A_653 = vector.shape_cast %get3A_652 : vector<16xf32> to vector<16xf32>
      %gt3A_654 = arith.cmpf ogt, %get3A_653, %select_n3A_632 : vector<16xf32>
      %gt3A_655 = arith.cmpf ogt, %get3A_653, %select_n3A_629 : vector<16xf32>
      %select_n3A_656 = arith.select %gt3A_655, %get3A_653, %select_n3A_629 : vector<16xi1>, vector<16xf32>
      %select_n3A_657 = arith.select %gt3A_654, %select_n3A_632, %select_n3A_656 : vector<16xi1>, vector<16xf32>
      %select_n3A_658 = arith.select %gt3A_655, %broadcast_in_dim3A_648, %select_n3A_631 : vector<16xi1>, vector<16xi32>
      %select_n3A_659 = arith.select %gt3A_654, %select_n3A_633, %select_n3A_658 : vector<16xi1>, vector<16xi32>
      %select_n3A_660 = arith.select %gt3A_654, %get3A_653, %select_n3A_632 : vector<16xi1>, vector<16xf32>
      %select_n3A_661 = arith.select %gt3A_654, %broadcast_in_dim3A_648, %select_n3A_633 : vector<16xi1>, vector<16xi32>
      %add3A_662 = arith.constant 11776 : i32
      %add3A_663 = arith.addi %add3A_662, %add3A_16 : i32
      %get3A_664 = arith.index_cast %add3A_663 : i32 to index
      %get3A_665 = tpu.vector_load %arg7[%get3A_664] {strides = array<i32>} : memref<32768xf32, #tpu.memory_space<vmem>>, vector<16xf32>,
      %get3A_666 = vector.shape_cast %get3A_665 : vector<16xf32> to vector<16xf32>
      %gt3A_667 = arith.cmpf ogt, %get3A_666, %select_n3A_645 : vector<16xf32>
      %gt3A_668 = arith.cmpf ogt, %get3A_666, %select_n3A_642 : vector<16xf32>
      %select_n3A_669 = arith.select %gt3A_668, %get3A_666, %select_n3A_642 : vector<16xi1>, vector<16xf32>
      %select_n3A_670 = arith.select %gt3A_667, %select_n3A_645, %select_n3A_669 : vector<16xi1>, vector<16xf32>
      %select_n3A_671 = arith.select %gt3A_668, %broadcast_in_dim3A_648, %select_n3A_644 : vector<16xi1>, vector<16xi32>
      %select_n3A_672 = arith.select %gt3A_667, %select_n3A_646, %select_n3A_671 : vector<16xi1>, vector<16xi32>
      %select_n3A_673 = arith.select %gt3A_667, %get3A_666, %select_n3A_645 : vector<16xi1>, vector<16xf32>
      %select_n3A_674 = arith.select %gt3A_667, %broadcast_in_dim3A_648, %select_n3A_646 : vector<16xi1>, vector<16xi32>
      %broadcast_in_dim3A_675 = arith.constant 24 : i32
      %broadcast_in_dim3A_676 = vector.broadcast %broadcast_in_dim3A_675 : i32 to vector<16xi32>
      %add3A_677 = arith.constant 12288 : i32
      %add3A_678 = arith.addi %add3A_677, %add3A_12 : i32
      %get3A_679 = arith.index_cast %add3A_678 : i32 to index
      %get3A_680 = tpu.vector_load %arg7[%get3A_679] {strides = array<i32>} : memref<32768xf32, #tpu.memory_space<vmem>>, vector<16xf32>,
      %get3A_681 = vector.shape_cast %get3A_680 : vector<16xf32> to vector<16xf32>
      %gt3A_682 = arith.cmpf ogt, %get3A_681, %select_n3A_660 : vector<16xf32>
      %gt3A_683 = arith.cmpf ogt, %get3A_681, %select_n3A_657 : vector<16xf32>
      %select_n3A_684 = arith.select %gt3A_683, %get3A_681, %select_n3A_657 : vector<16xi1>, vector<16xf32>
      %select_n3A_685 = arith.select %gt3A_682, %select_n3A_660, %select_n3A_684 : vector<16xi1>, vector<16xf32>
      %select_n3A_686 = arith.select %gt3A_683, %broadcast_in_dim3A_676, %select_n3A_659 : vector<16xi1>, vector<16xi32>
      %select_n3A_687 = arith.select %gt3A_682, %select_n3A_661, %select_n3A_686 : vector<16xi1>, vector<16xi32>
      %select_n3A_688 = arith.select %gt3A_682, %get3A_681, %select_n3A_660 : vector<16xi1>, vector<16xf32>
      %select_n3A_689 = arith.select %gt3A_682, %broadcast_in_dim3A_676, %select_n3A_661 : vector<16xi1>, vector<16xi32>
      %add3A_690 = arith.constant 12288 : i32
      %add3A_691 = arith.addi %add3A_690, %add3A_16 : i32
      %get3A_692 = arith.index_cast %add3A_691 : i32 to index
      %get3A_693 = tpu.vector_load %arg7[%get3A_692] {strides = array<i32>} : memref<32768xf32, #tpu.memory_space<vmem>>, vector<16xf32>,
      %get3A_694 = vector.shape_cast %get3A_693 : vector<16xf32> to vector<16xf32>
      %gt3A_695 = arith.cmpf ogt, %get3A_694, %select_n3A_673 : vector<16xf32>
      %gt3A_696 = arith.cmpf ogt, %get3A_694, %select_n3A_670 : vector<16xf32>
      %select_n3A_697 = arith.select %gt3A_696, %get3A_694, %select_n3A_670 : vector<16xi1>, vector<16xf32>
      %select_n3A_698 = arith.select %gt3A_695, %select_n3A_673, %select_n3A_697 : vector<16xi1>, vector<16xf32>
      %select_n3A_699 = arith.select %gt3A_696, %broadcast_in_dim3A_676, %select_n3A_672 : vector<16xi1>, vector<16xi32>
      %select_n3A_700 = arith.select %gt3A_695, %select_n3A_674, %select_n3A_699 : vector<16xi1>, vector<16xi32>
      %select_n3A_701 = arith.select %gt3A_695, %get3A_694, %select_n3A_673 : vector<16xi1>, vector<16xf32>
      %select_n3A_702 = arith.select %gt3A_695, %broadcast_in_dim3A_676, %select_n3A_674 : vector<16xi1>, vector<16xi32>
      %broadcast_in_dim3A_703 = arith.constant 25 : i32
      %broadcast_in_dim3A_704 = vector.broadcast %broadcast_in_dim3A_703 : i32 to vector<16xi32>
      %add3A_705 = arith.constant 12800 : i32
      %add3A_706 = arith.addi %add3A_705, %add3A_12 : i32
      %get3A_707 = arith.index_cast %add3A_706 : i32 to index
      %get3A_708 = tpu.vector_load %arg7[%get3A_707] {strides = array<i32>} : memref<32768xf32, #tpu.memory_space<vmem>>, vector<16xf32>,
      %get3A_709 = vector.shape_cast %get3A_708 : vector<16xf32> to vector<16xf32>
      %gt3A_710 = arith.cmpf ogt, %get3A_709, %select_n3A_688 : vector<16xf32>
      %gt3A_711 = arith.cmpf ogt, %get3A_709, %select_n3A_685 : vector<16xf32>
      %select_n3A_712 = arith.select %gt3A_711, %get3A_709, %select_n3A_685 : vector<16xi1>, vector<16xf32>
      %select_n3A_713 = arith.select %gt3A_710, %select_n3A_688, %select_n3A_712 : vector<16xi1>, vector<16xf32>
      %select_n3A_714 = arith.select %gt3A_711, %broadcast_in_dim3A_704, %select_n3A_687 : vector<16xi1>, vector<16xi32>
      %select_n3A_715 = arith.select %gt3A_710, %select_n3A_689, %select_n3A_714 : vector<16xi1>, vector<16xi32>
      %select_n3A_716 = arith.select %gt3A_710, %get3A_709, %select_n3A_688 : vector<16xi1>, vector<16xf32>
      %select_n3A_717 = arith.select %gt3A_710, %broadcast_in_dim3A_704, %select_n3A_689 : vector<16xi1>, vector<16xi32>
      %add3A_718 = arith.constant 12800 : i32
      %add3A_719 = arith.addi %add3A_718, %add3A_16 : i32
      %get3A_720 = arith.index_cast %add3A_719 : i32 to index
      %get3A_721 = tpu.vector_load %arg7[%get3A_720] {strides = array<i32>} : memref<32768xf32, #tpu.memory_space<vmem>>, vector<16xf32>,
      %get3A_722 = vector.shape_cast %get3A_721 : vector<16xf32> to vector<16xf32>
      %gt3A_723 = arith.cmpf ogt, %get3A_722, %select_n3A_701 : vector<16xf32>
      %gt3A_724 = arith.cmpf ogt, %get3A_722, %select_n3A_698 : vector<16xf32>
      %select_n3A_725 = arith.select %gt3A_724, %get3A_722, %select_n3A_698 : vector<16xi1>, vector<16xf32>
      %select_n3A_726 = arith.select %gt3A_723, %select_n3A_701, %select_n3A_725 : vector<16xi1>, vector<16xf32>
      %select_n3A_727 = arith.select %gt3A_724, %broadcast_in_dim3A_704, %select_n3A_700 : vector<16xi1>, vector<16xi32>
      %select_n3A_728 = arith.select %gt3A_723, %select_n3A_702, %select_n3A_727 : vector<16xi1>, vector<16xi32>
      %select_n3A_729 = arith.select %gt3A_723, %get3A_722, %select_n3A_701 : vector<16xi1>, vector<16xf32>
      %select_n3A_730 = arith.select %gt3A_723, %broadcast_in_dim3A_704, %select_n3A_702 : vector<16xi1>, vector<16xi32>
      %broadcast_in_dim3A_731 = arith.constant 26 : i32
      %broadcast_in_dim3A_732 = vector.broadcast %broadcast_in_dim3A_731 : i32 to vector<16xi32>
      %add3A_733 = arith.constant 13312 : i32
      %add3A_734 = arith.addi %add3A_733, %add3A_12 : i32
      %get3A_735 = arith.index_cast %add3A_734 : i32 to index
      %get3A_736 = tpu.vector_load %arg7[%get3A_735] {strides = array<i32>} : memref<32768xf32, #tpu.memory_space<vmem>>, vector<16xf32>,
      %get3A_737 = vector.shape_cast %get3A_736 : vector<16xf32> to vector<16xf32>
      %gt3A_738 = arith.cmpf ogt, %get3A_737, %select_n3A_716 : vector<16xf32>
      %gt3A_739 = arith.cmpf ogt, %get3A_737, %select_n3A_713 : vector<16xf32>
      %select_n3A_740 = arith.select %gt3A_739, %get3A_737, %select_n3A_713 : vector<16xi1>, vector<16xf32>
      %select_n3A_741 = arith.select %gt3A_738, %select_n3A_716, %select_n3A_740 : vector<16xi1>, vector<16xf32>
      %select_n3A_742 = arith.select %gt3A_739, %broadcast_in_dim3A_732, %select_n3A_715 : vector<16xi1>, vector<16xi32>
      %select_n3A_743 = arith.select %gt3A_738, %select_n3A_717, %select_n3A_742 : vector<16xi1>, vector<16xi32>
      %select_n3A_744 = arith.select %gt3A_738, %get3A_737, %select_n3A_716 : vector<16xi1>, vector<16xf32>
      %select_n3A_745 = arith.select %gt3A_738, %broadcast_in_dim3A_732, %select_n3A_717 : vector<16xi1>, vector<16xi32>
      %add3A_746 = arith.constant 13312 : i32
      %add3A_747 = arith.addi %add3A_746, %add3A_16 : i32
      %get3A_748 = arith.index_cast %add3A_747 : i32 to index
      %get3A_749 = tpu.vector_load %arg7[%get3A_748] {strides = array<i32>} : memref<32768xf32, #tpu.memory_space<vmem>>, vector<16xf32>,
      %get3A_750 = vector.shape_cast %get3A_749 : vector<16xf32> to vector<16xf32>
      %gt3A_751 = arith.cmpf ogt, %get3A_750, %select_n3A_729 : vector<16xf32>
      %gt3A_752 = arith.cmpf ogt, %get3A_750, %select_n3A_726 : vector<16xf32>
      %select_n3A_753 = arith.select %gt3A_752, %get3A_750, %select_n3A_726 : vector<16xi1>, vector<16xf32>
      %select_n3A_754 = arith.select %gt3A_751, %select_n3A_729, %select_n3A_753 : vector<16xi1>, vector<16xf32>
      %select_n3A_755 = arith.select %gt3A_752, %broadcast_in_dim3A_732, %select_n3A_728 : vector<16xi1>, vector<16xi32>
      %select_n3A_756 = arith.select %gt3A_751, %select_n3A_730, %select_n3A_755 : vector<16xi1>, vector<16xi32>
      %select_n3A_757 = arith.select %gt3A_751, %get3A_750, %select_n3A_729 : vector<16xi1>, vector<16xf32>
      %select_n3A_758 = arith.select %gt3A_751, %broadcast_in_dim3A_732, %select_n3A_730 : vector<16xi1>, vector<16xi32>
      %broadcast_in_dim3A_759 = arith.constant 27 : i32
      %broadcast_in_dim3A_760 = vector.broadcast %broadcast_in_dim3A_759 : i32 to vector<16xi32>
      %add3A_761 = arith.constant 13824 : i32
      %add3A_762 = arith.addi %add3A_761, %add3A_12 : i32
      %get3A_763 = arith.index_cast %add3A_762 : i32 to index
      %get3A_764 = tpu.vector_load %arg7[%get3A_763] {strides = array<i32>} : memref<32768xf32, #tpu.memory_space<vmem>>, vector<16xf32>,
      %get3A_765 = vector.shape_cast %get3A_764 : vector<16xf32> to vector<16xf32>
      %gt3A_766 = arith.cmpf ogt, %get3A_765, %select_n3A_744 : vector<16xf32>
      %gt3A_767 = arith.cmpf ogt, %get3A_765, %select_n3A_741 : vector<16xf32>
      %select_n3A_768 = arith.select %gt3A_767, %get3A_765, %select_n3A_741 : vector<16xi1>, vector<16xf32>
      %select_n3A_769 = arith.select %gt3A_766, %select_n3A_744, %select_n3A_768 : vector<16xi1>, vector<16xf32>
      %select_n3A_770 = arith.select %gt3A_767, %broadcast_in_dim3A_760, %select_n3A_743 : vector<16xi1>, vector<16xi32>
      %select_n3A_771 = arith.select %gt3A_766, %select_n3A_745, %select_n3A_770 : vector<16xi1>, vector<16xi32>
      %select_n3A_772 = arith.select %gt3A_766, %get3A_765, %select_n3A_744 : vector<16xi1>, vector<16xf32>
      %select_n3A_773 = arith.select %gt3A_766, %broadcast_in_dim3A_760, %select_n3A_745 : vector<16xi1>, vector<16xi32>
      %add3A_774 = arith.constant 13824 : i32
      %add3A_775 = arith.addi %add3A_774, %add3A_16 : i32
      %get3A_776 = arith.index_cast %add3A_775 : i32 to index
      %get3A_777 = tpu.vector_load %arg7[%get3A_776] {strides = array<i32>} : memref<32768xf32, #tpu.memory_space<vmem>>, vector<16xf32>,
      %get3A_778 = vector.shape_cast %get3A_777 : vector<16xf32> to vector<16xf32>
      %gt3A_779 = arith.cmpf ogt, %get3A_778, %select_n3A_757 : vector<16xf32>
      %gt3A_780 = arith.cmpf ogt, %get3A_778, %select_n3A_754 : vector<16xf32>
      %select_n3A_781 = arith.select %gt3A_780, %get3A_778, %select_n3A_754 : vector<16xi1>, vector<16xf32>
      %select_n3A_782 = arith.select %gt3A_779, %select_n3A_757, %select_n3A_781 : vector<16xi1>, vector<16xf32>
      %select_n3A_783 = arith.select %gt3A_780, %broadcast_in_dim3A_760, %select_n3A_756 : vector<16xi1>, vector<16xi32>
      %select_n3A_784 = arith.select %gt3A_779, %select_n3A_758, %select_n3A_783 : vector<16xi1>, vector<16xi32>
      %select_n3A_785 = arith.select %gt3A_779, %get3A_778, %select_n3A_757 : vector<16xi1>, vector<16xf32>
      %select_n3A_786 = arith.select %gt3A_779, %broadcast_in_dim3A_760, %select_n3A_758 : vector<16xi1>, vector<16xi32>
      %broadcast_in_dim3A_787 = arith.constant 28 : i32
      %broadcast_in_dim3A_788 = vector.broadcast %broadcast_in_dim3A_787 : i32 to vector<16xi32>
      %add3A_789 = arith.constant 14336 : i32
      %add3A_790 = arith.addi %add3A_789, %add3A_12 : i32
      %get3A_791 = arith.index_cast %add3A_790 : i32 to index
      %get3A_792 = tpu.vector_load %arg7[%get3A_791] {strides = array<i32>} : memref<32768xf32, #tpu.memory_space<vmem>>, vector<16xf32>,
      %get3A_793 = vector.shape_cast %get3A_792 : vector<16xf32> to vector<16xf32>
      %gt3A_794 = arith.cmpf ogt, %get3A_793, %select_n3A_772 : vector<16xf32>
      %gt3A_795 = arith.cmpf ogt, %get3A_793, %select_n3A_769 : vector<16xf32>
      %select_n3A_796 = arith.select %gt3A_795, %get3A_793, %select_n3A_769 : vector<16xi1>, vector<16xf32>
      %select_n3A_797 = arith.select %gt3A_794, %select_n3A_772, %select_n3A_796 : vector<16xi1>, vector<16xf32>
      %select_n3A_798 = arith.select %gt3A_795, %broadcast_in_dim3A_788, %select_n3A_771 : vector<16xi1>, vector<16xi32>
      %select_n3A_799 = arith.select %gt3A_794, %select_n3A_773, %select_n3A_798 : vector<16xi1>, vector<16xi32>
      %select_n3A_800 = arith.select %gt3A_794, %get3A_793, %select_n3A_772 : vector<16xi1>, vector<16xf32>
      %select_n3A_801 = arith.select %gt3A_794, %broadcast_in_dim3A_788, %select_n3A_773 : vector<16xi1>, vector<16xi32>
      %add3A_802 = arith.constant 14336 : i32
      %add3A_803 = arith.addi %add3A_802, %add3A_16 : i32
      %get3A_804 = arith.index_cast %add3A_803 : i32 to index
      %get3A_805 = tpu.vector_load %arg7[%get3A_804] {strides = array<i32>} : memref<32768xf32, #tpu.memory_space<vmem>>, vector<16xf32>,
      %get3A_806 = vector.shape_cast %get3A_805 : vector<16xf32> to vector<16xf32>
      %gt3A_807 = arith.cmpf ogt, %get3A_806, %select_n3A_785 : vector<16xf32>
      %gt3A_808 = arith.cmpf ogt, %get3A_806, %select_n3A_782 : vector<16xf32>
      %select_n3A_809 = arith.select %gt3A_808, %get3A_806, %select_n3A_782 : vector<16xi1>, vector<16xf32>
      %select_n3A_810 = arith.select %gt3A_807, %select_n3A_785, %select_n3A_809 : vector<16xi1>, vector<16xf32>
      %select_n3A_811 = arith.select %gt3A_808, %broadcast_in_dim3A_788, %select_n3A_784 : vector<16xi1>, vector<16xi32>
      %select_n3A_812 = arith.select %gt3A_807, %select_n3A_786, %select_n3A_811 : vector<16xi1>, vector<16xi32>
      %select_n3A_813 = arith.select %gt3A_807, %get3A_806, %select_n3A_785 : vector<16xi1>, vector<16xf32>
      %select_n3A_814 = arith.select %gt3A_807, %broadcast_in_dim3A_788, %select_n3A_786 : vector<16xi1>, vector<16xi32>
      %broadcast_in_dim3A_815 = arith.constant 29 : i32
      %broadcast_in_dim3A_816 = vector.broadcast %broadcast_in_dim3A_815 : i32 to vector<16xi32>
      %add3A_817 = arith.constant 14848 : i32
      %add3A_818 = arith.addi %add3A_817, %add3A_12 : i32
      %get3A_819 = arith.index_cast %add3A_818 : i32 to index
      %get3A_820 = tpu.vector_load %arg7[%get3A_819] {strides = array<i32>} : memref<32768xf32, #tpu.memory_space<vmem>>, vector<16xf32>,
      %get3A_821 = vector.shape_cast %get3A_820 : vector<16xf32> to vector<16xf32>
      %gt3A_822 = arith.cmpf ogt, %get3A_821, %select_n3A_800 : vector<16xf32>
      %gt3A_823 = arith.cmpf ogt, %get3A_821, %select_n3A_797 : vector<16xf32>
      %select_n3A_824 = arith.select %gt3A_823, %get3A_821, %select_n3A_797 : vector<16xi1>, vector<16xf32>
      %select_n3A_825 = arith.select %gt3A_822, %select_n3A_800, %select_n3A_824 : vector<16xi1>, vector<16xf32>
      %select_n3A_826 = arith.select %gt3A_823, %broadcast_in_dim3A_816, %select_n3A_799 : vector<16xi1>, vector<16xi32>
      %select_n3A_827 = arith.select %gt3A_822, %select_n3A_801, %select_n3A_826 : vector<16xi1>, vector<16xi32>
      %select_n3A_828 = arith.select %gt3A_822, %get3A_821, %select_n3A_800 : vector<16xi1>, vector<16xf32>
      %select_n3A_829 = arith.select %gt3A_822, %broadcast_in_dim3A_816, %select_n3A_801 : vector<16xi1>, vector<16xi32>
      %add3A_830 = arith.constant 14848 : i32
      %add3A_831 = arith.addi %add3A_830, %add3A_16 : i32
      %get3A_832 = arith.index_cast %add3A_831 : i32 to index
      %get3A_833 = tpu.vector_load %arg7[%get3A_832] {strides = array<i32>} : memref<32768xf32, #tpu.memory_space<vmem>>, vector<16xf32>,
      %get3A_834 = vector.shape_cast %get3A_833 : vector<16xf32> to vector<16xf32>
      %gt3A_835 = arith.cmpf ogt, %get3A_834, %select_n3A_813 : vector<16xf32>
      %gt3A_836 = arith.cmpf ogt, %get3A_834, %select_n3A_810 : vector<16xf32>
      %select_n3A_837 = arith.select %gt3A_836, %get3A_834, %select_n3A_810 : vector<16xi1>, vector<16xf32>
      %select_n3A_838 = arith.select %gt3A_835, %select_n3A_813, %select_n3A_837 : vector<16xi1>, vector<16xf32>
      %select_n3A_839 = arith.select %gt3A_836, %broadcast_in_dim3A_816, %select_n3A_812 : vector<16xi1>, vector<16xi32>
      %select_n3A_840 = arith.select %gt3A_835, %select_n3A_814, %select_n3A_839 : vector<16xi1>, vector<16xi32>
      %select_n3A_841 = arith.select %gt3A_835, %get3A_834, %select_n3A_813 : vector<16xi1>, vector<16xf32>
      %select_n3A_842 = arith.select %gt3A_835, %broadcast_in_dim3A_816, %select_n3A_814 : vector<16xi1>, vector<16xi32>
      %broadcast_in_dim3A_843 = arith.constant 30 : i32
      %broadcast_in_dim3A_844 = vector.broadcast %broadcast_in_dim3A_843 : i32 to vector<16xi32>
      %add3A_845 = arith.constant 15360 : i32
      %add3A_846 = arith.addi %add3A_845, %add3A_12 : i32
      %get3A_847 = arith.index_cast %add3A_846 : i32 to index
      %get3A_848 = tpu.vector_load %arg7[%get3A_847] {strides = array<i32>} : memref<32768xf32, #tpu.memory_space<vmem>>, vector<16xf32>,
      %get3A_849 = vector.shape_cast %get3A_848 : vector<16xf32> to vector<16xf32>
      %gt3A_850 = arith.cmpf ogt, %get3A_849, %select_n3A_828 : vector<16xf32>
      %gt3A_851 = arith.cmpf ogt, %get3A_849, %select_n3A_825 : vector<16xf32>
      %select_n3A_852 = arith.select %gt3A_851, %get3A_849, %select_n3A_825 : vector<16xi1>, vector<16xf32>
      %select_n3A_853 = arith.select %gt3A_850, %select_n3A_828, %select_n3A_852 : vector<16xi1>, vector<16xf32>
      %select_n3A_854 = arith.select %gt3A_851, %broadcast_in_dim3A_844, %select_n3A_827 : vector<16xi1>, vector<16xi32>
      %select_n3A_855 = arith.select %gt3A_850, %select_n3A_829, %select_n3A_854 : vector<16xi1>, vector<16xi32>
      %select_n3A_856 = arith.select %gt3A_850, %get3A_849, %select_n3A_828 : vector<16xi1>, vector<16xf32>
      %select_n3A_857 = arith.select %gt3A_850, %broadcast_in_dim3A_844, %select_n3A_829 : vector<16xi1>, vector<16xi32>
      %add3A_858 = arith.constant 15360 : i32
      %add3A_859 = arith.addi %add3A_858, %add3A_16 : i32
      %get3A_860 = arith.index_cast %add3A_859 : i32 to index
      %get3A_861 = tpu.vector_load %arg7[%get3A_860] {strides = array<i32>} : memref<32768xf32, #tpu.memory_space<vmem>>, vector<16xf32>,
      %get3A_862 = vector.shape_cast %get3A_861 : vector<16xf32> to vector<16xf32>
      %gt3A_863 = arith.cmpf ogt, %get3A_862, %select_n3A_841 : vector<16xf32>
      %gt3A_864 = arith.cmpf ogt, %get3A_862, %select_n3A_838 : vector<16xf32>
      %select_n3A_865 = arith.select %gt3A_864, %get3A_862, %select_n3A_838 : vector<16xi1>, vector<16xf32>
      %select_n3A_866 = arith.select %gt3A_863, %select_n3A_841, %select_n3A_865 : vector<16xi1>, vector<16xf32>
      %select_n3A_867 = arith.select %gt3A_864, %broadcast_in_dim3A_844, %select_n3A_840 : vector<16xi1>, vector<16xi32>
      %select_n3A_868 = arith.select %gt3A_863, %select_n3A_842, %select_n3A_867 : vector<16xi1>, vector<16xi32>
      %select_n3A_869 = arith.select %gt3A_863, %get3A_862, %select_n3A_841 : vector<16xi1>, vector<16xf32>
      %select_n3A_870 = arith.select %gt3A_863, %broadcast_in_dim3A_844, %select_n3A_842 : vector<16xi1>, vector<16xi32>
      %broadcast_in_dim3A_871 = arith.constant 31 : i32
      %broadcast_in_dim3A_872 = vector.broadcast %broadcast_in_dim3A_871 : i32 to vector<16xi32>
      %add3A_873 = arith.constant 15872 : i32
      %add3A_874 = arith.addi %add3A_873, %add3A_12 : i32
      %get3A_875 = arith.index_cast %add3A_874 : i32 to index
      %get3A_876 = tpu.vector_load %arg7[%get3A_875] {strides = array<i32>} : memref<32768xf32, #tpu.memory_space<vmem>>, vector<16xf32>,
      %get3A_877 = vector.shape_cast %get3A_876 : vector<16xf32> to vector<16xf32>
      %gt3A_878 = arith.cmpf ogt, %get3A_877, %select_n3A_856 : vector<16xf32>
      %gt3A_879 = arith.cmpf ogt, %get3A_877, %select_n3A_853 : vector<16xf32>
      %select_n3A_880 = arith.select %gt3A_879, %get3A_877, %select_n3A_853 : vector<16xi1>, vector<16xf32>
      %select_n3A_881 = arith.select %gt3A_878, %select_n3A_856, %select_n3A_880 : vector<16xi1>, vector<16xf32>
      %select_n3A_882 = arith.select %gt3A_879, %broadcast_in_dim3A_872, %select_n3A_855 : vector<16xi1>, vector<16xi32>
      %select_n3A_883 = arith.select %gt3A_878, %select_n3A_857, %select_n3A_882 : vector<16xi1>, vector<16xi32>
      %select_n3A_884 = arith.select %gt3A_878, %get3A_877, %select_n3A_856 : vector<16xi1>, vector<16xf32>
      %select_n3A_885 = arith.select %gt3A_878, %broadcast_in_dim3A_872, %select_n3A_857 : vector<16xi1>, vector<16xi32>
      %add3A_886 = arith.constant 15872 : i32
      %add3A_887 = arith.addi %add3A_886, %add3A_16 : i32
      %get3A_888 = arith.index_cast %add3A_887 : i32 to index
      %get3A_889 = tpu.vector_load %arg7[%get3A_888] {strides = array<i32>} : memref<32768xf32, #tpu.memory_space<vmem>>, vector<16xf32>,
      %get3A_890 = vector.shape_cast %get3A_889 : vector<16xf32> to vector<16xf32>
      %gt3A_891 = arith.cmpf ogt, %get3A_890, %select_n3A_869 : vector<16xf32>
      %gt3A_892 = arith.cmpf ogt, %get3A_890, %select_n3A_866 : vector<16xf32>
      %select_n3A_893 = arith.select %gt3A_892, %get3A_890, %select_n3A_866 : vector<16xi1>, vector<16xf32>
      %select_n3A_894 = arith.select %gt3A_891, %select_n3A_869, %select_n3A_893 : vector<16xi1>, vector<16xf32>
      %select_n3A_895 = arith.select %gt3A_892, %broadcast_in_dim3A_872, %select_n3A_868 : vector<16xi1>, vector<16xi32>
      %select_n3A_896 = arith.select %gt3A_891, %select_n3A_870, %select_n3A_895 : vector<16xi1>, vector<16xi32>
      %select_n3A_897 = arith.select %gt3A_891, %get3A_890, %select_n3A_869 : vector<16xi1>, vector<16xf32>
      %select_n3A_898 = arith.select %gt3A_891, %broadcast_in_dim3A_872, %select_n3A_870 : vector<16xi1>, vector<16xi32>
      %broadcast_in_dim3A_899 = arith.constant 32 : i32
      %broadcast_in_dim3A_900 = vector.broadcast %broadcast_in_dim3A_899 : i32 to vector<16xi32>
      %add3A_901 = arith.constant 16384 : i32
      %add3A_902 = arith.addi %add3A_901, %add3A_12 : i32
      %get3A_903 = arith.index_cast %add3A_902 : i32 to index
      %get3A_904 = tpu.vector_load %arg7[%get3A_903] {strides = array<i32>} : memref<32768xf32, #tpu.memory_space<vmem>>, vector<16xf32>,
      %get3A_905 = vector.shape_cast %get3A_904 : vector<16xf32> to vector<16xf32>
      %gt3A_906 = arith.cmpf ogt, %get3A_905, %select_n3A_884 : vector<16xf32>
      %gt3A_907 = arith.cmpf ogt, %get3A_905, %select_n3A_881 : vector<16xf32>
      %select_n3A_908 = arith.select %gt3A_907, %get3A_905, %select_n3A_881 : vector<16xi1>, vector<16xf32>
      %select_n3A_909 = arith.select %gt3A_906, %select_n3A_884, %select_n3A_908 : vector<16xi1>, vector<16xf32>
      %select_n3A_910 = arith.select %gt3A_907, %broadcast_in_dim3A_900, %select_n3A_883 : vector<16xi1>, vector<16xi32>
      %select_n3A_911 = arith.select %gt3A_906, %select_n3A_885, %select_n3A_910 : vector<16xi1>, vector<16xi32>
      %select_n3A_912 = arith.select %gt3A_906, %get3A_905, %select_n3A_884 : vector<16xi1>, vector<16xf32>
      %select_n3A_913 = arith.select %gt3A_906, %broadcast_in_dim3A_900, %select_n3A_885 : vector<16xi1>, vector<16xi32>
      %add3A_914 = arith.constant 16384 : i32
      %add3A_915 = arith.addi %add3A_914, %add3A_16 : i32
      %get3A_916 = arith.index_cast %add3A_915 : i32 to index
      %get3A_917 = tpu.vector_load %arg7[%get3A_916] {strides = array<i32>} : memref<32768xf32, #tpu.memory_space<vmem>>, vector<16xf32>,
      %get3A_918 = vector.shape_cast %get3A_917 : vector<16xf32> to vector<16xf32>
      %gt3A_919 = arith.cmpf ogt, %get3A_918, %select_n3A_897 : vector<16xf32>
      %gt3A_920 = arith.cmpf ogt, %get3A_918, %select_n3A_894 : vector<16xf32>
      %select_n3A_921 = arith.select %gt3A_920, %get3A_918, %select_n3A_894 : vector<16xi1>, vector<16xf32>
      %select_n3A_922 = arith.select %gt3A_919, %select_n3A_897, %select_n3A_921 : vector<16xi1>, vector<16xf32>
      %select_n3A_923 = arith.select %gt3A_920, %broadcast_in_dim3A_900, %select_n3A_896 : vector<16xi1>, vector<16xi32>
      %select_n3A_924 = arith.select %gt3A_919, %select_n3A_898, %select_n3A_923 : vector<16xi1>, vector<16xi32>
      %select_n3A_925 = arith.select %gt3A_919, %get3A_918, %select_n3A_897 : vector<16xi1>, vector<16xf32>
      %select_n3A_926 = arith.select %gt3A_919, %broadcast_in_dim3A_900, %select_n3A_898 : vector<16xi1>, vector<16xi32>
      %broadcast_in_dim3A_927 = arith.constant 33 : i32
      %broadcast_in_dim3A_928 = vector.broadcast %broadcast_in_dim3A_927 : i32 to vector<16xi32>
      %add3A_929 = arith.constant 16896 : i32
      %add3A_930 = arith.addi %add3A_929, %add3A_12 : i32
      %get3A_931 = arith.index_cast %add3A_930 : i32 to index
      %get3A_932 = tpu.vector_load %arg7[%get3A_931] {strides = array<i32>} : memref<32768xf32, #tpu.memory_space<vmem>>, vector<16xf32>,
      %get3A_933 = vector.shape_cast %get3A_932 : vector<16xf32> to vector<16xf32>
      %gt3A_934 = arith.cmpf ogt, %get3A_933, %select_n3A_912 : vector<16xf32>
      %gt3A_935 = arith.cmpf ogt, %get3A_933, %select_n3A_909 : vector<16xf32>
      %select_n3A_936 = arith.select %gt3A_935, %get3A_933, %select_n3A_909 : vector<16xi1>, vector<16xf32>
      %select_n3A_937 = arith.select %gt3A_934, %select_n3A_912, %select_n3A_936 : vector<16xi1>, vector<16xf32>
      %select_n3A_938 = arith.select %gt3A_935, %broadcast_in_dim3A_928, %select_n3A_911 : vector<16xi1>, vector<16xi32>
      %select_n3A_939 = arith.select %gt3A_934, %select_n3A_913, %select_n3A_938 : vector<16xi1>, vector<16xi32>
      %select_n3A_940 = arith.select %gt3A_934, %get3A_933, %select_n3A_912 : vector<16xi1>, vector<16xf32>
      %select_n3A_941 = arith.select %gt3A_934, %broadcast_in_dim3A_928, %select_n3A_913 : vector<16xi1>, vector<16xi32>
      %add3A_942 = arith.constant 16896 : i32
      %add3A_943 = arith.addi %add3A_942, %add3A_16 : i32
      %get3A_944 = arith.index_cast %add3A_943 : i32 to index
      %get3A_945 = tpu.vector_load %arg7[%get3A_944] {strides = array<i32>} : memref<32768xf32, #tpu.memory_space<vmem>>, vector<16xf32>,
      %get3A_946 = vector.shape_cast %get3A_945 : vector<16xf32> to vector<16xf32>
      %gt3A_947 = arith.cmpf ogt, %get3A_946, %select_n3A_925 : vector<16xf32>
      %gt3A_948 = arith.cmpf ogt, %get3A_946, %select_n3A_922 : vector<16xf32>
      %select_n3A_949 = arith.select %gt3A_948, %get3A_946, %select_n3A_922 : vector<16xi1>, vector<16xf32>
      %select_n3A_950 = arith.select %gt3A_947, %select_n3A_925, %select_n3A_949 : vector<16xi1>, vector<16xf32>
      %select_n3A_951 = arith.select %gt3A_948, %broadcast_in_dim3A_928, %select_n3A_924 : vector<16xi1>, vector<16xi32>
      %select_n3A_952 = arith.select %gt3A_947, %select_n3A_926, %select_n3A_951 : vector<16xi1>, vector<16xi32>
      %select_n3A_953 = arith.select %gt3A_947, %get3A_946, %select_n3A_925 : vector<16xi1>, vector<16xf32>
      %select_n3A_954 = arith.select %gt3A_947, %broadcast_in_dim3A_928, %select_n3A_926 : vector<16xi1>, vector<16xi32>
      %broadcast_in_dim3A_955 = arith.constant 34 : i32
      %broadcast_in_dim3A_956 = vector.broadcast %broadcast_in_dim3A_955 : i32 to vector<16xi32>
      %add3A_957 = arith.constant 17408 : i32
      %add3A_958 = arith.addi %add3A_957, %add3A_12 : i32
      %get3A_959 = arith.index_cast %add3A_958 : i32 to index
      %get3A_960 = tpu.vector_load %arg7[%get3A_959] {strides = array<i32>} : memref<32768xf32, #tpu.memory_space<vmem>>, vector<16xf32>,
      %get3A_961 = vector.shape_cast %get3A_960 : vector<16xf32> to vector<16xf32>
      %gt3A_962 = arith.cmpf ogt, %get3A_961, %select_n3A_940 : vector<16xf32>
      %gt3A_963 = arith.cmpf ogt, %get3A_961, %select_n3A_937 : vector<16xf32>
      %select_n3A_964 = arith.select %gt3A_963, %get3A_961, %select_n3A_937 : vector<16xi1>, vector<16xf32>
      %select_n3A_965 = arith.select %gt3A_962, %select_n3A_940, %select_n3A_964 : vector<16xi1>, vector<16xf32>
      %select_n3A_966 = arith.select %gt3A_963, %broadcast_in_dim3A_956, %select_n3A_939 : vector<16xi1>, vector<16xi32>
      %select_n3A_967 = arith.select %gt3A_962, %select_n3A_941, %select_n3A_966 : vector<16xi1>, vector<16xi32>
      %select_n3A_968 = arith.select %gt3A_962, %get3A_961, %select_n3A_940 : vector<16xi1>, vector<16xf32>
      %select_n3A_969 = arith.select %gt3A_962, %broadcast_in_dim3A_956, %select_n3A_941 : vector<16xi1>, vector<16xi32>
      %add3A_970 = arith.constant 17408 : i32
      %add3A_971 = arith.addi %add3A_970, %add3A_16 : i32
      %get3A_972 = arith.index_cast %add3A_971 : i32 to index
      %get3A_973 = tpu.vector_load %arg7[%get3A_972] {strides = array<i32>} : memref<32768xf32, #tpu.memory_space<vmem>>, vector<16xf32>,
      %get3A_974 = vector.shape_cast %get3A_973 : vector<16xf32> to vector<16xf32>
      %gt3A_975 = arith.cmpf ogt, %get3A_974, %select_n3A_953 : vector<16xf32>
      %gt3A_976 = arith.cmpf ogt, %get3A_974, %select_n3A_950 : vector<16xf32>
      %select_n3A_977 = arith.select %gt3A_976, %get3A_974, %select_n3A_950 : vector<16xi1>, vector<16xf32>
      %select_n3A_978 = arith.select %gt3A_975, %select_n3A_953, %select_n3A_977 : vector<16xi1>, vector<16xf32>
      %select_n3A_979 = arith.select %gt3A_976, %broadcast_in_dim3A_956, %select_n3A_952 : vector<16xi1>, vector<16xi32>
      %select_n3A_980 = arith.select %gt3A_975, %select_n3A_954, %select_n3A_979 : vector<16xi1>, vector<16xi32>
      %select_n3A_981 = arith.select %gt3A_975, %get3A_974, %select_n3A_953 : vector<16xi1>, vector<16xf32>
      %select_n3A_982 = arith.select %gt3A_975, %broadcast_in_dim3A_956, %select_n3A_954 : vector<16xi1>, vector<16xi32>
      %broadcast_in_dim3A_983 = arith.constant 35 : i32
      %broadcast_in_dim3A_984 = vector.broadcast %broadcast_in_dim3A_983 : i32 to vector<16xi32>
      %add3A_985 = arith.constant 17920 : i32
      %add3A_986 = arith.addi %add3A_985, %add3A_12 : i32
      %get3A_987 = arith.index_cast %add3A_986 : i32 to index
      %get3A_988 = tpu.vector_load %arg7[%get3A_987] {strides = array<i32>} : memref<32768xf32, #tpu.memory_space<vmem>>, vector<16xf32>,
      %get3A_989 = vector.shape_cast %get3A_988 : vector<16xf32> to vector<16xf32>
      %gt3A_990 = arith.cmpf ogt, %get3A_989, %select_n3A_968 : vector<16xf32>
      %gt3A_991 = arith.cmpf ogt, %get3A_989, %select_n3A_965 : vector<16xf32>
      %select_n3A_992 = arith.select %gt3A_991, %get3A_989, %select_n3A_965 : vector<16xi1>, vector<16xf32>
      %select_n3A_993 = arith.select %gt3A_990, %select_n3A_968, %select_n3A_992 : vector<16xi1>, vector<16xf32>
      %select_n3A_994 = arith.select %gt3A_991, %broadcast_in_dim3A_984, %select_n3A_967 : vector<16xi1>, vector<16xi32>
      %select_n3A_995 = arith.select %gt3A_990, %select_n3A_969, %select_n3A_994 : vector<16xi1>, vector<16xi32>
      %select_n3A_996 = arith.select %gt3A_990, %get3A_989, %select_n3A_968 : vector<16xi1>, vector<16xf32>
      %select_n3A_997 = arith.select %gt3A_990, %broadcast_in_dim3A_984, %select_n3A_969 : vector<16xi1>, vector<16xi32>
      %add3A_998 = arith.constant 17920 : i32
      %add3A_999 = arith.addi %add3A_998, %add3A_16 : i32
      %get3A_1000 = arith.index_cast %add3A_999 : i32 to index
      %get3A_1001 = tpu.vector_load %arg7[%get3A_1000] {strides = array<i32>} : memref<32768xf32, #tpu.memory_space<vmem>>, vector<16xf32>,
      %get3A_1002 = vector.shape_cast %get3A_1001 : vector<16xf32> to vector<16xf32>
      %gt3A_1003 = arith.cmpf ogt, %get3A_1002, %select_n3A_981 : vector<16xf32>
      %gt3A_1004 = arith.cmpf ogt, %get3A_1002, %select_n3A_978 : vector<16xf32>
      %select_n3A_1005 = arith.select %gt3A_1004, %get3A_1002, %select_n3A_978 : vector<16xi1>, vector<16xf32>
      %select_n3A_1006 = arith.select %gt3A_1003, %select_n3A_981, %select_n3A_1005 : vector<16xi1>, vector<16xf32>
      %select_n3A_1007 = arith.select %gt3A_1004, %broadcast_in_dim3A_984, %select_n3A_980 : vector<16xi1>, vector<16xi32>
      %select_n3A_1008 = arith.select %gt3A_1003, %select_n3A_982, %select_n3A_1007 : vector<16xi1>, vector<16xi32>
      %select_n3A_1009 = arith.select %gt3A_1003, %get3A_1002, %select_n3A_981 : vector<16xi1>, vector<16xf32>
      %select_n3A_1010 = arith.select %gt3A_1003, %broadcast_in_dim3A_984, %select_n3A_982 : vector<16xi1>, vector<16xi32>
      %broadcast_in_dim3A_1011 = arith.constant 36 : i32
      %broadcast_in_dim3A_1012 = vector.broadcast %broadcast_in_dim3A_1011 : i32 to vector<16xi32>
      %add3A_1013 = arith.constant 18432 : i32
      %add3A_1014 = arith.addi %add3A_1013, %add3A_12 : i32
      %get3A_1015 = arith.index_cast %add3A_1014 : i32 to index
      %get3A_1016 = tpu.vector_load %arg7[%get3A_1015] {strides = array<i32>} : memref<32768xf32, #tpu.memory_space<vmem>>, vector<16xf32>,
      %get3A_1017 = vector.shape_cast %get3A_1016 : vector<16xf32> to vector<16xf32>
      %gt3A_1018 = arith.cmpf ogt, %get3A_1017, %select_n3A_996 : vector<16xf32>
      %gt3A_1019 = arith.cmpf ogt, %get3A_1017, %select_n3A_993 : vector<16xf32>
      %select_n3A_1020 = arith.select %gt3A_1019, %get3A_1017, %select_n3A_993 : vector<16xi1>, vector<16xf32>
      %select_n3A_1021 = arith.select %gt3A_1018, %select_n3A_996, %select_n3A_1020 : vector<16xi1>, vector<16xf32>
      %select_n3A_1022 = arith.select %gt3A_1019, %broadcast_in_dim3A_1012, %select_n3A_995 : vector<16xi1>, vector<16xi32>
      %select_n3A_1023 = arith.select %gt3A_1018, %select_n3A_997, %select_n3A_1022 : vector<16xi1>, vector<16xi32>
      %select_n3A_1024 = arith.select %gt3A_1018, %get3A_1017, %select_n3A_996 : vector<16xi1>, vector<16xf32>
      %select_n3A_1025 = arith.select %gt3A_1018, %broadcast_in_dim3A_1012, %select_n3A_997 : vector<16xi1>, vector<16xi32>
      %add3A_1026 = arith.constant 18432 : i32
      %add3A_1027 = arith.addi %add3A_1026, %add3A_16 : i32
      %get3A_1028 = arith.index_cast %add3A_1027 : i32 to index
      %get3A_1029 = tpu.vector_load %arg7[%get3A_1028] {strides = array<i32>} : memref<32768xf32, #tpu.memory_space<vmem>>, vector<16xf32>,
      %get3A_1030 = vector.shape_cast %get3A_1029 : vector<16xf32> to vector<16xf32>
      %gt3A_1031 = arith.cmpf ogt, %get3A_1030, %select_n3A_1009 : vector<16xf32>
      %gt3A_1032 = arith.cmpf ogt, %get3A_1030, %select_n3A_1006 : vector<16xf32>
      %select_n3A_1033 = arith.select %gt3A_1032, %get3A_1030, %select_n3A_1006 : vector<16xi1>, vector<16xf32>
      %select_n3A_1034 = arith.select %gt3A_1031, %select_n3A_1009, %select_n3A_1033 : vector<16xi1>, vector<16xf32>
      %select_n3A_1035 = arith.select %gt3A_1032, %broadcast_in_dim3A_1012, %select_n3A_1008 : vector<16xi1>, vector<16xi32>
      %select_n3A_1036 = arith.select %gt3A_1031, %select_n3A_1010, %select_n3A_1035 : vector<16xi1>, vector<16xi32>
      %select_n3A_1037 = arith.select %gt3A_1031, %get3A_1030, %select_n3A_1009 : vector<16xi1>, vector<16xf32>
      %select_n3A_1038 = arith.select %gt3A_1031, %broadcast_in_dim3A_1012, %select_n3A_1010 : vector<16xi1>, vector<16xi32>
      %broadcast_in_dim3A_1039 = arith.constant 37 : i32
      %broadcast_in_dim3A_1040 = vector.broadcast %broadcast_in_dim3A_1039 : i32 to vector<16xi32>
      %add3A_1041 = arith.constant 18944 : i32
      %add3A_1042 = arith.addi %add3A_1041, %add3A_12 : i32
      %get3A_1043 = arith.index_cast %add3A_1042 : i32 to index
      %get3A_1044 = tpu.vector_load %arg7[%get3A_1043] {strides = array<i32>} : memref<32768xf32, #tpu.memory_space<vmem>>, vector<16xf32>,
      %get3A_1045 = vector.shape_cast %get3A_1044 : vector<16xf32> to vector<16xf32>
      %gt3A_1046 = arith.cmpf ogt, %get3A_1045, %select_n3A_1024 : vector<16xf32>
      %gt3A_1047 = arith.cmpf ogt, %get3A_1045, %select_n3A_1021 : vector<16xf32>
      %select_n3A_1048 = arith.select %gt3A_1047, %get3A_1045, %select_n3A_1021 : vector<16xi1>, vector<16xf32>
      %select_n3A_1049 = arith.select %gt3A_1046, %select_n3A_1024, %select_n3A_1048 : vector<16xi1>, vector<16xf32>
      %select_n3A_1050 = arith.select %gt3A_1047, %broadcast_in_dim3A_1040, %select_n3A_1023 : vector<16xi1>, vector<16xi32>
      %select_n3A_1051 = arith.select %gt3A_1046, %select_n3A_1025, %select_n3A_1050 : vector<16xi1>, vector<16xi32>
      %select_n3A_1052 = arith.select %gt3A_1046, %get3A_1045, %select_n3A_1024 : vector<16xi1>, vector<16xf32>
      %select_n3A_1053 = arith.select %gt3A_1046, %broadcast_in_dim3A_1040, %select_n3A_1025 : vector<16xi1>, vector<16xi32>
      %add3A_1054 = arith.constant 18944 : i32
      %add3A_1055 = arith.addi %add3A_1054, %add3A_16 : i32
      %get3A_1056 = arith.index_cast %add3A_1055 : i32 to index
      %get3A_1057 = tpu.vector_load %arg7[%get3A_1056] {strides = array<i32>} : memref<32768xf32, #tpu.memory_space<vmem>>, vector<16xf32>,
      %get3A_1058 = vector.shape_cast %get3A_1057 : vector<16xf32> to vector<16xf32>
      %gt3A_1059 = arith.cmpf ogt, %get3A_1058, %select_n3A_1037 : vector<16xf32>
      %gt3A_1060 = arith.cmpf ogt, %get3A_1058, %select_n3A_1034 : vector<16xf32>
      %select_n3A_1061 = arith.select %gt3A_1060, %get3A_1058, %select_n3A_1034 : vector<16xi1>, vector<16xf32>
      %select_n3A_1062 = arith.select %gt3A_1059, %select_n3A_1037, %select_n3A_1061 : vector<16xi1>, vector<16xf32>
      %select_n3A_1063 = arith.select %gt3A_1060, %broadcast_in_dim3A_1040, %select_n3A_1036 : vector<16xi1>, vector<16xi32>
      %select_n3A_1064 = arith.select %gt3A_1059, %select_n3A_1038, %select_n3A_1063 : vector<16xi1>, vector<16xi32>
      %select_n3A_1065 = arith.select %gt3A_1059, %get3A_1058, %select_n3A_1037 : vector<16xi1>, vector<16xf32>
      %select_n3A_1066 = arith.select %gt3A_1059, %broadcast_in_dim3A_1040, %select_n3A_1038 : vector<16xi1>, vector<16xi32>
      %broadcast_in_dim3A_1067 = arith.constant 38 : i32
      %broadcast_in_dim3A_1068 = vector.broadcast %broadcast_in_dim3A_1067 : i32 to vector<16xi32>
      %add3A_1069 = arith.constant 19456 : i32
      %add3A_1070 = arith.addi %add3A_1069, %add3A_12 : i32
      %get3A_1071 = arith.index_cast %add3A_1070 : i32 to index
      %get3A_1072 = tpu.vector_load %arg7[%get3A_1071] {strides = array<i32>} : memref<32768xf32, #tpu.memory_space<vmem>>, vector<16xf32>,
      %get3A_1073 = vector.shape_cast %get3A_1072 : vector<16xf32> to vector<16xf32>
      %gt3A_1074 = arith.cmpf ogt, %get3A_1073, %select_n3A_1052 : vector<16xf32>
      %gt3A_1075 = arith.cmpf ogt, %get3A_1073, %select_n3A_1049 : vector<16xf32>
      %select_n3A_1076 = arith.select %gt3A_1075, %get3A_1073, %select_n3A_1049 : vector<16xi1>, vector<16xf32>
      %select_n3A_1077 = arith.select %gt3A_1074, %select_n3A_1052, %select_n3A_1076 : vector<16xi1>, vector<16xf32>
      %select_n3A_1078 = arith.select %gt3A_1075, %broadcast_in_dim3A_1068, %select_n3A_1051 : vector<16xi1>, vector<16xi32>
      %select_n3A_1079 = arith.select %gt3A_1074, %select_n3A_1053, %select_n3A_1078 : vector<16xi1>, vector<16xi32>
      %select_n3A_1080 = arith.select %gt3A_1074, %get3A_1073, %select_n3A_1052 : vector<16xi1>, vector<16xf32>
      %select_n3A_1081 = arith.select %gt3A_1074, %broadcast_in_dim3A_1068, %select_n3A_1053 : vector<16xi1>, vector<16xi32>
      %add3A_1082 = arith.constant 19456 : i32
      %add3A_1083 = arith.addi %add3A_1082, %add3A_16 : i32
      %get3A_1084 = arith.index_cast %add3A_1083 : i32 to index
      %get3A_1085 = tpu.vector_load %arg7[%get3A_1084] {strides = array<i32>} : memref<32768xf32, #tpu.memory_space<vmem>>, vector<16xf32>,
      %get3A_1086 = vector.shape_cast %get3A_1085 : vector<16xf32> to vector<16xf32>
      %gt3A_1087 = arith.cmpf ogt, %get3A_1086, %select_n3A_1065 : vector<16xf32>
      %gt3A_1088 = arith.cmpf ogt, %get3A_1086, %select_n3A_1062 : vector<16xf32>
      %select_n3A_1089 = arith.select %gt3A_1088, %get3A_1086, %select_n3A_1062 : vector<16xi1>, vector<16xf32>
      %select_n3A_1090 = arith.select %gt3A_1087, %select_n3A_1065, %select_n3A_1089 : vector<16xi1>, vector<16xf32>
      %select_n3A_1091 = arith.select %gt3A_1088, %broadcast_in_dim3A_1068, %select_n3A_1064 : vector<16xi1>, vector<16xi32>
      %select_n3A_1092 = arith.select %gt3A_1087, %select_n3A_1066, %select_n3A_1091 : vector<16xi1>, vector<16xi32>
      %select_n3A_1093 = arith.select %gt3A_1087, %get3A_1086, %select_n3A_1065 : vector<16xi1>, vector<16xf32>
      %select_n3A_1094 = arith.select %gt3A_1087, %broadcast_in_dim3A_1068, %select_n3A_1066 : vector<16xi1>, vector<16xi32>
      %broadcast_in_dim3A_1095 = arith.constant 39 : i32
      %broadcast_in_dim3A_1096 = vector.broadcast %broadcast_in_dim3A_1095 : i32 to vector<16xi32>
      %add3A_1097 = arith.constant 19968 : i32
      %add3A_1098 = arith.addi %add3A_1097, %add3A_12 : i32
      %get3A_1099 = arith.index_cast %add3A_1098 : i32 to index
      %get3A_1100 = tpu.vector_load %arg7[%get3A_1099] {strides = array<i32>} : memref<32768xf32, #tpu.memory_space<vmem>>, vector<16xf32>,
      %get3A_1101 = vector.shape_cast %get3A_1100 : vector<16xf32> to vector<16xf32>
      %gt3A_1102 = arith.cmpf ogt, %get3A_1101, %select_n3A_1080 : vector<16xf32>
      %gt3A_1103 = arith.cmpf ogt, %get3A_1101, %select_n3A_1077 : vector<16xf32>
      %select_n3A_1104 = arith.select %gt3A_1103, %get3A_1101, %select_n3A_1077 : vector<16xi1>, vector<16xf32>
      %select_n3A_1105 = arith.select %gt3A_1102, %select_n3A_1080, %select_n3A_1104 : vector<16xi1>, vector<16xf32>
      %select_n3A_1106 = arith.select %gt3A_1103, %broadcast_in_dim3A_1096, %select_n3A_1079 : vector<16xi1>, vector<16xi32>
      %select_n3A_1107 = arith.select %gt3A_1102, %select_n3A_1081, %select_n3A_1106 : vector<16xi1>, vector<16xi32>
      %select_n3A_1108 = arith.select %gt3A_1102, %get3A_1101, %select_n3A_1080 : vector<16xi1>, vector<16xf32>
      %select_n3A_1109 = arith.select %gt3A_1102, %broadcast_in_dim3A_1096, %select_n3A_1081 : vector<16xi1>, vector<16xi32>
      %add3A_1110 = arith.constant 19968 : i32
      %add3A_1111 = arith.addi %add3A_1110, %add3A_16 : i32
      %get3A_1112 = arith.index_cast %add3A_1111 : i32 to index
      %get3A_1113 = tpu.vector_load %arg7[%get3A_1112] {strides = array<i32>} : memref<32768xf32, #tpu.memory_space<vmem>>, vector<16xf32>,
      %get3A_1114 = vector.shape_cast %get3A_1113 : vector<16xf32> to vector<16xf32>
      %gt3A_1115 = arith.cmpf ogt, %get3A_1114, %select_n3A_1093 : vector<16xf32>
      %gt3A_1116 = arith.cmpf ogt, %get3A_1114, %select_n3A_1090 : vector<16xf32>
      %select_n3A_1117 = arith.select %gt3A_1116, %get3A_1114, %select_n3A_1090 : vector<16xi1>, vector<16xf32>
      %select_n3A_1118 = arith.select %gt3A_1115, %select_n3A_1093, %select_n3A_1117 : vector<16xi1>, vector<16xf32>
      %select_n3A_1119 = arith.select %gt3A_1116, %broadcast_in_dim3A_1096, %select_n3A_1092 : vector<16xi1>, vector<16xi32>
      %select_n3A_1120 = arith.select %gt3A_1115, %select_n3A_1094, %select_n3A_1119 : vector<16xi1>, vector<16xi32>
      %select_n3A_1121 = arith.select %gt3A_1115, %get3A_1114, %select_n3A_1093 : vector<16xi1>, vector<16xf32>
      %select_n3A_1122 = arith.select %gt3A_1115, %broadcast_in_dim3A_1096, %select_n3A_1094 : vector<16xi1>, vector<16xi32>
      %broadcast_in_dim3A_1123 = arith.constant 40 : i32
      %broadcast_in_dim3A_1124 = vector.broadcast %broadcast_in_dim3A_1123 : i32 to vector<16xi32>
      %add3A_1125 = arith.constant 20480 : i32
      %add3A_1126 = arith.addi %add3A_1125, %add3A_12 : i32
      %get3A_1127 = arith.index_cast %add3A_1126 : i32 to index
      %get3A_1128 = tpu.vector_load %arg7[%get3A_1127] {strides = array<i32>} : memref<32768xf32, #tpu.memory_space<vmem>>, vector<16xf32>,
      %get3A_1129 = vector.shape_cast %get3A_1128 : vector<16xf32> to vector<16xf32>
      %gt3A_1130 = arith.cmpf ogt, %get3A_1129, %select_n3A_1108 : vector<16xf32>
      %gt3A_1131 = arith.cmpf ogt, %get3A_1129, %select_n3A_1105 : vector<16xf32>
      %select_n3A_1132 = arith.select %gt3A_1131, %get3A_1129, %select_n3A_1105 : vector<16xi1>, vector<16xf32>
      %select_n3A_1133 = arith.select %gt3A_1130, %select_n3A_1108, %select_n3A_1132 : vector<16xi1>, vector<16xf32>
      %select_n3A_1134 = arith.select %gt3A_1131, %broadcast_in_dim3A_1124, %select_n3A_1107 : vector<16xi1>, vector<16xi32>
      %select_n3A_1135 = arith.select %gt3A_1130, %select_n3A_1109, %select_n3A_1134 : vector<16xi1>, vector<16xi32>
      %select_n3A_1136 = arith.select %gt3A_1130, %get3A_1129, %select_n3A_1108 : vector<16xi1>, vector<16xf32>
      %select_n3A_1137 = arith.select %gt3A_1130, %broadcast_in_dim3A_1124, %select_n3A_1109 : vector<16xi1>, vector<16xi32>
      %add3A_1138 = arith.constant 20480 : i32
      %add3A_1139 = arith.addi %add3A_1138, %add3A_16 : i32
      %get3A_1140 = arith.index_cast %add3A_1139 : i32 to index
      %get3A_1141 = tpu.vector_load %arg7[%get3A_1140] {strides = array<i32>} : memref<32768xf32, #tpu.memory_space<vmem>>, vector<16xf32>,
      %get3A_1142 = vector.shape_cast %get3A_1141 : vector<16xf32> to vector<16xf32>
      %gt3A_1143 = arith.cmpf ogt, %get3A_1142, %select_n3A_1121 : vector<16xf32>
      %gt3A_1144 = arith.cmpf ogt, %get3A_1142, %select_n3A_1118 : vector<16xf32>
      %select_n3A_1145 = arith.select %gt3A_1144, %get3A_1142, %select_n3A_1118 : vector<16xi1>, vector<16xf32>
      %select_n3A_1146 = arith.select %gt3A_1143, %select_n3A_1121, %select_n3A_1145 : vector<16xi1>, vector<16xf32>
      %select_n3A_1147 = arith.select %gt3A_1144, %broadcast_in_dim3A_1124, %select_n3A_1120 : vector<16xi1>, vector<16xi32>
      %select_n3A_1148 = arith.select %gt3A_1143, %select_n3A_1122, %select_n3A_1147 : vector<16xi1>, vector<16xi32>
      %select_n3A_1149 = arith.select %gt3A_1143, %get3A_1142, %select_n3A_1121 : vector<16xi1>, vector<16xf32>
      %select_n3A_1150 = arith.select %gt3A_1143, %broadcast_in_dim3A_1124, %select_n3A_1122 : vector<16xi1>, vector<16xi32>
      %broadcast_in_dim3A_1151 = arith.constant 41 : i32
      %broadcast_in_dim3A_1152 = vector.broadcast %broadcast_in_dim3A_1151 : i32 to vector<16xi32>
      %add3A_1153 = arith.constant 20992 : i32
      %add3A_1154 = arith.addi %add3A_1153, %add3A_12 : i32
      %get3A_1155 = arith.index_cast %add3A_1154 : i32 to index
      %get3A_1156 = tpu.vector_load %arg7[%get3A_1155] {strides = array<i32>} : memref<32768xf32, #tpu.memory_space<vmem>>, vector<16xf32>,
      %get3A_1157 = vector.shape_cast %get3A_1156 : vector<16xf32> to vector<16xf32>
      %gt3A_1158 = arith.cmpf ogt, %get3A_1157, %select_n3A_1136 : vector<16xf32>
      %gt3A_1159 = arith.cmpf ogt, %get3A_1157, %select_n3A_1133 : vector<16xf32>
      %select_n3A_1160 = arith.select %gt3A_1159, %get3A_1157, %select_n3A_1133 : vector<16xi1>, vector<16xf32>
      %select_n3A_1161 = arith.select %gt3A_1158, %select_n3A_1136, %select_n3A_1160 : vector<16xi1>, vector<16xf32>
      %select_n3A_1162 = arith.select %gt3A_1159, %broadcast_in_dim3A_1152, %select_n3A_1135 : vector<16xi1>, vector<16xi32>
      %select_n3A_1163 = arith.select %gt3A_1158, %select_n3A_1137, %select_n3A_1162 : vector<16xi1>, vector<16xi32>
      %select_n3A_1164 = arith.select %gt3A_1158, %get3A_1157, %select_n3A_1136 : vector<16xi1>, vector<16xf32>
      %select_n3A_1165 = arith.select %gt3A_1158, %broadcast_in_dim3A_1152, %select_n3A_1137 : vector<16xi1>, vector<16xi32>
      %add3A_1166 = arith.constant 20992 : i32
      %add3A_1167 = arith.addi %add3A_1166, %add3A_16 : i32
      %get3A_1168 = arith.index_cast %add3A_1167 : i32 to index
      %get3A_1169 = tpu.vector_load %arg7[%get3A_1168] {strides = array<i32>} : memref<32768xf32, #tpu.memory_space<vmem>>, vector<16xf32>,
      %get3A_1170 = vector.shape_cast %get3A_1169 : vector<16xf32> to vector<16xf32>
      %gt3A_1171 = arith.cmpf ogt, %get3A_1170, %select_n3A_1149 : vector<16xf32>
      %gt3A_1172 = arith.cmpf ogt, %get3A_1170, %select_n3A_1146 : vector<16xf32>
      %select_n3A_1173 = arith.select %gt3A_1172, %get3A_1170, %select_n3A_1146 : vector<16xi1>, vector<16xf32>
      %select_n3A_1174 = arith.select %gt3A_1171, %select_n3A_1149, %select_n3A_1173 : vector<16xi1>, vector<16xf32>
      %select_n3A_1175 = arith.select %gt3A_1172, %broadcast_in_dim3A_1152, %select_n3A_1148 : vector<16xi1>, vector<16xi32>
      %select_n3A_1176 = arith.select %gt3A_1171, %select_n3A_1150, %select_n3A_1175 : vector<16xi1>, vector<16xi32>
      %select_n3A_1177 = arith.select %gt3A_1171, %get3A_1170, %select_n3A_1149 : vector<16xi1>, vector<16xf32>
      %select_n3A_1178 = arith.select %gt3A_1171, %broadcast_in_dim3A_1152, %select_n3A_1150 : vector<16xi1>, vector<16xi32>
      %broadcast_in_dim3A_1179 = arith.constant 42 : i32
      %broadcast_in_dim3A_1180 = vector.broadcast %broadcast_in_dim3A_1179 : i32 to vector<16xi32>
      %add3A_1181 = arith.constant 21504 : i32
      %add3A_1182 = arith.addi %add3A_1181, %add3A_12 : i32
      %get3A_1183 = arith.index_cast %add3A_1182 : i32 to index
      %get3A_1184 = tpu.vector_load %arg7[%get3A_1183] {strides = array<i32>} : memref<32768xf32, #tpu.memory_space<vmem>>, vector<16xf32>,
      %get3A_1185 = vector.shape_cast %get3A_1184 : vector<16xf32> to vector<16xf32>
      %gt3A_1186 = arith.cmpf ogt, %get3A_1185, %select_n3A_1164 : vector<16xf32>
      %gt3A_1187 = arith.cmpf ogt, %get3A_1185, %select_n3A_1161 : vector<16xf32>
      %select_n3A_1188 = arith.select %gt3A_1187, %get3A_1185, %select_n3A_1161 : vector<16xi1>, vector<16xf32>
      %select_n3A_1189 = arith.select %gt3A_1186, %select_n3A_1164, %select_n3A_1188 : vector<16xi1>, vector<16xf32>
      %select_n3A_1190 = arith.select %gt3A_1187, %broadcast_in_dim3A_1180, %select_n3A_1163 : vector<16xi1>, vector<16xi32>
      %select_n3A_1191 = arith.select %gt3A_1186, %select_n3A_1165, %select_n3A_1190 : vector<16xi1>, vector<16xi32>
      %select_n3A_1192 = arith.select %gt3A_1186, %get3A_1185, %select_n3A_1164 : vector<16xi1>, vector<16xf32>
      %select_n3A_1193 = arith.select %gt3A_1186, %broadcast_in_dim3A_1180, %select_n3A_1165 : vector<16xi1>, vector<16xi32>
      %add3A_1194 = arith.constant 21504 : i32
      %add3A_1195 = arith.addi %add3A_1194, %add3A_16 : i32
      %get3A_1196 = arith.index_cast %add3A_1195 : i32 to index
      %get3A_1197 = tpu.vector_load %arg7[%get3A_1196] {strides = array<i32>} : memref<32768xf32, #tpu.memory_space<vmem>>, vector<16xf32>,
      %get3A_1198 = vector.shape_cast %get3A_1197 : vector<16xf32> to vector<16xf32>
      %gt3A_1199 = arith.cmpf ogt, %get3A_1198, %select_n3A_1177 : vector<16xf32>
      %gt3A_1200 = arith.cmpf ogt, %get3A_1198, %select_n3A_1174 : vector<16xf32>
      %select_n3A_1201 = arith.select %gt3A_1200, %get3A_1198, %select_n3A_1174 : vector<16xi1>, vector<16xf32>
      %select_n3A_1202 = arith.select %gt3A_1199, %select_n3A_1177, %select_n3A_1201 : vector<16xi1>, vector<16xf32>
      %select_n3A_1203 = arith.select %gt3A_1200, %broadcast_in_dim3A_1180, %select_n3A_1176 : vector<16xi1>, vector<16xi32>
      %select_n3A_1204 = arith.select %gt3A_1199, %select_n3A_1178, %select_n3A_1203 : vector<16xi1>, vector<16xi32>
      %select_n3A_1205 = arith.select %gt3A_1199, %get3A_1198, %select_n3A_1177 : vector<16xi1>, vector<16xf32>
      %select_n3A_1206 = arith.select %gt3A_1199, %broadcast_in_dim3A_1180, %select_n3A_1178 : vector<16xi1>, vector<16xi32>
      %broadcast_in_dim3A_1207 = arith.constant 43 : i32
      %broadcast_in_dim3A_1208 = vector.broadcast %broadcast_in_dim3A_1207 : i32 to vector<16xi32>
      %add3A_1209 = arith.constant 22016 : i32
      %add3A_1210 = arith.addi %add3A_1209, %add3A_12 : i32
      %get3A_1211 = arith.index_cast %add3A_1210 : i32 to index
      %get3A_1212 = tpu.vector_load %arg7[%get3A_1211] {strides = array<i32>} : memref<32768xf32, #tpu.memory_space<vmem>>, vector<16xf32>,
      %get3A_1213 = vector.shape_cast %get3A_1212 : vector<16xf32> to vector<16xf32>
      %gt3A_1214 = arith.cmpf ogt, %get3A_1213, %select_n3A_1192 : vector<16xf32>
      %gt3A_1215 = arith.cmpf ogt, %get3A_1213, %select_n3A_1189 : vector<16xf32>
      %select_n3A_1216 = arith.select %gt3A_1215, %get3A_1213, %select_n3A_1189 : vector<16xi1>, vector<16xf32>
      %select_n3A_1217 = arith.select %gt3A_1214, %select_n3A_1192, %select_n3A_1216 : vector<16xi1>, vector<16xf32>
      %select_n3A_1218 = arith.select %gt3A_1215, %broadcast_in_dim3A_1208, %select_n3A_1191 : vector<16xi1>, vector<16xi32>
      %select_n3A_1219 = arith.select %gt3A_1214, %select_n3A_1193, %select_n3A_1218 : vector<16xi1>, vector<16xi32>
      %select_n3A_1220 = arith.select %gt3A_1214, %get3A_1213, %select_n3A_1192 : vector<16xi1>, vector<16xf32>
      %select_n3A_1221 = arith.select %gt3A_1214, %broadcast_in_dim3A_1208, %select_n3A_1193 : vector<16xi1>, vector<16xi32>
      %add3A_1222 = arith.constant 22016 : i32
      %add3A_1223 = arith.addi %add3A_1222, %add3A_16 : i32
      %get3A_1224 = arith.index_cast %add3A_1223 : i32 to index
      %get3A_1225 = tpu.vector_load %arg7[%get3A_1224] {strides = array<i32>} : memref<32768xf32, #tpu.memory_space<vmem>>, vector<16xf32>,
      %get3A_1226 = vector.shape_cast %get3A_1225 : vector<16xf32> to vector<16xf32>
      %gt3A_1227 = arith.cmpf ogt, %get3A_1226, %select_n3A_1205 : vector<16xf32>
      %gt3A_1228 = arith.cmpf ogt, %get3A_1226, %select_n3A_1202 : vector<16xf32>
      %select_n3A_1229 = arith.select %gt3A_1228, %get3A_1226, %select_n3A_1202 : vector<16xi1>, vector<16xf32>
      %select_n3A_1230 = arith.select %gt3A_1227, %select_n3A_1205, %select_n3A_1229 : vector<16xi1>, vector<16xf32>
      %select_n3A_1231 = arith.select %gt3A_1228, %broadcast_in_dim3A_1208, %select_n3A_1204 : vector<16xi1>, vector<16xi32>
      %select_n3A_1232 = arith.select %gt3A_1227, %select_n3A_1206, %select_n3A_1231 : vector<16xi1>, vector<16xi32>
      %select_n3A_1233 = arith.select %gt3A_1227, %get3A_1226, %select_n3A_1205 : vector<16xi1>, vector<16xf32>
      %select_n3A_1234 = arith.select %gt3A_1227, %broadcast_in_dim3A_1208, %select_n3A_1206 : vector<16xi1>, vector<16xi32>
      %broadcast_in_dim3A_1235 = arith.constant 44 : i32
      %broadcast_in_dim3A_1236 = vector.broadcast %broadcast_in_dim3A_1235 : i32 to vector<16xi32>
      %add3A_1237 = arith.constant 22528 : i32
      %add3A_1238 = arith.addi %add3A_1237, %add3A_12 : i32
      %get3A_1239 = arith.index_cast %add3A_1238 : i32 to index
      %get3A_1240 = tpu.vector_load %arg7[%get3A_1239] {strides = array<i32>} : memref<32768xf32, #tpu.memory_space<vmem>>, vector<16xf32>,
      %get3A_1241 = vector.shape_cast %get3A_1240 : vector<16xf32> to vector<16xf32>
      %gt3A_1242 = arith.cmpf ogt, %get3A_1241, %select_n3A_1220 : vector<16xf32>
      %gt3A_1243 = arith.cmpf ogt, %get3A_1241, %select_n3A_1217 : vector<16xf32>
      %select_n3A_1244 = arith.select %gt3A_1243, %get3A_1241, %select_n3A_1217 : vector<16xi1>, vector<16xf32>
      %select_n3A_1245 = arith.select %gt3A_1242, %select_n3A_1220, %select_n3A_1244 : vector<16xi1>, vector<16xf32>
      %select_n3A_1246 = arith.select %gt3A_1243, %broadcast_in_dim3A_1236, %select_n3A_1219 : vector<16xi1>, vector<16xi32>
      %select_n3A_1247 = arith.select %gt3A_1242, %select_n3A_1221, %select_n3A_1246 : vector<16xi1>, vector<16xi32>
      %select_n3A_1248 = arith.select %gt3A_1242, %get3A_1241, %select_n3A_1220 : vector<16xi1>, vector<16xf32>
      %select_n3A_1249 = arith.select %gt3A_1242, %broadcast_in_dim3A_1236, %select_n3A_1221 : vector<16xi1>, vector<16xi32>
      %add3A_1250 = arith.constant 22528 : i32
      %add3A_1251 = arith.addi %add3A_1250, %add3A_16 : i32
      %get3A_1252 = arith.index_cast %add3A_1251 : i32 to index
      %get3A_1253 = tpu.vector_load %arg7[%get3A_1252] {strides = array<i32>} : memref<32768xf32, #tpu.memory_space<vmem>>, vector<16xf32>,
      %get3A_1254 = vector.shape_cast %get3A_1253 : vector<16xf32> to vector<16xf32>
      %gt3A_1255 = arith.cmpf ogt, %get3A_1254, %select_n3A_1233 : vector<16xf32>
      %gt3A_1256 = arith.cmpf ogt, %get3A_1254, %select_n3A_1230 : vector<16xf32>
      %select_n3A_1257 = arith.select %gt3A_1256, %get3A_1254, %select_n3A_1230 : vector<16xi1>, vector<16xf32>
      %select_n3A_1258 = arith.select %gt3A_1255, %select_n3A_1233, %select_n3A_1257 : vector<16xi1>, vector<16xf32>
      %select_n3A_1259 = arith.select %gt3A_1256, %broadcast_in_dim3A_1236, %select_n3A_1232 : vector<16xi1>, vector<16xi32>
      %select_n3A_1260 = arith.select %gt3A_1255, %select_n3A_1234, %select_n3A_1259 : vector<16xi1>, vector<16xi32>
      %select_n3A_1261 = arith.select %gt3A_1255, %get3A_1254, %select_n3A_1233 : vector<16xi1>, vector<16xf32>
      %select_n3A_1262 = arith.select %gt3A_1255, %broadcast_in_dim3A_1236, %select_n3A_1234 : vector<16xi1>, vector<16xi32>
      %broadcast_in_dim3A_1263 = arith.constant 45 : i32
      %broadcast_in_dim3A_1264 = vector.broadcast %broadcast_in_dim3A_1263 : i32 to vector<16xi32>
      %add3A_1265 = arith.constant 23040 : i32
      %add3A_1266 = arith.addi %add3A_1265, %add3A_12 : i32
      %get3A_1267 = arith.index_cast %add3A_1266 : i32 to index
      %get3A_1268 = tpu.vector_load %arg7[%get3A_1267] {strides = array<i32>} : memref<32768xf32, #tpu.memory_space<vmem>>, vector<16xf32>,
      %get3A_1269 = vector.shape_cast %get3A_1268 : vector<16xf32> to vector<16xf32>
      %gt3A_1270 = arith.cmpf ogt, %get3A_1269, %select_n3A_1248 : vector<16xf32>
      %gt3A_1271 = arith.cmpf ogt, %get3A_1269, %select_n3A_1245 : vector<16xf32>
      %select_n3A_1272 = arith.select %gt3A_1271, %get3A_1269, %select_n3A_1245 : vector<16xi1>, vector<16xf32>
      %select_n3A_1273 = arith.select %gt3A_1270, %select_n3A_1248, %select_n3A_1272 : vector<16xi1>, vector<16xf32>
      %select_n3A_1274 = arith.select %gt3A_1271, %broadcast_in_dim3A_1264, %select_n3A_1247 : vector<16xi1>, vector<16xi32>
      %select_n3A_1275 = arith.select %gt3A_1270, %select_n3A_1249, %select_n3A_1274 : vector<16xi1>, vector<16xi32>
      %select_n3A_1276 = arith.select %gt3A_1270, %get3A_1269, %select_n3A_1248 : vector<16xi1>, vector<16xf32>
      %select_n3A_1277 = arith.select %gt3A_1270, %broadcast_in_dim3A_1264, %select_n3A_1249 : vector<16xi1>, vector<16xi32>
      %add3A_1278 = arith.constant 23040 : i32
      %add3A_1279 = arith.addi %add3A_1278, %add3A_16 : i32
      %get3A_1280 = arith.index_cast %add3A_1279 : i32 to index
      %get3A_1281 = tpu.vector_load %arg7[%get3A_1280] {strides = array<i32>} : memref<32768xf32, #tpu.memory_space<vmem>>, vector<16xf32>,
      %get3A_1282 = vector.shape_cast %get3A_1281 : vector<16xf32> to vector<16xf32>
      %gt3A_1283 = arith.cmpf ogt, %get3A_1282, %select_n3A_1261 : vector<16xf32>
      %gt3A_1284 = arith.cmpf ogt, %get3A_1282, %select_n3A_1258 : vector<16xf32>
      %select_n3A_1285 = arith.select %gt3A_1284, %get3A_1282, %select_n3A_1258 : vector<16xi1>, vector<16xf32>
      %select_n3A_1286 = arith.select %gt3A_1283, %select_n3A_1261, %select_n3A_1285 : vector<16xi1>, vector<16xf32>
      %select_n3A_1287 = arith.select %gt3A_1284, %broadcast_in_dim3A_1264, %select_n3A_1260 : vector<16xi1>, vector<16xi32>
      %select_n3A_1288 = arith.select %gt3A_1283, %select_n3A_1262, %select_n3A_1287 : vector<16xi1>, vector<16xi32>
      %select_n3A_1289 = arith.select %gt3A_1283, %get3A_1282, %select_n3A_1261 : vector<16xi1>, vector<16xf32>
      %select_n3A_1290 = arith.select %gt3A_1283, %broadcast_in_dim3A_1264, %select_n3A_1262 : vector<16xi1>, vector<16xi32>
      %broadcast_in_dim3A_1291 = arith.constant 46 : i32
      %broadcast_in_dim3A_1292 = vector.broadcast %broadcast_in_dim3A_1291 : i32 to vector<16xi32>
      %add3A_1293 = arith.constant 23552 : i32
      %add3A_1294 = arith.addi %add3A_1293, %add3A_12 : i32
      %get3A_1295 = arith.index_cast %add3A_1294 : i32 to index
      %get3A_1296 = tpu.vector_load %arg7[%get3A_1295] {strides = array<i32>} : memref<32768xf32, #tpu.memory_space<vmem>>, vector<16xf32>,
      %get3A_1297 = vector.shape_cast %get3A_1296 : vector<16xf32> to vector<16xf32>
      %gt3A_1298 = arith.cmpf ogt, %get3A_1297, %select_n3A_1276 : vector<16xf32>
      %gt3A_1299 = arith.cmpf ogt, %get3A_1297, %select_n3A_1273 : vector<16xf32>
      %select_n3A_1300 = arith.select %gt3A_1299, %get3A_1297, %select_n3A_1273 : vector<16xi1>, vector<16xf32>
      %select_n3A_1301 = arith.select %gt3A_1298, %select_n3A_1276, %select_n3A_1300 : vector<16xi1>, vector<16xf32>
      %select_n3A_1302 = arith.select %gt3A_1299, %broadcast_in_dim3A_1292, %select_n3A_1275 : vector<16xi1>, vector<16xi32>
      %select_n3A_1303 = arith.select %gt3A_1298, %select_n3A_1277, %select_n3A_1302 : vector<16xi1>, vector<16xi32>
      %select_n3A_1304 = arith.select %gt3A_1298, %get3A_1297, %select_n3A_1276 : vector<16xi1>, vector<16xf32>
      %select_n3A_1305 = arith.select %gt3A_1298, %broadcast_in_dim3A_1292, %select_n3A_1277 : vector<16xi1>, vector<16xi32>
      %add3A_1306 = arith.constant 23552 : i32
      %add3A_1307 = arith.addi %add3A_1306, %add3A_16 : i32
      %get3A_1308 = arith.index_cast %add3A_1307 : i32 to index
      %get3A_1309 = tpu.vector_load %arg7[%get3A_1308] {strides = array<i32>} : memref<32768xf32, #tpu.memory_space<vmem>>, vector<16xf32>,
      %get3A_1310 = vector.shape_cast %get3A_1309 : vector<16xf32> to vector<16xf32>
      %gt3A_1311 = arith.cmpf ogt, %get3A_1310, %select_n3A_1289 : vector<16xf32>
      %gt3A_1312 = arith.cmpf ogt, %get3A_1310, %select_n3A_1286 : vector<16xf32>
      %select_n3A_1313 = arith.select %gt3A_1312, %get3A_1310, %select_n3A_1286 : vector<16xi1>, vector<16xf32>
      %select_n3A_1314 = arith.select %gt3A_1311, %select_n3A_1289, %select_n3A_1313 : vector<16xi1>, vector<16xf32>
      %select_n3A_1315 = arith.select %gt3A_1312, %broadcast_in_dim3A_1292, %select_n3A_1288 : vector<16xi1>, vector<16xi32>
      %select_n3A_1316 = arith.select %gt3A_1311, %select_n3A_1290, %select_n3A_1315 : vector<16xi1>, vector<16xi32>
      %select_n3A_1317 = arith.select %gt3A_1311, %get3A_1310, %select_n3A_1289 : vector<16xi1>, vector<16xf32>
      %select_n3A_1318 = arith.select %gt3A_1311, %broadcast_in_dim3A_1292, %select_n3A_1290 : vector<16xi1>, vector<16xi32>
      %broadcast_in_dim3A_1319 = arith.constant 47 : i32
      %broadcast_in_dim3A_1320 = vector.broadcast %broadcast_in_dim3A_1319 : i32 to vector<16xi32>
      %add3A_1321 = arith.constant 24064 : i32
      %add3A_1322 = arith.addi %add3A_1321, %add3A_12 : i32
      %get3A_1323 = arith.index_cast %add3A_1322 : i32 to index
      %get3A_1324 = tpu.vector_load %arg7[%get3A_1323] {strides = array<i32>} : memref<32768xf32, #tpu.memory_space<vmem>>, vector<16xf32>,
      %get3A_1325 = vector.shape_cast %get3A_1324 : vector<16xf32> to vector<16xf32>
      %gt3A_1326 = arith.cmpf ogt, %get3A_1325, %select_n3A_1304 : vector<16xf32>
      %gt3A_1327 = arith.cmpf ogt, %get3A_1325, %select_n3A_1301 : vector<16xf32>
      %select_n3A_1328 = arith.select %gt3A_1327, %get3A_1325, %select_n3A_1301 : vector<16xi1>, vector<16xf32>
      %select_n3A_1329 = arith.select %gt3A_1326, %select_n3A_1304, %select_n3A_1328 : vector<16xi1>, vector<16xf32>
      %select_n3A_1330 = arith.select %gt3A_1327, %broadcast_in_dim3A_1320, %select_n3A_1303 : vector<16xi1>, vector<16xi32>
      %select_n3A_1331 = arith.select %gt3A_1326, %select_n3A_1305, %select_n3A_1330 : vector<16xi1>, vector<16xi32>
      %select_n3A_1332 = arith.select %gt3A_1326, %get3A_1325, %select_n3A_1304 : vector<16xi1>, vector<16xf32>
      %select_n3A_1333 = arith.select %gt3A_1326, %broadcast_in_dim3A_1320, %select_n3A_1305 : vector<16xi1>, vector<16xi32>
      %add3A_1334 = arith.constant 24064 : i32
      %add3A_1335 = arith.addi %add3A_1334, %add3A_16 : i32
      %get3A_1336 = arith.index_cast %add3A_1335 : i32 to index
      %get3A_1337 = tpu.vector_load %arg7[%get3A_1336] {strides = array<i32>} : memref<32768xf32, #tpu.memory_space<vmem>>, vector<16xf32>,
      %get3A_1338 = vector.shape_cast %get3A_1337 : vector<16xf32> to vector<16xf32>
      %gt3A_1339 = arith.cmpf ogt, %get3A_1338, %select_n3A_1317 : vector<16xf32>
      %gt3A_1340 = arith.cmpf ogt, %get3A_1338, %select_n3A_1314 : vector<16xf32>
      %select_n3A_1341 = arith.select %gt3A_1340, %get3A_1338, %select_n3A_1314 : vector<16xi1>, vector<16xf32>
      %select_n3A_1342 = arith.select %gt3A_1339, %select_n3A_1317, %select_n3A_1341 : vector<16xi1>, vector<16xf32>
      %select_n3A_1343 = arith.select %gt3A_1340, %broadcast_in_dim3A_1320, %select_n3A_1316 : vector<16xi1>, vector<16xi32>
      %select_n3A_1344 = arith.select %gt3A_1339, %select_n3A_1318, %select_n3A_1343 : vector<16xi1>, vector<16xi32>
      %select_n3A_1345 = arith.select %gt3A_1339, %get3A_1338, %select_n3A_1317 : vector<16xi1>, vector<16xf32>
      %select_n3A_1346 = arith.select %gt3A_1339, %broadcast_in_dim3A_1320, %select_n3A_1318 : vector<16xi1>, vector<16xi32>
      %broadcast_in_dim3A_1347 = arith.constant 48 : i32
      %broadcast_in_dim3A_1348 = vector.broadcast %broadcast_in_dim3A_1347 : i32 to vector<16xi32>
      %add3A_1349 = arith.constant 24576 : i32
      %add3A_1350 = arith.addi %add3A_1349, %add3A_12 : i32
      %get3A_1351 = arith.index_cast %add3A_1350 : i32 to index
      %get3A_1352 = tpu.vector_load %arg7[%get3A_1351] {strides = array<i32>} : memref<32768xf32, #tpu.memory_space<vmem>>, vector<16xf32>,
      %get3A_1353 = vector.shape_cast %get3A_1352 : vector<16xf32> to vector<16xf32>
      %gt3A_1354 = arith.cmpf ogt, %get3A_1353, %select_n3A_1332 : vector<16xf32>
      %gt3A_1355 = arith.cmpf ogt, %get3A_1353, %select_n3A_1329 : vector<16xf32>
      %select_n3A_1356 = arith.select %gt3A_1355, %get3A_1353, %select_n3A_1329 : vector<16xi1>, vector<16xf32>
      %select_n3A_1357 = arith.select %gt3A_1354, %select_n3A_1332, %select_n3A_1356 : vector<16xi1>, vector<16xf32>
      %select_n3A_1358 = arith.select %gt3A_1355, %broadcast_in_dim3A_1348, %select_n3A_1331 : vector<16xi1>, vector<16xi32>
      %select_n3A_1359 = arith.select %gt3A_1354, %select_n3A_1333, %select_n3A_1358 : vector<16xi1>, vector<16xi32>
      %select_n3A_1360 = arith.select %gt3A_1354, %get3A_1353, %select_n3A_1332 : vector<16xi1>, vector<16xf32>
      %select_n3A_1361 = arith.select %gt3A_1354, %broadcast_in_dim3A_1348, %select_n3A_1333 : vector<16xi1>, vector<16xi32>
      %add3A_1362 = arith.constant 24576 : i32
      %add3A_1363 = arith.addi %add3A_1362, %add3A_16 : i32
      %get3A_1364 = arith.index_cast %add3A_1363 : i32 to index
      %get3A_1365 = tpu.vector_load %arg7[%get3A_1364] {strides = array<i32>} : memref<32768xf32, #tpu.memory_space<vmem>>, vector<16xf32>,
      %get3A_1366 = vector.shape_cast %get3A_1365 : vector<16xf32> to vector<16xf32>
      %gt3A_1367 = arith.cmpf ogt, %get3A_1366, %select_n3A_1345 : vector<16xf32>
      %gt3A_1368 = arith.cmpf ogt, %get3A_1366, %select_n3A_1342 : vector<16xf32>
      %select_n3A_1369 = arith.select %gt3A_1368, %get3A_1366, %select_n3A_1342 : vector<16xi1>, vector<16xf32>
      %select_n3A_1370 = arith.select %gt3A_1367, %select_n3A_1345, %select_n3A_1369 : vector<16xi1>, vector<16xf32>
      %select_n3A_1371 = arith.select %gt3A_1368, %broadcast_in_dim3A_1348, %select_n3A_1344 : vector<16xi1>, vector<16xi32>
      %select_n3A_1372 = arith.select %gt3A_1367, %select_n3A_1346, %select_n3A_1371 : vector<16xi1>, vector<16xi32>
      %select_n3A_1373 = arith.select %gt3A_1367, %get3A_1366, %select_n3A_1345 : vector<16xi1>, vector<16xf32>
      %select_n3A_1374 = arith.select %gt3A_1367, %broadcast_in_dim3A_1348, %select_n3A_1346 : vector<16xi1>, vector<16xi32>
      %broadcast_in_dim3A_1375 = arith.constant 49 : i32
      %broadcast_in_dim3A_1376 = vector.broadcast %broadcast_in_dim3A_1375 : i32 to vector<16xi32>
      %add3A_1377 = arith.constant 25088 : i32
      %add3A_1378 = arith.addi %add3A_1377, %add3A_12 : i32
      %get3A_1379 = arith.index_cast %add3A_1378 : i32 to index
      %get3A_1380 = tpu.vector_load %arg7[%get3A_1379] {strides = array<i32>} : memref<32768xf32, #tpu.memory_space<vmem>>, vector<16xf32>,
      %get3A_1381 = vector.shape_cast %get3A_1380 : vector<16xf32> to vector<16xf32>
      %gt3A_1382 = arith.cmpf ogt, %get3A_1381, %select_n3A_1360 : vector<16xf32>
      %gt3A_1383 = arith.cmpf ogt, %get3A_1381, %select_n3A_1357 : vector<16xf32>
      %select_n3A_1384 = arith.select %gt3A_1383, %get3A_1381, %select_n3A_1357 : vector<16xi1>, vector<16xf32>
      %select_n3A_1385 = arith.select %gt3A_1382, %select_n3A_1360, %select_n3A_1384 : vector<16xi1>, vector<16xf32>
      %select_n3A_1386 = arith.select %gt3A_1383, %broadcast_in_dim3A_1376, %select_n3A_1359 : vector<16xi1>, vector<16xi32>
      %select_n3A_1387 = arith.select %gt3A_1382, %select_n3A_1361, %select_n3A_1386 : vector<16xi1>, vector<16xi32>
      %select_n3A_1388 = arith.select %gt3A_1382, %get3A_1381, %select_n3A_1360 : vector<16xi1>, vector<16xf32>
      %select_n3A_1389 = arith.select %gt3A_1382, %broadcast_in_dim3A_1376, %select_n3A_1361 : vector<16xi1>, vector<16xi32>
      %add3A_1390 = arith.constant 25088 : i32
      %add3A_1391 = arith.addi %add3A_1390, %add3A_16 : i32
      %get3A_1392 = arith.index_cast %add3A_1391 : i32 to index
      %get3A_1393 = tpu.vector_load %arg7[%get3A_1392] {strides = array<i32>} : memref<32768xf32, #tpu.memory_space<vmem>>, vector<16xf32>,
      %get3A_1394 = vector.shape_cast %get3A_1393 : vector<16xf32> to vector<16xf32>
      %gt3A_1395 = arith.cmpf ogt, %get3A_1394, %select_n3A_1373 : vector<16xf32>
      %gt3A_1396 = arith.cmpf ogt, %get3A_1394, %select_n3A_1370 : vector<16xf32>
      %select_n3A_1397 = arith.select %gt3A_1396, %get3A_1394, %select_n3A_1370 : vector<16xi1>, vector<16xf32>
      %select_n3A_1398 = arith.select %gt3A_1395, %select_n3A_1373, %select_n3A_1397 : vector<16xi1>, vector<16xf32>
      %select_n3A_1399 = arith.select %gt3A_1396, %broadcast_in_dim3A_1376, %select_n3A_1372 : vector<16xi1>, vector<16xi32>
      %select_n3A_1400 = arith.select %gt3A_1395, %select_n3A_1374, %select_n3A_1399 : vector<16xi1>, vector<16xi32>
      %select_n3A_1401 = arith.select %gt3A_1395, %get3A_1394, %select_n3A_1373 : vector<16xi1>, vector<16xf32>
      %select_n3A_1402 = arith.select %gt3A_1395, %broadcast_in_dim3A_1376, %select_n3A_1374 : vector<16xi1>, vector<16xi32>
      %broadcast_in_dim3A_1403 = arith.constant 50 : i32
      %broadcast_in_dim3A_1404 = vector.broadcast %broadcast_in_dim3A_1403 : i32 to vector<16xi32>
      %add3A_1405 = arith.constant 25600 : i32
      %add3A_1406 = arith.addi %add3A_1405, %add3A_12 : i32
      %get3A_1407 = arith.index_cast %add3A_1406 : i32 to index
      %get3A_1408 = tpu.vector_load %arg7[%get3A_1407] {strides = array<i32>} : memref<32768xf32, #tpu.memory_space<vmem>>, vector<16xf32>,
      %get3A_1409 = vector.shape_cast %get3A_1408 : vector<16xf32> to vector<16xf32>
      %gt3A_1410 = arith.cmpf ogt, %get3A_1409, %select_n3A_1388 : vector<16xf32>
      %gt3A_1411 = arith.cmpf ogt, %get3A_1409, %select_n3A_1385 : vector<16xf32>
      %select_n3A_1412 = arith.select %gt3A_1411, %get3A_1409, %select_n3A_1385 : vector<16xi1>, vector<16xf32>
      %select_n3A_1413 = arith.select %gt3A_1410, %select_n3A_1388, %select_n3A_1412 : vector<16xi1>, vector<16xf32>
      %select_n3A_1414 = arith.select %gt3A_1411, %broadcast_in_dim3A_1404, %select_n3A_1387 : vector<16xi1>, vector<16xi32>
      %select_n3A_1415 = arith.select %gt3A_1410, %select_n3A_1389, %select_n3A_1414 : vector<16xi1>, vector<16xi32>
      %select_n3A_1416 = arith.select %gt3A_1410, %get3A_1409, %select_n3A_1388 : vector<16xi1>, vector<16xf32>
      %select_n3A_1417 = arith.select %gt3A_1410, %broadcast_in_dim3A_1404, %select_n3A_1389 : vector<16xi1>, vector<16xi32>
      %add3A_1418 = arith.constant 25600 : i32
      %add3A_1419 = arith.addi %add3A_1418, %add3A_16 : i32
      %get3A_1420 = arith.index_cast %add3A_1419 : i32 to index
      %get3A_1421 = tpu.vector_load %arg7[%get3A_1420] {strides = array<i32>} : memref<32768xf32, #tpu.memory_space<vmem>>, vector<16xf32>,
      %get3A_1422 = vector.shape_cast %get3A_1421 : vector<16xf32> to vector<16xf32>
      %gt3A_1423 = arith.cmpf ogt, %get3A_1422, %select_n3A_1401 : vector<16xf32>
      %gt3A_1424 = arith.cmpf ogt, %get3A_1422, %select_n3A_1398 : vector<16xf32>
      %select_n3A_1425 = arith.select %gt3A_1424, %get3A_1422, %select_n3A_1398 : vector<16xi1>, vector<16xf32>
      %select_n3A_1426 = arith.select %gt3A_1423, %select_n3A_1401, %select_n3A_1425 : vector<16xi1>, vector<16xf32>
      %select_n3A_1427 = arith.select %gt3A_1424, %broadcast_in_dim3A_1404, %select_n3A_1400 : vector<16xi1>, vector<16xi32>
      %select_n3A_1428 = arith.select %gt3A_1423, %select_n3A_1402, %select_n3A_1427 : vector<16xi1>, vector<16xi32>
      %select_n3A_1429 = arith.select %gt3A_1423, %get3A_1422, %select_n3A_1401 : vector<16xi1>, vector<16xf32>
      %select_n3A_1430 = arith.select %gt3A_1423, %broadcast_in_dim3A_1404, %select_n3A_1402 : vector<16xi1>, vector<16xi32>
      %broadcast_in_dim3A_1431 = arith.constant 51 : i32
      %broadcast_in_dim3A_1432 = vector.broadcast %broadcast_in_dim3A_1431 : i32 to vector<16xi32>
      %add3A_1433 = arith.constant 26112 : i32
      %add3A_1434 = arith.addi %add3A_1433, %add3A_12 : i32
      %get3A_1435 = arith.index_cast %add3A_1434 : i32 to index
      %get3A_1436 = tpu.vector_load %arg7[%get3A_1435] {strides = array<i32>} : memref<32768xf32, #tpu.memory_space<vmem>>, vector<16xf32>,
      %get3A_1437 = vector.shape_cast %get3A_1436 : vector<16xf32> to vector<16xf32>
      %gt3A_1438 = arith.cmpf ogt, %get3A_1437, %select_n3A_1416 : vector<16xf32>
      %gt3A_1439 = arith.cmpf ogt, %get3A_1437, %select_n3A_1413 : vector<16xf32>
      %select_n3A_1440 = arith.select %gt3A_1439, %get3A_1437, %select_n3A_1413 : vector<16xi1>, vector<16xf32>
      %select_n3A_1441 = arith.select %gt3A_1438, %select_n3A_1416, %select_n3A_1440 : vector<16xi1>, vector<16xf32>
      %select_n3A_1442 = arith.select %gt3A_1439, %broadcast_in_dim3A_1432, %select_n3A_1415 : vector<16xi1>, vector<16xi32>
      %select_n3A_1443 = arith.select %gt3A_1438, %select_n3A_1417, %select_n3A_1442 : vector<16xi1>, vector<16xi32>
      %select_n3A_1444 = arith.select %gt3A_1438, %get3A_1437, %select_n3A_1416 : vector<16xi1>, vector<16xf32>
      %select_n3A_1445 = arith.select %gt3A_1438, %broadcast_in_dim3A_1432, %select_n3A_1417 : vector<16xi1>, vector<16xi32>
      %add3A_1446 = arith.constant 26112 : i32
      %add3A_1447 = arith.addi %add3A_1446, %add3A_16 : i32
      %get3A_1448 = arith.index_cast %add3A_1447 : i32 to index
      %get3A_1449 = tpu.vector_load %arg7[%get3A_1448] {strides = array<i32>} : memref<32768xf32, #tpu.memory_space<vmem>>, vector<16xf32>,
      %get3A_1450 = vector.shape_cast %get3A_1449 : vector<16xf32> to vector<16xf32>
      %gt3A_1451 = arith.cmpf ogt, %get3A_1450, %select_n3A_1429 : vector<16xf32>
      %gt3A_1452 = arith.cmpf ogt, %get3A_1450, %select_n3A_1426 : vector<16xf32>
      %select_n3A_1453 = arith.select %gt3A_1452, %get3A_1450, %select_n3A_1426 : vector<16xi1>, vector<16xf32>
      %select_n3A_1454 = arith.select %gt3A_1451, %select_n3A_1429, %select_n3A_1453 : vector<16xi1>, vector<16xf32>
      %select_n3A_1455 = arith.select %gt3A_1452, %broadcast_in_dim3A_1432, %select_n3A_1428 : vector<16xi1>, vector<16xi32>
      %select_n3A_1456 = arith.select %gt3A_1451, %select_n3A_1430, %select_n3A_1455 : vector<16xi1>, vector<16xi32>
      %select_n3A_1457 = arith.select %gt3A_1451, %get3A_1450, %select_n3A_1429 : vector<16xi1>, vector<16xf32>
      %select_n3A_1458 = arith.select %gt3A_1451, %broadcast_in_dim3A_1432, %select_n3A_1430 : vector<16xi1>, vector<16xi32>
      %broadcast_in_dim3A_1459 = arith.constant 52 : i32
      %broadcast_in_dim3A_1460 = vector.broadcast %broadcast_in_dim3A_1459 : i32 to vector<16xi32>
      %add3A_1461 = arith.constant 26624 : i32
      %add3A_1462 = arith.addi %add3A_1461, %add3A_12 : i32
      %get3A_1463 = arith.index_cast %add3A_1462 : i32 to index
      %get3A_1464 = tpu.vector_load %arg7[%get3A_1463] {strides = array<i32>} : memref<32768xf32, #tpu.memory_space<vmem>>, vector<16xf32>,
      %get3A_1465 = vector.shape_cast %get3A_1464 : vector<16xf32> to vector<16xf32>
      %gt3A_1466 = arith.cmpf ogt, %get3A_1465, %select_n3A_1444 : vector<16xf32>
      %gt3A_1467 = arith.cmpf ogt, %get3A_1465, %select_n3A_1441 : vector<16xf32>
      %select_n3A_1468 = arith.select %gt3A_1467, %get3A_1465, %select_n3A_1441 : vector<16xi1>, vector<16xf32>
      %select_n3A_1469 = arith.select %gt3A_1466, %select_n3A_1444, %select_n3A_1468 : vector<16xi1>, vector<16xf32>
      %select_n3A_1470 = arith.select %gt3A_1467, %broadcast_in_dim3A_1460, %select_n3A_1443 : vector<16xi1>, vector<16xi32>
      %select_n3A_1471 = arith.select %gt3A_1466, %select_n3A_1445, %select_n3A_1470 : vector<16xi1>, vector<16xi32>
      %select_n3A_1472 = arith.select %gt3A_1466, %get3A_1465, %select_n3A_1444 : vector<16xi1>, vector<16xf32>
      %select_n3A_1473 = arith.select %gt3A_1466, %broadcast_in_dim3A_1460, %select_n3A_1445 : vector<16xi1>, vector<16xi32>
      %add3A_1474 = arith.constant 26624 : i32
      %add3A_1475 = arith.addi %add3A_1474, %add3A_16 : i32
      %get3A_1476 = arith.index_cast %add3A_1475 : i32 to index
      %get3A_1477 = tpu.vector_load %arg7[%get3A_1476] {strides = array<i32>} : memref<32768xf32, #tpu.memory_space<vmem>>, vector<16xf32>,
      %get3A_1478 = vector.shape_cast %get3A_1477 : vector<16xf32> to vector<16xf32>
      %gt3A_1479 = arith.cmpf ogt, %get3A_1478, %select_n3A_1457 : vector<16xf32>
      %gt3A_1480 = arith.cmpf ogt, %get3A_1478, %select_n3A_1454 : vector<16xf32>
      %select_n3A_1481 = arith.select %gt3A_1480, %get3A_1478, %select_n3A_1454 : vector<16xi1>, vector<16xf32>
      %select_n3A_1482 = arith.select %gt3A_1479, %select_n3A_1457, %select_n3A_1481 : vector<16xi1>, vector<16xf32>
      %select_n3A_1483 = arith.select %gt3A_1480, %broadcast_in_dim3A_1460, %select_n3A_1456 : vector<16xi1>, vector<16xi32>
      %select_n3A_1484 = arith.select %gt3A_1479, %select_n3A_1458, %select_n3A_1483 : vector<16xi1>, vector<16xi32>
      %select_n3A_1485 = arith.select %gt3A_1479, %get3A_1478, %select_n3A_1457 : vector<16xi1>, vector<16xf32>
      %select_n3A_1486 = arith.select %gt3A_1479, %broadcast_in_dim3A_1460, %select_n3A_1458 : vector<16xi1>, vector<16xi32>
      %broadcast_in_dim3A_1487 = arith.constant 53 : i32
      %broadcast_in_dim3A_1488 = vector.broadcast %broadcast_in_dim3A_1487 : i32 to vector<16xi32>
      %add3A_1489 = arith.constant 27136 : i32
      %add3A_1490 = arith.addi %add3A_1489, %add3A_12 : i32
      %get3A_1491 = arith.index_cast %add3A_1490 : i32 to index
      %get3A_1492 = tpu.vector_load %arg7[%get3A_1491] {strides = array<i32>} : memref<32768xf32, #tpu.memory_space<vmem>>, vector<16xf32>,
      %get3A_1493 = vector.shape_cast %get3A_1492 : vector<16xf32> to vector<16xf32>
      %gt3A_1494 = arith.cmpf ogt, %get3A_1493, %select_n3A_1472 : vector<16xf32>
      %gt3A_1495 = arith.cmpf ogt, %get3A_1493, %select_n3A_1469 : vector<16xf32>
      %select_n3A_1496 = arith.select %gt3A_1495, %get3A_1493, %select_n3A_1469 : vector<16xi1>, vector<16xf32>
      %select_n3A_1497 = arith.select %gt3A_1494, %select_n3A_1472, %select_n3A_1496 : vector<16xi1>, vector<16xf32>
      %select_n3A_1498 = arith.select %gt3A_1495, %broadcast_in_dim3A_1488, %select_n3A_1471 : vector<16xi1>, vector<16xi32>
      %select_n3A_1499 = arith.select %gt3A_1494, %select_n3A_1473, %select_n3A_1498 : vector<16xi1>, vector<16xi32>
      %select_n3A_1500 = arith.select %gt3A_1494, %get3A_1493, %select_n3A_1472 : vector<16xi1>, vector<16xf32>
      %select_n3A_1501 = arith.select %gt3A_1494, %broadcast_in_dim3A_1488, %select_n3A_1473 : vector<16xi1>, vector<16xi32>
      %add3A_1502 = arith.constant 27136 : i32
      %add3A_1503 = arith.addi %add3A_1502, %add3A_16 : i32
      %get3A_1504 = arith.index_cast %add3A_1503 : i32 to index
      %get3A_1505 = tpu.vector_load %arg7[%get3A_1504] {strides = array<i32>} : memref<32768xf32, #tpu.memory_space<vmem>>, vector<16xf32>,
      %get3A_1506 = vector.shape_cast %get3A_1505 : vector<16xf32> to vector<16xf32>
      %gt3A_1507 = arith.cmpf ogt, %get3A_1506, %select_n3A_1485 : vector<16xf32>
      %gt3A_1508 = arith.cmpf ogt, %get3A_1506, %select_n3A_1482 : vector<16xf32>
      %select_n3A_1509 = arith.select %gt3A_1508, %get3A_1506, %select_n3A_1482 : vector<16xi1>, vector<16xf32>
      %select_n3A_1510 = arith.select %gt3A_1507, %select_n3A_1485, %select_n3A_1509 : vector<16xi1>, vector<16xf32>
      %select_n3A_1511 = arith.select %gt3A_1508, %broadcast_in_dim3A_1488, %select_n3A_1484 : vector<16xi1>, vector<16xi32>
      %select_n3A_1512 = arith.select %gt3A_1507, %select_n3A_1486, %select_n3A_1511 : vector<16xi1>, vector<16xi32>
      %select_n3A_1513 = arith.select %gt3A_1507, %get3A_1506, %select_n3A_1485 : vector<16xi1>, vector<16xf32>
      %select_n3A_1514 = arith.select %gt3A_1507, %broadcast_in_dim3A_1488, %select_n3A_1486 : vector<16xi1>, vector<16xi32>
      %broadcast_in_dim3A_1515 = arith.constant 54 : i32
      %broadcast_in_dim3A_1516 = vector.broadcast %broadcast_in_dim3A_1515 : i32 to vector<16xi32>
      %add3A_1517 = arith.constant 27648 : i32
      %add3A_1518 = arith.addi %add3A_1517, %add3A_12 : i32
      %get3A_1519 = arith.index_cast %add3A_1518 : i32 to index
      %get3A_1520 = tpu.vector_load %arg7[%get3A_1519] {strides = array<i32>} : memref<32768xf32, #tpu.memory_space<vmem>>, vector<16xf32>,
      %get3A_1521 = vector.shape_cast %get3A_1520 : vector<16xf32> to vector<16xf32>
      %gt3A_1522 = arith.cmpf ogt, %get3A_1521, %select_n3A_1500 : vector<16xf32>
      %gt3A_1523 = arith.cmpf ogt, %get3A_1521, %select_n3A_1497 : vector<16xf32>
      %select_n3A_1524 = arith.select %gt3A_1523, %get3A_1521, %select_n3A_1497 : vector<16xi1>, vector<16xf32>
      %select_n3A_1525 = arith.select %gt3A_1522, %select_n3A_1500, %select_n3A_1524 : vector<16xi1>, vector<16xf32>
      %select_n3A_1526 = arith.select %gt3A_1523, %broadcast_in_dim3A_1516, %select_n3A_1499 : vector<16xi1>, vector<16xi32>
      %select_n3A_1527 = arith.select %gt3A_1522, %select_n3A_1501, %select_n3A_1526 : vector<16xi1>, vector<16xi32>
      %select_n3A_1528 = arith.select %gt3A_1522, %get3A_1521, %select_n3A_1500 : vector<16xi1>, vector<16xf32>
      %select_n3A_1529 = arith.select %gt3A_1522, %broadcast_in_dim3A_1516, %select_n3A_1501 : vector<16xi1>, vector<16xi32>
      %add3A_1530 = arith.constant 27648 : i32
      %add3A_1531 = arith.addi %add3A_1530, %add3A_16 : i32
      %get3A_1532 = arith.index_cast %add3A_1531 : i32 to index
      %get3A_1533 = tpu.vector_load %arg7[%get3A_1532] {strides = array<i32>} : memref<32768xf32, #tpu.memory_space<vmem>>, vector<16xf32>,
      %get3A_1534 = vector.shape_cast %get3A_1533 : vector<16xf32> to vector<16xf32>
      %gt3A_1535 = arith.cmpf ogt, %get3A_1534, %select_n3A_1513 : vector<16xf32>
      %gt3A_1536 = arith.cmpf ogt, %get3A_1534, %select_n3A_1510 : vector<16xf32>
      %select_n3A_1537 = arith.select %gt3A_1536, %get3A_1534, %select_n3A_1510 : vector<16xi1>, vector<16xf32>
      %select_n3A_1538 = arith.select %gt3A_1535, %select_n3A_1513, %select_n3A_1537 : vector<16xi1>, vector<16xf32>
      %select_n3A_1539 = arith.select %gt3A_1536, %broadcast_in_dim3A_1516, %select_n3A_1512 : vector<16xi1>, vector<16xi32>
      %select_n3A_1540 = arith.select %gt3A_1535, %select_n3A_1514, %select_n3A_1539 : vector<16xi1>, vector<16xi32>
      %select_n3A_1541 = arith.select %gt3A_1535, %get3A_1534, %select_n3A_1513 : vector<16xi1>, vector<16xf32>
      %select_n3A_1542 = arith.select %gt3A_1535, %broadcast_in_dim3A_1516, %select_n3A_1514 : vector<16xi1>, vector<16xi32>
      %broadcast_in_dim3A_1543 = arith.constant 55 : i32
      %broadcast_in_dim3A_1544 = vector.broadcast %broadcast_in_dim3A_1543 : i32 to vector<16xi32>
      %add3A_1545 = arith.constant 28160 : i32
      %add3A_1546 = arith.addi %add3A_1545, %add3A_12 : i32
      %get3A_1547 = arith.index_cast %add3A_1546 : i32 to index
      %get3A_1548 = tpu.vector_load %arg7[%get3A_1547] {strides = array<i32>} : memref<32768xf32, #tpu.memory_space<vmem>>, vector<16xf32>,
      %get3A_1549 = vector.shape_cast %get3A_1548 : vector<16xf32> to vector<16xf32>
      %gt3A_1550 = arith.cmpf ogt, %get3A_1549, %select_n3A_1528 : vector<16xf32>
      %gt3A_1551 = arith.cmpf ogt, %get3A_1549, %select_n3A_1525 : vector<16xf32>
      %select_n3A_1552 = arith.select %gt3A_1551, %get3A_1549, %select_n3A_1525 : vector<16xi1>, vector<16xf32>
      %select_n3A_1553 = arith.select %gt3A_1550, %select_n3A_1528, %select_n3A_1552 : vector<16xi1>, vector<16xf32>
      %select_n3A_1554 = arith.select %gt3A_1551, %broadcast_in_dim3A_1544, %select_n3A_1527 : vector<16xi1>, vector<16xi32>
      %select_n3A_1555 = arith.select %gt3A_1550, %select_n3A_1529, %select_n3A_1554 : vector<16xi1>, vector<16xi32>
      %select_n3A_1556 = arith.select %gt3A_1550, %get3A_1549, %select_n3A_1528 : vector<16xi1>, vector<16xf32>
      %select_n3A_1557 = arith.select %gt3A_1550, %broadcast_in_dim3A_1544, %select_n3A_1529 : vector<16xi1>, vector<16xi32>
      %add3A_1558 = arith.constant 28160 : i32
      %add3A_1559 = arith.addi %add3A_1558, %add3A_16 : i32
      %get3A_1560 = arith.index_cast %add3A_1559 : i32 to index
      %get3A_1561 = tpu.vector_load %arg7[%get3A_1560] {strides = array<i32>} : memref<32768xf32, #tpu.memory_space<vmem>>, vector<16xf32>,
      %get3A_1562 = vector.shape_cast %get3A_1561 : vector<16xf32> to vector<16xf32>
      %gt3A_1563 = arith.cmpf ogt, %get3A_1562, %select_n3A_1541 : vector<16xf32>
      %gt3A_1564 = arith.cmpf ogt, %get3A_1562, %select_n3A_1538 : vector<16xf32>
      %select_n3A_1565 = arith.select %gt3A_1564, %get3A_1562, %select_n3A_1538 : vector<16xi1>, vector<16xf32>
      %select_n3A_1566 = arith.select %gt3A_1563, %select_n3A_1541, %select_n3A_1565 : vector<16xi1>, vector<16xf32>
      %select_n3A_1567 = arith.select %gt3A_1564, %broadcast_in_dim3A_1544, %select_n3A_1540 : vector<16xi1>, vector<16xi32>
      %select_n3A_1568 = arith.select %gt3A_1563, %select_n3A_1542, %select_n3A_1567 : vector<16xi1>, vector<16xi32>
      %select_n3A_1569 = arith.select %gt3A_1563, %get3A_1562, %select_n3A_1541 : vector<16xi1>, vector<16xf32>
      %select_n3A_1570 = arith.select %gt3A_1563, %broadcast_in_dim3A_1544, %select_n3A_1542 : vector<16xi1>, vector<16xi32>
      %broadcast_in_dim3A_1571 = arith.constant 56 : i32
      %broadcast_in_dim3A_1572 = vector.broadcast %broadcast_in_dim3A_1571 : i32 to vector<16xi32>
      %add3A_1573 = arith.constant 28672 : i32
      %add3A_1574 = arith.addi %add3A_1573, %add3A_12 : i32
      %get3A_1575 = arith.index_cast %add3A_1574 : i32 to index
      %get3A_1576 = tpu.vector_load %arg7[%get3A_1575] {strides = array<i32>} : memref<32768xf32, #tpu.memory_space<vmem>>, vector<16xf32>,
      %get3A_1577 = vector.shape_cast %get3A_1576 : vector<16xf32> to vector<16xf32>
      %gt3A_1578 = arith.cmpf ogt, %get3A_1577, %select_n3A_1556 : vector<16xf32>
      %gt3A_1579 = arith.cmpf ogt, %get3A_1577, %select_n3A_1553 : vector<16xf32>
      %select_n3A_1580 = arith.select %gt3A_1579, %get3A_1577, %select_n3A_1553 : vector<16xi1>, vector<16xf32>
      %select_n3A_1581 = arith.select %gt3A_1578, %select_n3A_1556, %select_n3A_1580 : vector<16xi1>, vector<16xf32>
      %select_n3A_1582 = arith.select %gt3A_1579, %broadcast_in_dim3A_1572, %select_n3A_1555 : vector<16xi1>, vector<16xi32>
      %select_n3A_1583 = arith.select %gt3A_1578, %select_n3A_1557, %select_n3A_1582 : vector<16xi1>, vector<16xi32>
      %select_n3A_1584 = arith.select %gt3A_1578, %get3A_1577, %select_n3A_1556 : vector<16xi1>, vector<16xf32>
      %select_n3A_1585 = arith.select %gt3A_1578, %broadcast_in_dim3A_1572, %select_n3A_1557 : vector<16xi1>, vector<16xi32>
      %add3A_1586 = arith.constant 28672 : i32
      %add3A_1587 = arith.addi %add3A_1586, %add3A_16 : i32
      %get3A_1588 = arith.index_cast %add3A_1587 : i32 to index
      %get3A_1589 = tpu.vector_load %arg7[%get3A_1588] {strides = array<i32>} : memref<32768xf32, #tpu.memory_space<vmem>>, vector<16xf32>,
      %get3A_1590 = vector.shape_cast %get3A_1589 : vector<16xf32> to vector<16xf32>
      %gt3A_1591 = arith.cmpf ogt, %get3A_1590, %select_n3A_1569 : vector<16xf32>
      %gt3A_1592 = arith.cmpf ogt, %get3A_1590, %select_n3A_1566 : vector<16xf32>
      %select_n3A_1593 = arith.select %gt3A_1592, %get3A_1590, %select_n3A_1566 : vector<16xi1>, vector<16xf32>
      %select_n3A_1594 = arith.select %gt3A_1591, %select_n3A_1569, %select_n3A_1593 : vector<16xi1>, vector<16xf32>
      %select_n3A_1595 = arith.select %gt3A_1592, %broadcast_in_dim3A_1572, %select_n3A_1568 : vector<16xi1>, vector<16xi32>
      %select_n3A_1596 = arith.select %gt3A_1591, %select_n3A_1570, %select_n3A_1595 : vector<16xi1>, vector<16xi32>
      %select_n3A_1597 = arith.select %gt3A_1591, %get3A_1590, %select_n3A_1569 : vector<16xi1>, vector<16xf32>
      %select_n3A_1598 = arith.select %gt3A_1591, %broadcast_in_dim3A_1572, %select_n3A_1570 : vector<16xi1>, vector<16xi32>
      %broadcast_in_dim3A_1599 = arith.constant 57 : i32
      %broadcast_in_dim3A_1600 = vector.broadcast %broadcast_in_dim3A_1599 : i32 to vector<16xi32>
      %add3A_1601 = arith.constant 29184 : i32
      %add3A_1602 = arith.addi %add3A_1601, %add3A_12 : i32
      %get3A_1603 = arith.index_cast %add3A_1602 : i32 to index
      %get3A_1604 = tpu.vector_load %arg7[%get3A_1603] {strides = array<i32>} : memref<32768xf32, #tpu.memory_space<vmem>>, vector<16xf32>,
      %get3A_1605 = vector.shape_cast %get3A_1604 : vector<16xf32> to vector<16xf32>
      %gt3A_1606 = arith.cmpf ogt, %get3A_1605, %select_n3A_1584 : vector<16xf32>
      %gt3A_1607 = arith.cmpf ogt, %get3A_1605, %select_n3A_1581 : vector<16xf32>
      %select_n3A_1608 = arith.select %gt3A_1607, %get3A_1605, %select_n3A_1581 : vector<16xi1>, vector<16xf32>
      %select_n3A_1609 = arith.select %gt3A_1606, %select_n3A_1584, %select_n3A_1608 : vector<16xi1>, vector<16xf32>
      %select_n3A_1610 = arith.select %gt3A_1607, %broadcast_in_dim3A_1600, %select_n3A_1583 : vector<16xi1>, vector<16xi32>
      %select_n3A_1611 = arith.select %gt3A_1606, %select_n3A_1585, %select_n3A_1610 : vector<16xi1>, vector<16xi32>
      %select_n3A_1612 = arith.select %gt3A_1606, %get3A_1605, %select_n3A_1584 : vector<16xi1>, vector<16xf32>
      %select_n3A_1613 = arith.select %gt3A_1606, %broadcast_in_dim3A_1600, %select_n3A_1585 : vector<16xi1>, vector<16xi32>
      %add3A_1614 = arith.constant 29184 : i32
      %add3A_1615 = arith.addi %add3A_1614, %add3A_16 : i32
      %get3A_1616 = arith.index_cast %add3A_1615 : i32 to index
      %get3A_1617 = tpu.vector_load %arg7[%get3A_1616] {strides = array<i32>} : memref<32768xf32, #tpu.memory_space<vmem>>, vector<16xf32>,
      %get3A_1618 = vector.shape_cast %get3A_1617 : vector<16xf32> to vector<16xf32>
      %gt3A_1619 = arith.cmpf ogt, %get3A_1618, %select_n3A_1597 : vector<16xf32>
      %gt3A_1620 = arith.cmpf ogt, %get3A_1618, %select_n3A_1594 : vector<16xf32>
      %select_n3A_1621 = arith.select %gt3A_1620, %get3A_1618, %select_n3A_1594 : vector<16xi1>, vector<16xf32>
      %select_n3A_1622 = arith.select %gt3A_1619, %select_n3A_1597, %select_n3A_1621 : vector<16xi1>, vector<16xf32>
      %select_n3A_1623 = arith.select %gt3A_1620, %broadcast_in_dim3A_1600, %select_n3A_1596 : vector<16xi1>, vector<16xi32>
      %select_n3A_1624 = arith.select %gt3A_1619, %select_n3A_1598, %select_n3A_1623 : vector<16xi1>, vector<16xi32>
      %select_n3A_1625 = arith.select %gt3A_1619, %get3A_1618, %select_n3A_1597 : vector<16xi1>, vector<16xf32>
      %select_n3A_1626 = arith.select %gt3A_1619, %broadcast_in_dim3A_1600, %select_n3A_1598 : vector<16xi1>, vector<16xi32>
      %broadcast_in_dim3A_1627 = arith.constant 58 : i32
      %broadcast_in_dim3A_1628 = vector.broadcast %broadcast_in_dim3A_1627 : i32 to vector<16xi32>
      %add3A_1629 = arith.constant 29696 : i32
      %add3A_1630 = arith.addi %add3A_1629, %add3A_12 : i32
      %get3A_1631 = arith.index_cast %add3A_1630 : i32 to index
      %get3A_1632 = tpu.vector_load %arg7[%get3A_1631] {strides = array<i32>} : memref<32768xf32, #tpu.memory_space<vmem>>, vector<16xf32>,
      %get3A_1633 = vector.shape_cast %get3A_1632 : vector<16xf32> to vector<16xf32>
      %gt3A_1634 = arith.cmpf ogt, %get3A_1633, %select_n3A_1612 : vector<16xf32>
      %gt3A_1635 = arith.cmpf ogt, %get3A_1633, %select_n3A_1609 : vector<16xf32>
      %select_n3A_1636 = arith.select %gt3A_1635, %get3A_1633, %select_n3A_1609 : vector<16xi1>, vector<16xf32>
      %select_n3A_1637 = arith.select %gt3A_1634, %select_n3A_1612, %select_n3A_1636 : vector<16xi1>, vector<16xf32>
      %select_n3A_1638 = arith.select %gt3A_1635, %broadcast_in_dim3A_1628, %select_n3A_1611 : vector<16xi1>, vector<16xi32>
      %select_n3A_1639 = arith.select %gt3A_1634, %select_n3A_1613, %select_n3A_1638 : vector<16xi1>, vector<16xi32>
      %select_n3A_1640 = arith.select %gt3A_1634, %get3A_1633, %select_n3A_1612 : vector<16xi1>, vector<16xf32>
      %select_n3A_1641 = arith.select %gt3A_1634, %broadcast_in_dim3A_1628, %select_n3A_1613 : vector<16xi1>, vector<16xi32>
      %add3A_1642 = arith.constant 29696 : i32
      %add3A_1643 = arith.addi %add3A_1642, %add3A_16 : i32
      %get3A_1644 = arith.index_cast %add3A_1643 : i32 to index
      %get3A_1645 = tpu.vector_load %arg7[%get3A_1644] {strides = array<i32>} : memref<32768xf32, #tpu.memory_space<vmem>>, vector<16xf32>,
      %get3A_1646 = vector.shape_cast %get3A_1645 : vector<16xf32> to vector<16xf32>
      %gt3A_1647 = arith.cmpf ogt, %get3A_1646, %select_n3A_1625 : vector<16xf32>
      %gt3A_1648 = arith.cmpf ogt, %get3A_1646, %select_n3A_1622 : vector<16xf32>
      %select_n3A_1649 = arith.select %gt3A_1648, %get3A_1646, %select_n3A_1622 : vector<16xi1>, vector<16xf32>
      %select_n3A_1650 = arith.select %gt3A_1647, %select_n3A_1625, %select_n3A_1649 : vector<16xi1>, vector<16xf32>
      %select_n3A_1651 = arith.select %gt3A_1648, %broadcast_in_dim3A_1628, %select_n3A_1624 : vector<16xi1>, vector<16xi32>
      %select_n3A_1652 = arith.select %gt3A_1647, %select_n3A_1626, %select_n3A_1651 : vector<16xi1>, vector<16xi32>
      %select_n3A_1653 = arith.select %gt3A_1647, %get3A_1646, %select_n3A_1625 : vector<16xi1>, vector<16xf32>
      %select_n3A_1654 = arith.select %gt3A_1647, %broadcast_in_dim3A_1628, %select_n3A_1626 : vector<16xi1>, vector<16xi32>
      %broadcast_in_dim3A_1655 = arith.constant 59 : i32
      %broadcast_in_dim3A_1656 = vector.broadcast %broadcast_in_dim3A_1655 : i32 to vector<16xi32>
      %add3A_1657 = arith.constant 30208 : i32
      %add3A_1658 = arith.addi %add3A_1657, %add3A_12 : i32
      %get3A_1659 = arith.index_cast %add3A_1658 : i32 to index
      %get3A_1660 = tpu.vector_load %arg7[%get3A_1659] {strides = array<i32>} : memref<32768xf32, #tpu.memory_space<vmem>>, vector<16xf32>,
      %get3A_1661 = vector.shape_cast %get3A_1660 : vector<16xf32> to vector<16xf32>
      %gt3A_1662 = arith.cmpf ogt, %get3A_1661, %select_n3A_1640 : vector<16xf32>
      %gt3A_1663 = arith.cmpf ogt, %get3A_1661, %select_n3A_1637 : vector<16xf32>
      %select_n3A_1664 = arith.select %gt3A_1663, %get3A_1661, %select_n3A_1637 : vector<16xi1>, vector<16xf32>
      %select_n3A_1665 = arith.select %gt3A_1662, %select_n3A_1640, %select_n3A_1664 : vector<16xi1>, vector<16xf32>
      %select_n3A_1666 = arith.select %gt3A_1663, %broadcast_in_dim3A_1656, %select_n3A_1639 : vector<16xi1>, vector<16xi32>
      %select_n3A_1667 = arith.select %gt3A_1662, %select_n3A_1641, %select_n3A_1666 : vector<16xi1>, vector<16xi32>
      %select_n3A_1668 = arith.select %gt3A_1662, %get3A_1661, %select_n3A_1640 : vector<16xi1>, vector<16xf32>
      %select_n3A_1669 = arith.select %gt3A_1662, %broadcast_in_dim3A_1656, %select_n3A_1641 : vector<16xi1>, vector<16xi32>
      %add3A_1670 = arith.constant 30208 : i32
      %add3A_1671 = arith.addi %add3A_1670, %add3A_16 : i32
      %get3A_1672 = arith.index_cast %add3A_1671 : i32 to index
      %get3A_1673 = tpu.vector_load %arg7[%get3A_1672] {strides = array<i32>} : memref<32768xf32, #tpu.memory_space<vmem>>, vector<16xf32>,
      %get3A_1674 = vector.shape_cast %get3A_1673 : vector<16xf32> to vector<16xf32>
      %gt3A_1675 = arith.cmpf ogt, %get3A_1674, %select_n3A_1653 : vector<16xf32>
      %gt3A_1676 = arith.cmpf ogt, %get3A_1674, %select_n3A_1650 : vector<16xf32>
      %select_n3A_1677 = arith.select %gt3A_1676, %get3A_1674, %select_n3A_1650 : vector<16xi1>, vector<16xf32>
      %select_n3A_1678 = arith.select %gt3A_1675, %select_n3A_1653, %select_n3A_1677 : vector<16xi1>, vector<16xf32>
      %select_n3A_1679 = arith.select %gt3A_1676, %broadcast_in_dim3A_1656, %select_n3A_1652 : vector<16xi1>, vector<16xi32>
      %select_n3A_1680 = arith.select %gt3A_1675, %select_n3A_1654, %select_n3A_1679 : vector<16xi1>, vector<16xi32>
      %select_n3A_1681 = arith.select %gt3A_1675, %get3A_1674, %select_n3A_1653 : vector<16xi1>, vector<16xf32>
      %select_n3A_1682 = arith.select %gt3A_1675, %broadcast_in_dim3A_1656, %select_n3A_1654 : vector<16xi1>, vector<16xi32>
      %broadcast_in_dim3A_1683 = arith.constant 60 : i32
      %broadcast_in_dim3A_1684 = vector.broadcast %broadcast_in_dim3A_1683 : i32 to vector<16xi32>
      %add3A_1685 = arith.constant 30720 : i32
      %add3A_1686 = arith.addi %add3A_1685, %add3A_12 : i32
      %get3A_1687 = arith.index_cast %add3A_1686 : i32 to index
      %get3A_1688 = tpu.vector_load %arg7[%get3A_1687] {strides = array<i32>} : memref<32768xf32, #tpu.memory_space<vmem>>, vector<16xf32>,
      %get3A_1689 = vector.shape_cast %get3A_1688 : vector<16xf32> to vector<16xf32>
      %gt3A_1690 = arith.cmpf ogt, %get3A_1689, %select_n3A_1668 : vector<16xf32>
      %gt3A_1691 = arith.cmpf ogt, %get3A_1689, %select_n3A_1665 : vector<16xf32>
      %select_n3A_1692 = arith.select %gt3A_1691, %get3A_1689, %select_n3A_1665 : vector<16xi1>, vector<16xf32>
      %select_n3A_1693 = arith.select %gt3A_1690, %select_n3A_1668, %select_n3A_1692 : vector<16xi1>, vector<16xf32>
      %select_n3A_1694 = arith.select %gt3A_1691, %broadcast_in_dim3A_1684, %select_n3A_1667 : vector<16xi1>, vector<16xi32>
      %select_n3A_1695 = arith.select %gt3A_1690, %select_n3A_1669, %select_n3A_1694 : vector<16xi1>, vector<16xi32>
      %select_n3A_1696 = arith.select %gt3A_1690, %get3A_1689, %select_n3A_1668 : vector<16xi1>, vector<16xf32>
      %select_n3A_1697 = arith.select %gt3A_1690, %broadcast_in_dim3A_1684, %select_n3A_1669 : vector<16xi1>, vector<16xi32>
      %add3A_1698 = arith.constant 30720 : i32
      %add3A_1699 = arith.addi %add3A_1698, %add3A_16 : i32
      %get3A_1700 = arith.index_cast %add3A_1699 : i32 to index
      %get3A_1701 = tpu.vector_load %arg7[%get3A_1700] {strides = array<i32>} : memref<32768xf32, #tpu.memory_space<vmem>>, vector<16xf32>,
      %get3A_1702 = vector.shape_cast %get3A_1701 : vector<16xf32> to vector<16xf32>
      %gt3A_1703 = arith.cmpf ogt, %get3A_1702, %select_n3A_1681 : vector<16xf32>
      %gt3A_1704 = arith.cmpf ogt, %get3A_1702, %select_n3A_1678 : vector<16xf32>
      %select_n3A_1705 = arith.select %gt3A_1704, %get3A_1702, %select_n3A_1678 : vector<16xi1>, vector<16xf32>
      %select_n3A_1706 = arith.select %gt3A_1703, %select_n3A_1681, %select_n3A_1705 : vector<16xi1>, vector<16xf32>
      %select_n3A_1707 = arith.select %gt3A_1704, %broadcast_in_dim3A_1684, %select_n3A_1680 : vector<16xi1>, vector<16xi32>
      %select_n3A_1708 = arith.select %gt3A_1703, %select_n3A_1682, %select_n3A_1707 : vector<16xi1>, vector<16xi32>
      %select_n3A_1709 = arith.select %gt3A_1703, %get3A_1702, %select_n3A_1681 : vector<16xi1>, vector<16xf32>
      %select_n3A_1710 = arith.select %gt3A_1703, %broadcast_in_dim3A_1684, %select_n3A_1682 : vector<16xi1>, vector<16xi32>
      %broadcast_in_dim3A_1711 = arith.constant 61 : i32
      %broadcast_in_dim3A_1712 = vector.broadcast %broadcast_in_dim3A_1711 : i32 to vector<16xi32>
      %add3A_1713 = arith.constant 31232 : i32
      %add3A_1714 = arith.addi %add3A_1713, %add3A_12 : i32
      %get3A_1715 = arith.index_cast %add3A_1714 : i32 to index
      %get3A_1716 = tpu.vector_load %arg7[%get3A_1715] {strides = array<i32>} : memref<32768xf32, #tpu.memory_space<vmem>>, vector<16xf32>,
      %get3A_1717 = vector.shape_cast %get3A_1716 : vector<16xf32> to vector<16xf32>
      %gt3A_1718 = arith.cmpf ogt, %get3A_1717, %select_n3A_1696 : vector<16xf32>
      %gt3A_1719 = arith.cmpf ogt, %get3A_1717, %select_n3A_1693 : vector<16xf32>
      %select_n3A_1720 = arith.select %gt3A_1719, %get3A_1717, %select_n3A_1693 : vector<16xi1>, vector<16xf32>
      %select_n3A_1721 = arith.select %gt3A_1718, %select_n3A_1696, %select_n3A_1720 : vector<16xi1>, vector<16xf32>
      %select_n3A_1722 = arith.select %gt3A_1719, %broadcast_in_dim3A_1712, %select_n3A_1695 : vector<16xi1>, vector<16xi32>
      %select_n3A_1723 = arith.select %gt3A_1718, %select_n3A_1697, %select_n3A_1722 : vector<16xi1>, vector<16xi32>
      %select_n3A_1724 = arith.select %gt3A_1718, %get3A_1717, %select_n3A_1696 : vector<16xi1>, vector<16xf32>
      %select_n3A_1725 = arith.select %gt3A_1718, %broadcast_in_dim3A_1712, %select_n3A_1697 : vector<16xi1>, vector<16xi32>
      %add3A_1726 = arith.constant 31232 : i32
      %add3A_1727 = arith.addi %add3A_1726, %add3A_16 : i32
      %get3A_1728 = arith.index_cast %add3A_1727 : i32 to index
      %get3A_1729 = tpu.vector_load %arg7[%get3A_1728] {strides = array<i32>} : memref<32768xf32, #tpu.memory_space<vmem>>, vector<16xf32>,
      %get3A_1730 = vector.shape_cast %get3A_1729 : vector<16xf32> to vector<16xf32>
      %gt3A_1731 = arith.cmpf ogt, %get3A_1730, %select_n3A_1709 : vector<16xf32>
      %gt3A_1732 = arith.cmpf ogt, %get3A_1730, %select_n3A_1706 : vector<16xf32>
      %select_n3A_1733 = arith.select %gt3A_1732, %get3A_1730, %select_n3A_1706 : vector<16xi1>, vector<16xf32>
      %select_n3A_1734 = arith.select %gt3A_1731, %select_n3A_1709, %select_n3A_1733 : vector<16xi1>, vector<16xf32>
      %select_n3A_1735 = arith.select %gt3A_1732, %broadcast_in_dim3A_1712, %select_n3A_1708 : vector<16xi1>, vector<16xi32>
      %select_n3A_1736 = arith.select %gt3A_1731, %select_n3A_1710, %select_n3A_1735 : vector<16xi1>, vector<16xi32>
      %select_n3A_1737 = arith.select %gt3A_1731, %get3A_1730, %select_n3A_1709 : vector<16xi1>, vector<16xf32>
      %select_n3A_1738 = arith.select %gt3A_1731, %broadcast_in_dim3A_1712, %select_n3A_1710 : vector<16xi1>, vector<16xi32>
      %broadcast_in_dim3A_1739 = arith.constant 62 : i32
      %broadcast_in_dim3A_1740 = vector.broadcast %broadcast_in_dim3A_1739 : i32 to vector<16xi32>
      %add3A_1741 = arith.constant 31744 : i32
      %add3A_1742 = arith.addi %add3A_1741, %add3A_12 : i32
      %get3A_1743 = arith.index_cast %add3A_1742 : i32 to index
      %get3A_1744 = tpu.vector_load %arg7[%get3A_1743] {strides = array<i32>} : memref<32768xf32, #tpu.memory_space<vmem>>, vector<16xf32>,
      %get3A_1745 = vector.shape_cast %get3A_1744 : vector<16xf32> to vector<16xf32>
      %gt3A_1746 = arith.cmpf ogt, %get3A_1745, %select_n3A_1724 : vector<16xf32>
      %gt3A_1747 = arith.cmpf ogt, %get3A_1745, %select_n3A_1721 : vector<16xf32>
      %select_n3A_1748 = arith.select %gt3A_1747, %get3A_1745, %select_n3A_1721 : vector<16xi1>, vector<16xf32>
      %select_n3A_1749 = arith.select %gt3A_1746, %select_n3A_1724, %select_n3A_1748 : vector<16xi1>, vector<16xf32>
      %select_n3A_1750 = arith.select %gt3A_1747, %broadcast_in_dim3A_1740, %select_n3A_1723 : vector<16xi1>, vector<16xi32>
      %select_n3A_1751 = arith.select %gt3A_1746, %select_n3A_1725, %select_n3A_1750 : vector<16xi1>, vector<16xi32>
      %select_n3A_1752 = arith.select %gt3A_1746, %get3A_1745, %select_n3A_1724 : vector<16xi1>, vector<16xf32>
      %select_n3A_1753 = arith.select %gt3A_1746, %broadcast_in_dim3A_1740, %select_n3A_1725 : vector<16xi1>, vector<16xi32>
      %add3A_1754 = arith.constant 31744 : i32
      %add3A_1755 = arith.addi %add3A_1754, %add3A_16 : i32
      %get3A_1756 = arith.index_cast %add3A_1755 : i32 to index
      %get3A_1757 = tpu.vector_load %arg7[%get3A_1756] {strides = array<i32>} : memref<32768xf32, #tpu.memory_space<vmem>>, vector<16xf32>,
      %get3A_1758 = vector.shape_cast %get3A_1757 : vector<16xf32> to vector<16xf32>
      %gt3A_1759 = arith.cmpf ogt, %get3A_1758, %select_n3A_1737 : vector<16xf32>
      %gt3A_1760 = arith.cmpf ogt, %get3A_1758, %select_n3A_1734 : vector<16xf32>
      %select_n3A_1761 = arith.select %gt3A_1760, %get3A_1758, %select_n3A_1734 : vector<16xi1>, vector<16xf32>
      %select_n3A_1762 = arith.select %gt3A_1759, %select_n3A_1737, %select_n3A_1761 : vector<16xi1>, vector<16xf32>
      %select_n3A_1763 = arith.select %gt3A_1760, %broadcast_in_dim3A_1740, %select_n3A_1736 : vector<16xi1>, vector<16xi32>
      %select_n3A_1764 = arith.select %gt3A_1759, %select_n3A_1738, %select_n3A_1763 : vector<16xi1>, vector<16xi32>
      %select_n3A_1765 = arith.select %gt3A_1759, %get3A_1758, %select_n3A_1737 : vector<16xi1>, vector<16xf32>
      %select_n3A_1766 = arith.select %gt3A_1759, %broadcast_in_dim3A_1740, %select_n3A_1738 : vector<16xi1>, vector<16xi32>
      %broadcast_in_dim3A_1767 = arith.constant 63 : i32
      %broadcast_in_dim3A_1768 = vector.broadcast %broadcast_in_dim3A_1767 : i32 to vector<16xi32>
      %add3A_1769 = arith.constant 32256 : i32
      %add3A_1770 = arith.addi %add3A_1769, %add3A_12 : i32
      %get3A_1771 = arith.index_cast %add3A_1770 : i32 to index
      %get3A_1772 = tpu.vector_load %arg7[%get3A_1771] {strides = array<i32>} : memref<32768xf32, #tpu.memory_space<vmem>>, vector<16xf32>,
      %get3A_1773 = vector.shape_cast %get3A_1772 : vector<16xf32> to vector<16xf32>
      %gt3A_1774 = arith.cmpf ogt, %get3A_1773, %select_n3A_1752 : vector<16xf32>
      %gt3A_1775 = arith.cmpf ogt, %get3A_1773, %select_n3A_1749 : vector<16xf32>
      %select_n3A_1776 = arith.select %gt3A_1775, %get3A_1773, %select_n3A_1749 : vector<16xi1>, vector<16xf32>
      %select_n3A_1777 = arith.select %gt3A_1774, %select_n3A_1752, %select_n3A_1776 : vector<16xi1>, vector<16xf32>
      %select_n3A_1778 = arith.select %gt3A_1775, %broadcast_in_dim3A_1768, %select_n3A_1751 : vector<16xi1>, vector<16xi32>
      %select_n3A_1779 = arith.select %gt3A_1774, %select_n3A_1753, %select_n3A_1778 : vector<16xi1>, vector<16xi32>
      %select_n3A_1780 = arith.select %gt3A_1774, %get3A_1773, %select_n3A_1752 : vector<16xi1>, vector<16xf32>
      %select_n3A_1781 = arith.select %gt3A_1774, %broadcast_in_dim3A_1768, %select_n3A_1753 : vector<16xi1>, vector<16xi32>
      %add3A_1782 = arith.constant 32256 : i32
      %add3A_1783 = arith.addi %add3A_1782, %add3A_16 : i32
      %get3A_1784 = arith.index_cast %add3A_1783 : i32 to index
      %get3A_1785 = tpu.vector_load %arg7[%get3A_1784] {strides = array<i32>} : memref<32768xf32, #tpu.memory_space<vmem>>, vector<16xf32>,
      %get3A_1786 = vector.shape_cast %get3A_1785 : vector<16xf32> to vector<16xf32>
      %gt3A_1787 = arith.cmpf ogt, %get3A_1786, %select_n3A_1765 : vector<16xf32>
      %gt3A_1788 = arith.cmpf ogt, %get3A_1786, %select_n3A_1762 : vector<16xf32>
      %select_n3A_1789 = arith.select %gt3A_1788, %get3A_1786, %select_n3A_1762 : vector<16xi1>, vector<16xf32>
      %select_n3A_1790 = arith.select %gt3A_1787, %select_n3A_1765, %select_n3A_1789 : vector<16xi1>, vector<16xf32>
      %select_n3A_1791 = arith.select %gt3A_1788, %broadcast_in_dim3A_1768, %select_n3A_1764 : vector<16xi1>, vector<16xi32>
      %select_n3A_1792 = arith.select %gt3A_1787, %select_n3A_1766, %select_n3A_1791 : vector<16xi1>, vector<16xi32>
      %select_n3A_1793 = arith.select %gt3A_1787, %get3A_1786, %select_n3A_1765 : vector<16xi1>, vector<16xf32>
      %select_n3A_1794 = arith.select %gt3A_1787, %broadcast_in_dim3A_1768, %select_n3A_1766 : vector<16xi1>, vector<16xi32>
      %swap3A = arith.index_cast %add3A_12 : i32 to index
      %swap3A_1795 = tpu.vector_load %arg8[%swap3A] {strides = array<i32>} : memref<512xf32, #tpu.memory_space<vmem>>, vector<16xf32>,
      %swap3A_1796 = vector.shape_cast %swap3A_1795 : vector<16xf32> to vector<16xf32>
      %swap3A_1797 = vector.shape_cast %select_n3A_1780 : vector<16xf32> to vector<16xf32>
      tpu.vector_store %arg8[%swap3A], %swap3A_1797 {strides = array<i32>} : memref<512xf32, #tpu.memory_space<vmem>>, vector<16xf32>,
      %swap3A_1798 = arith.index_cast %add3A_12 : i32 to index
      %swap3A_1799 = tpu.vector_load %arg9[%swap3A_1798] {strides = array<i32>} : memref<512xf32, #tpu.memory_space<vmem>>, vector<16xf32>,
      %swap3A_1800 = vector.shape_cast %swap3A_1799 : vector<16xf32> to vector<16xf32>
      %swap3A_1801 = vector.shape_cast %select_n3A_1777 : vector<16xf32> to vector<16xf32>
      tpu.vector_store %arg9[%swap3A_1798], %swap3A_1801 {strides = array<i32>} : memref<512xf32, #tpu.memory_space<vmem>>, vector<16xf32>,
      %swap3A_1802 = arith.index_cast %add3A_12 : i32 to index
      %swap3A_1803 = tpu.vector_load %arg10[%swap3A_1802] {strides = array<i32>} : memref<512xi32, #tpu.memory_space<vmem>>, vector<16xi32>,
      %swap3A_1804 = vector.shape_cast %swap3A_1803 : vector<16xi32> to vector<16xi32>
      %swap3A_1805 = vector.shape_cast %select_n3A_1781 : vector<16xi32> to vector<16xi32>
      tpu.vector_store %arg10[%swap3A_1802], %swap3A_1805 {strides = array<i32>} : memref<512xi32, #tpu.memory_space<vmem>>, vector<16xi32>,
      %swap3A_1806 = arith.index_cast %add3A_12 : i32 to index
      %swap3A_1807 = tpu.vector_load %arg11[%swap3A_1806] {strides = array<i32>} : memref<512xi32, #tpu.memory_space<vmem>>, vector<16xi32>,
      %swap3A_1808 = vector.shape_cast %swap3A_1807 : vector<16xi32> to vector<16xi32>
      %swap3A_1809 = vector.shape_cast %select_n3A_1779 : vector<16xi32> to vector<16xi32>
      tpu.vector_store %arg11[%swap3A_1806], %swap3A_1809 {strides = array<i32>} : memref<512xi32, #tpu.memory_space<vmem>>, vector<16xi32>,
      %swap3A_1810 = arith.index_cast %add3A_16 : i32 to index
      %swap3A_1811 = tpu.vector_load %arg8[%swap3A_1810] {strides = array<i32>} : memref<512xf32, #tpu.memory_space<vmem>>, vector<16xf32>,
      %swap3A_1812 = vector.shape_cast %swap3A_1811 : vector<16xf32> to vector<16xf32>
      %swap3A_1813 = vector.shape_cast %select_n3A_1793 : vector<16xf32> to vector<16xf32>
      tpu.vector_store %arg8[%swap3A_1810], %swap3A_1813 {strides = array<i32>} : memref<512xf32, #tpu.memory_space<vmem>>, vector<16xf32>,
      %swap3A_1814 = arith.index_cast %add3A_16 : i32 to index
      %swap3A_1815 = tpu.vector_load %arg9[%swap3A_1814] {strides = array<i32>} : memref<512xf32, #tpu.memory_space<vmem>>, vector<16xf32>,
      %swap3A_1816 = vector.shape_cast %swap3A_1815 : vector<16xf32> to vector<16xf32>
      %swap3A_1817 = vector.shape_cast %select_n3A_1790 : vector<16xf32> to vector<16xf32>
      tpu.vector_store %arg9[%swap3A_1814], %swap3A_1817 {strides = array<i32>} : memref<512xf32, #tpu.memory_space<vmem>>, vector<16xf32>,
      %swap3A_1818 = arith.index_cast %add3A_16 : i32 to index
      %swap3A_1819 = tpu.vector_load %arg10[%swap3A_1818] {strides = array<i32>} : memref<512xi32, #tpu.memory_space<vmem>>, vector<16xi32>,
      %swap3A_1820 = vector.shape_cast %swap3A_1819 : vector<16xi32> to vector<16xi32>
      %swap3A_1821 = vector.shape_cast %select_n3A_1794 : vector<16xi32> to vector<16xi32>
      tpu.vector_store %arg10[%swap3A_1818], %swap3A_1821 {strides = array<i32>} : memref<512xi32, #tpu.memory_space<vmem>>, vector<16xi32>,
      %swap3A_1822 = arith.index_cast %add3A_16 : i32 to index
      %swap3A_1823 = tpu.vector_load %arg11[%swap3A_1822] {strides = array<i32>} : memref<512xi32, #tpu.memory_space<vmem>>, vector<16xi32>,
      %swap3A_1824 = vector.shape_cast %swap3A_1823 : vector<16xi32> to vector<16xi32>
      %swap3A_1825 = vector.shape_cast %select_n3A_1792 : vector<16xi32> to vector<16xi32>
      tpu.vector_store %arg11[%swap3A_1822], %swap3A_1825 {strides = array<i32>} : memref<512xi32, #tpu.memory_space<vmem>>, vector<16xi32>,
    }
    %scan3A_7 = arith.constant 16 : i32
    "tpu.region"() ({
      %run_scoped3A = tpu.sem_alloc : memref<!tpu.dma_semaphore, #tpu.memory_space<semaphore_mem>>
      %dma_start3A = tpu.memref_slice %arg3[%mul3A_2] : memref<16384xf32, #tpu.memory_space<hbm>> -> memref<512xf32, #tpu.memory_space<hbm>>
      %dma_start3A_8 = tpu.memref_slice %arg3[%mul3A_2] : memref<16384xf32, #tpu.memory_space<hbm>> -> memref<512xf32, #tpu.memory_space<hbm>>
      tpu.enqueue_dma source(%arg8 : memref<512xf32, #tpu.memory_space<vmem>>) target(%dma_start3A_8 : memref<512xf32, #tpu.memory_space<hbm>>) target_semaphore(%run_scoped3A : memref<!tpu.dma_semaphore, #tpu.memory_space<semaphore_mem>>)
      %dma_wait3A = tpu.memref_slice %arg3[%mul3A_2] : memref<16384xf32, #tpu.memory_space<hbm>> -> memref<512xf32, #tpu.memory_space<hbm>>
      %dma_wait3A_9 = tpu.memref_slice %arg3[%mul3A_2] : memref<16384xf32, #tpu.memory_space<hbm>> -> memref<512xf32, #tpu.memory_space<hbm>>
      tpu.wait_dma2 semaphore(%run_scoped3A : memref<!tpu.dma_semaphore, #tpu.memory_space<semaphore_mem>>) src(%arg8 : memref<512xf32, #tpu.memory_space<vmem>>) dst(%dma_wait3A_9 : memref<512xf32, #tpu.memory_space<hbm>>)
      tpu.yield
    }) : () -> ()
    "tpu.region"() ({
      %run_scoped3A = tpu.sem_alloc : memref<!tpu.dma_semaphore, #tpu.memory_space<semaphore_mem>>
      %dma_start3A = tpu.memref_slice %arg4[%mul3A_2] : memref<16384xf32, #tpu.memory_space<hbm>> -> memref<512xf32, #tpu.memory_space<hbm>>
      %dma_start3A_8 = tpu.memref_slice %arg4[%mul3A_2] : memref<16384xf32, #tpu.memory_space<hbm>> -> memref<512xf32, #tpu.memory_space<hbm>>
      tpu.enqueue_dma source(%arg9 : memref<512xf32, #tpu.memory_space<vmem>>) target(%dma_start3A_8 : memref<512xf32, #tpu.memory_space<hbm>>) target_semaphore(%run_scoped3A : memref<!tpu.dma_semaphore, #tpu.memory_space<semaphore_mem>>)
      %dma_wait3A = tpu.memref_slice %arg4[%mul3A_2] : memref<16384xf32, #tpu.memory_space<hbm>> -> memref<512xf32, #tpu.memory_space<hbm>>
      %dma_wait3A_9 = tpu.memref_slice %arg4[%mul3A_2] : memref<16384xf32, #tpu.memory_space<hbm>> -> memref<512xf32, #tpu.memory_space<hbm>>
      tpu.wait_dma2 semaphore(%run_scoped3A : memref<!tpu.dma_semaphore, #tpu.memory_space<semaphore_mem>>) src(%arg9 : memref<512xf32, #tpu.memory_space<vmem>>) dst(%dma_wait3A_9 : memref<512xf32, #tpu.memory_space<hbm>>)
      tpu.yield
    }) : () -> ()
    "tpu.region"() ({
      %run_scoped3A = tpu.sem_alloc : memref<!tpu.dma_semaphore, #tpu.memory_space<semaphore_mem>>
      %dma_start3A = tpu.memref_slice %arg5[%mul3A_2] : memref<16384xi32, #tpu.memory_space<hbm>> -> memref<512xi32, #tpu.memory_space<hbm>>
      %dma_start3A_8 = tpu.memref_slice %arg5[%mul3A_2] : memref<16384xi32, #tpu.memory_space<hbm>> -> memref<512xi32, #tpu.memory_space<hbm>>
      tpu.enqueue_dma source(%arg10 : memref<512xi32, #tpu.memory_space<vmem>>) target(%dma_start3A_8 : memref<512xi32, #tpu.memory_space<hbm>>) target_semaphore(%run_scoped3A : memref<!tpu.dma_semaphore, #tpu.memory_space<semaphore_mem>>)
      %dma_wait3A = tpu.memref_slice %arg5[%mul3A_2] : memref<16384xi32, #tpu.memory_space<hbm>> -> memref<512xi32, #tpu.memory_space<hbm>>
      %dma_wait3A_9 = tpu.memref_slice %arg5[%mul3A_2] : memref<16384xi32, #tpu.memory_space<hbm>> -> memref<512xi32, #tpu.memory_space<hbm>>
      tpu.wait_dma2 semaphore(%run_scoped3A : memref<!tpu.dma_semaphore, #tpu.memory_space<semaphore_mem>>) src(%arg10 : memref<512xi32, #tpu.memory_space<vmem>>) dst(%dma_wait3A_9 : memref<512xi32, #tpu.memory_space<hbm>>)
      tpu.yield
    }) : () -> ()
    "tpu.region"() ({
      %run_scoped3A = tpu.sem_alloc : memref<!tpu.dma_semaphore, #tpu.memory_space<semaphore_mem>>
      %dma_start3A = tpu.memref_slice %arg6[%mul3A_2] : memref<16384xi32, #tpu.memory_space<hbm>> -> memref<512xi32, #tpu.memory_space<hbm>>
      %dma_start3A_8 = tpu.memref_slice %arg6[%mul3A_2] : memref<16384xi32, #tpu.memory_space<hbm>> -> memref<512xi32, #tpu.memory_space<hbm>>
      tpu.enqueue_dma source(%arg11 : memref<512xi32, #tpu.memory_space<vmem>>) target(%dma_start3A_8 : memref<512xi32, #tpu.memory_space<hbm>>) target_semaphore(%run_scoped3A : memref<!tpu.dma_semaphore, #tpu.memory_space<semaphore_mem>>)
      %dma_wait3A = tpu.memref_slice %arg6[%mul3A_2] : memref<16384xi32, #tpu.memory_space<hbm>> -> memref<512xi32, #tpu.memory_space<hbm>>
      %dma_wait3A_9 = tpu.memref_slice %arg6[%mul3A_2] : memref<16384xi32, #tpu.memory_space<hbm>> -> memref<512xi32, #tpu.memory_space<hbm>>
      tpu.wait_dma2 semaphore(%run_scoped3A : memref<!tpu.dma_semaphore, #tpu.memory_space<semaphore_mem>>) src(%arg11 : memref<512xi32, #tpu.memory_space<vmem>>) dst(%dma_wait3A_9 : memref<512xi32, #tpu.memory_space<hbm>>)
      tpu.yield
    }) : () -> ()
    return
  }
}

module attributes {stable_mosaic.version = 14 : i64} {
  func.func @_router_tc_body(%arg0: i32, %arg1: memref<512x1024xf32, #tpu.memory_space<vmem>>, %arg2: memref<512x1024xf32, #tpu.memory_space<vmem>>, %arg3: memref<2048x64xf32, #tpu.memory_space<vmem>>, %arg4: memref<1x64xf32, #tpu.memory_space<vmem>>, %arg5: memref<512x64xf32, #tpu.memory_space<vmem>>, %arg6: memref<1x64x512xf32, #tpu.memory_space<vmem>>) attributes {dimension_semantics = [#tpu.dimension_semantics<arbitrary>], iteration_bounds = array<i64: 32>, scalar_prefetch = 0 : i64, scratch_operands = 0 : i64, tpu.core_type = #tpu.core_type<tc>, window_params = [{transform_indices = @transform_0, window_bounds = array<i64: 512, 1024>}, {transform_indices = @transform_1, window_bounds = array<i64: 512, 1024>}, {pipeline_mode = #tpu.pipeline_mode<synchronous>, transform_indices = @transform_2, window_bounds = array<i64: 2048, 64>}, {pipeline_mode = #tpu.pipeline_mode<synchronous>, transform_indices = @transform_3, window_bounds = array<i64: 1, 64>}, {transform_indices = @transform_4, window_bounds = array<i64: 512, 64>}, {transform_indices = @transform_5, window_bounds = array<i64: 1, 64, 512>}]} {
    %get3A = arith.constant 0 : index
    %get3A_0 = arith.constant 0 : index
    %get3A_1 = vector.load %arg1[%get3A, %get3A_0] : memref<512x1024xf32, #tpu.memory_space<vmem>>, vector<512x1024xf32>
    %get3A_2 = arith.constant 0 : index
    %get3A_3 = arith.constant 0 : index
    %get3A_4 = vector.load %arg3[%get3A_2, %get3A_3] : memref<2048x64xf32, #tpu.memory_space<vmem>>, vector<1024x64xf32>
    %dot_general3A = arith.constant dense<0.000000e+00> : vector<512x64xf32>
    %dot_general3A_5 = tpu.matmul %get3A_1, %get3A_4, %dot_general3A {dimension_numbers = #tpu.dot_dimension_numbers<[1], [0], [0], [1], [0, 0, 1, 1], [], []>, transpose_lhs_hint = false} : vector<512x1024xf32>, vector<1024x64xf32>, vector<512x64xf32> -> vector<512x64xf32>
    %get3A_6 = arith.constant 0 : index
    %get3A_7 = arith.constant 0 : index
    %get3A_8 = vector.load %arg2[%get3A_6, %get3A_7] : memref<512x1024xf32, #tpu.memory_space<vmem>>, vector<512x1024xf32>
    %get3A_9 = arith.constant 1024 : index
    %get3A_10 = arith.constant 0 : index
    %get3A_11 = vector.load %arg3[%get3A_9, %get3A_10] : memref<2048x64xf32, #tpu.memory_space<vmem>>, vector<1024x64xf32>
    %dot_general3A_12 = arith.constant dense<0.000000e+00> : vector<512x64xf32>
    %dot_general3A_13 = tpu.matmul %get3A_8, %get3A_11, %dot_general3A_12 {dimension_numbers = #tpu.dot_dimension_numbers<[1], [0], [0], [1], [0, 0, 1, 1], [], []>, transpose_lhs_hint = false} : vector<512x1024xf32>, vector<1024x64xf32>, vector<512x64xf32> -> vector<512x64xf32>
    %add3A = arith.addf %dot_general3A_5, %dot_general3A_13 : vector<512x64xf32>
    %get3A_14 = arith.constant 0 : index
    %get3A_15 = arith.constant 0 : index
    %get3A_16 = vector.load %arg4[%get3A_14, %get3A_15] : memref<1x64xf32, #tpu.memory_space<vmem>>, vector<1x64xf32>
    %add3A_17 = vector.broadcast %get3A_16 : vector<1x64xf32> to vector<512x64xf32>
    %add3A_18 = arith.addf %add3A, %add3A_17 : vector<512x64xf32>
    %reduce_max3A = arith.constant dense<0xFF800000> : vector<512xf32>
    %reduce_max3A_19 = vector.multi_reduction <maximumf>, %add3A_18, %reduce_max3A [1] : vector<512x64xf32> to vector<512xf32>
    %broadcast_in_dim3A = vector.shape_cast %reduce_max3A_19 : vector<512xf32> to vector<512x1xf32>
    %sub3A = vector.broadcast %broadcast_in_dim3A : vector<512x1xf32> to vector<512x64xf32>
    %sub3A_20 = arith.subf %add3A_18, %sub3A : vector<512x64xf32>
    %exp3A = math.exp %sub3A_20 : vector<512x64xf32>
    %reduce_sum3A = arith.constant dense<0.000000e+00> : vector<512xf32>
    %reduce_sum3A_21 = vector.multi_reduction <add>, %exp3A, %reduce_sum3A [1] : vector<512x64xf32> to vector<512xf32>
    %broadcast_in_dim3A_22 = vector.shape_cast %reduce_sum3A_21 : vector<512xf32> to vector<512x1xf32>
    %div3A = vector.broadcast %broadcast_in_dim3A_22 : vector<512x1xf32> to vector<512x64xf32>
    %div3A_23 = arith.divf %exp3A, %div3A : vector<512x64xf32>
    %swap3A = arith.constant 0 : index
    %swap3A_24 = arith.constant 0 : index
    %swap3A_25 = vector.load %arg5[%swap3A, %swap3A_24] : memref<512x64xf32, #tpu.memory_space<vmem>>, vector<512x64xf32>
    tpu.vector_store %arg5[%swap3A, %swap3A_24], %div3A_23 {strides = array<i32>} : memref<512x64xf32, #tpu.memory_space<vmem>>, vector<512x64xf32>,
    %transpose3A = tpu.transpose %div3A_23, [1, 0] : vector<512x64xf32> -> vector<64x512xf32>
    %reshape3A = vector.shape_cast %transpose3A : vector<64x512xf32> to vector<1x64x512xf32>
    %swap3A_26 = arith.constant 0 : index
    %swap3A_27 = arith.constant 0 : index
    %swap3A_28 = arith.constant 0 : index
    %swap3A_29 = vector.load %arg6[%swap3A_26, %swap3A_27, %swap3A_28] : memref<1x64x512xf32, #tpu.memory_space<vmem>>, vector<1x64x512xf32>
    tpu.vector_store %arg6[%swap3A_26, %swap3A_27, %swap3A_28], %reshape3A {strides = array<i32>} : memref<1x64x512xf32, #tpu.memory_space<vmem>>, vector<1x64x512xf32>,
    return
  }
  func.func @transform_0(%arg0: i32) -> (i32, i32) {
    %c0_i32 = arith.constant 0 : i32
    %c0_i32_0 = arith.constant 0 : i32
    return %arg0, %c0_i32 : i32, i32
  }
  func.func @transform_1(%arg0: i32) -> (i32, i32) {
    %c1_i32 = arith.constant 1 : i32
    %c0_i32 = arith.constant 0 : i32
    return %arg0, %c1_i32 : i32, i32
  }
  func.func @transform_2(%arg0: i32) -> (i32, i32) {
    %c0_i32 = arith.constant 0 : i32
    %c0_i32_0 = arith.constant 0 : i32
    %c0_i32_1 = arith.constant 0 : i32
    return %c0_i32, %c0_i32_0 : i32, i32
  }
  func.func @transform_3(%arg0: i32) -> (i32, i32) {
    %c0_i32 = arith.constant 0 : i32
    %c0_i32_0 = arith.constant 0 : i32
    %c0_i32_1 = arith.constant 0 : i32
    return %c0_i32, %c0_i32_0 : i32, i32
  }
  func.func @transform_4(%arg0: i32) -> (i32, i32) {
    %c0_i32 = arith.constant 0 : i32
    %c0_i32_0 = arith.constant 0 : i32
    return %arg0, %c0_i32 : i32, i32
  }
  func.func @transform_5(%arg0: i32) -> (i32, i32, i32) {
    %c0_i32 = arith.constant 0 : i32
    %c0_i32_0 = arith.constant 0 : i32
    %c0_i32_1 = arith.constant 0 : i32
    return %arg0, %c0_i32, %c0_i32_0 : i32, i32, i32
  }
}

</mosaic_0001>

<sc_bundles>
// kernel: kernel.4.cloned.1.call-start
scs
__scs_entry_jumppad:
0x0: {  	(pc) =	sbr.rel $0x88, $3  }
0x1: {  	(tag) =	ssettag $0x0;
	lr =	simm.s32 $0x1  }
0x2: {  	[smem:$0x3F9E] =	sst lr;
	_ =	strace $0xD0000000  }
0x3: {  	_ = 	snop  }
0x4: {  	_ = 	snop  }
0x5: {  	_ = 	snop  }
0x6: {  	_ = 	snop  }
0x7: {  	_ = 	snop  }
__scs_overlays_trampoline_lowered:
0x8: {  	[smem:$0x3FAD] =	sst s0  }
0x9: {  	[smem:$0x3FAE] =	sst s1  }
0xa: {  	[smem:$0x3FAF] =	sst s2  }
0xb: {  	[smem:$0x3FB0] =	sst s3  }
0xc: {  	[smem:$0x3FB1] =	sst s4  }
0xd: {  	[smem:$0x3FB2] =	sst s5  }
0xe: {  	[smem:$0x3FB3] =	sst s6  }
0xf: {  	[smem:$0x3FB4] =	sst s7  }
0x10: {  	[smem:$0x3FB5] =	sst s8  }
0x11: {  	[smem:$0x3FB6] =	sst s9;
	s0 =	simm.s32 @!p0 $0x0  }
0x12: {  	s1 =	sld [smem:$0x3F9C];
	s0 =	simm.s32 @p0 $0x1  }
0x13: {  	[smem:$0x3FB7] =	sst s0;
	s0 =	simm.s32 @!p1 $0x0  }
0x14: {  	s2 =	sld [smem:$0x3F9B];
	s0 =	simm.s32 @p1 $0x1  }
0x15: {  	[smem:$0x3FB8] =	sst s0;
	s0 =	simm.s32 @!p2 $0x0  }
0x16: {  	s3 =	sld [smem:$0x3FDB];
	s0 =	simm.s32 @p2 $0x1  }
0x17: {  	s4 =	simm.s32 $0x1BF5;
	[smem:$0x3FBA] =	sst s0  }
0x18: {  	s0 =	sld [smem:$0x3F9D];
	_ =	swait.ge [sflag:s4], $0x0  }
0x19: {  	s7 =	sld [smem:$0x3F9E]  }
0x1a: {  	s8 =	sadd.s32 $0xFFFFE003, lr  }
0x1b: {  	s9 =	sadd.s32 $0xFFFFFEF7, lr;
	s5 =	simm.s32 $0xFFFFFFFF;
	p2 =	slt.u32 s8, $0xFFFFF086  }
0x1c: {  	p1 =	slt.u32 s9, $0xF7A;
	s5 =	simm.s32 @!p2 $0x0  }
0x1d: {  	s5 =	simm.s32 @p1 $0x1;
	p0 =	seq.s32 s7, s2  }
0x1e: {  	s7 =	smul.u32 @!p0 $0xF7A, s2;
	p2 =	seq.s32 @!p0 s5, $0x0  }
0x1f: {  	s9 =	smul.u32 $0xF7A, s1;
	s8 =	simm.s32 @!p0 $0x1BF5;
	p2 =	por !p2, p0  }
0x20: {  	[sflag:s8] =	ssyncset.s32 @!p0 $0xFFFFF086;
	s6 =	sadd.s32 @!p0 s3, s7;
	s7 =	simm.s32 @!p0 $0x108  }
0x21: {  	s3 =	sadd.s32 s3, s9;
	s6 =	sadd.s32 @!p0 $0x88, s6;
	s7 =	simm.s32 @p2 $0x1082  }
0x22: {  	[simem:s7], [sflag:s8] =	dma.local @!p0 [hbm:s6], $0xF7A  }
0x23: {  	s9 =	sor.u32 $0xD0000000, s2;
	s6 =	simm.s32 $0x108;
	_ =	swait.ge @!p0 [sflag:s8], $0x0  }
0x24: {  	s3 =	sadd.s32 $0x88, s3;
	s6 =	simm.s32 @!p1 $0x1082;
	[sflag:s4] =	ssyncset.s32 $0xFFFFF086  }
0x25: {  	[simem:s6], [sflag:s4] =	dma.local [hbm:s3], $0xF7A  }
0x26: {  	[smem:$0x3F9E] =	sst s1;
	(tag) =	ssettag s2;
	_ =	strace s9  }
0x27: {  	s1 =	sld [smem:$0x3FAE]  }
0x28: {  	s2 =	sld [smem:$0x3FAF]  }
0x29: {  	s4 =	sld [smem:$0x3FB1]  }
0x2a: {  	p0 =	seq.s32 s5, $0x0;
	s5 =	sld [smem:$0x3FB2]  }
0x2b: {  	s6 =	sld [smem:$0x3FB3]  }
0x2c: {  	s7 =	sld [smem:$0x3FB4]  }
0x2d: {  	s3 =	simm.s32 $0x108;
	s8 =	sld [smem:$0x3FB5]  }
0x2e: {  	s3 =	simm.s32 @!p0 $0x1082;
	s9 =	sld [smem:$0x3FB6]  }
0x2f: {  	lr =	sadd.s32 s0, s3;
	s0 =	sld [smem:$0x3FAD]  }
0x30: {  	s3 =	sld [smem:$0x3FB0]  }
0x31: {  	[smem:$0x3FB9] =	sst s10  }
0x32: {  	s10 =	sld [smem:$0x3FB7];
	_ =	sdelay $0x3  }
0x33: {  	p0 =	seq.s32 s10, $0x1;
	s10 =	sld [smem:$0x3FB9];
	_ =	sdelay $0x3  }
0x34: {  	[smem:$0x3FB9] =	sst s10  }
0x35: {  	s10 =	sld [smem:$0x3FB8];
	_ =	sdelay $0x3  }
0x36: {  	p1 =	seq.s32 s10, $0x1;
	s10 =	sld [smem:$0x3FB9];
	_ =	sdelay $0x3  }
0x37: {  	[smem:$0x3FB9] =	sst s10  }
0x38: {  	s10 =	sld [smem:$0x3FBA]  }
0x39: {  	_ = 	snop;
	(pc) =	sbr.ind lr, $3  }
0x3a: {  	_ = 	snop  }
0x3b: {  	_ = 	snop  }
0x3c: {  	p2 =	seq.s32 s10, $0x1;
	s10 =	sld [smem:$0x3FB9]  }
0x3d: {  	_ =	shalt  }
0x3e: {  	_ =	shalt  }
0x3f: {  	_ =	shalt  }
0x40: {  	_ =	shalt  }
0x41: {  	_ =	shalt  }
0x42: {  	_ =	shalt  }
0x43: {  	_ =	shalt  }
0x44: {  	_ =	shalt  }
0x45: {  	_ =	shalt  }
0x46: {  	_ =	shalt  }
0x47: {  	_ =	shalt  }
0x48: {  	_ =	shalt  }
0x49: {  	_ =	shalt  }
0x4a: {  	_ =	shalt  }
0x4b: {  	_ =	shalt  }
0x4c: {  	_ =	shalt  }
0x4d: {  	_ =	shalt  }
0x4e: {  	_ =	shalt  }
0x4f: {  	_ =	shalt  }
0x50: {  	_ =	shalt  }
0x51: {  	_ =	shalt  }
0x52: {  	_ =	shalt  }
0x53: {  	_ =	shalt  }
0x54: {  	_ =	shalt  }
0x55: {  	_ =	shalt  }
0x56: {  	_ =	shalt  }
0x57: {  	_ =	shalt  }
0x58: {  	_ =	shalt  }
0x59: {  	_ =	shalt  }
0x5a: {  	_ =	shalt  }
0x5b: {  	_ =	shalt  }
0x5c: {  	_ =	shalt  }
0x5d: {  	_ =	shalt  }
0x5e: {  	_ =	shalt  }
0x5f: {  	_ =	shalt  }
0x60: {  	_ =	shalt  }
0x61: {  	_ =	shalt  }
0x62: {  	_ =	shalt  }
0x63: {  	_ =	shalt  }
0x64: {  	_ =	shalt  }
0x65: {  	_ =	shalt  }
0x66: {  	_ =	shalt  }
0x67: {  	_ =	shalt  }
0x68: {  	_ =	shalt  }
0x69: {  	_ =	shalt  }
0x6a: {  	_ =	shalt  }
0x6b: {  	_ =	shalt  }
0x6c: {  	_ =	shalt  }
0x6d: {  	_ =	shalt  }
0x6e: {  	_ =	shalt  }
0x6f: {  	_ =	shalt  }
0x70: {  	_ =	shalt  }
0x71: {  	_ =	shalt  }
0x72: {  	_ =	shalt  }
0x73: {  	_ =	shalt  }
0x74: {  	_ =	shalt  }
0x75: {  	_ =	shalt  }
0x76: {  	_ =	shalt  }
0x77: {  	_ =	shalt  }
0x78: {  	_ =	shalt  }
0x79: {  	_ =	shalt  }
0x7a: {  	_ =	shalt  }
0x7b: {  	_ =	shalt  }
0x7c: {  	_ =	shalt  }
0x7d: {  	_ =	shalt  }
0x7e: {  	_ =	shalt  }
0x7f: {  	_ =	shalt  }
0x80: {  	_ =	shalt  }
0x81: {  	_ =	shalt  }
0x82: {  	_ =	shalt  }
0x83: {  	_ =	shalt  }
0x84: {  	_ =	shalt  }
0x85: {  	_ =	shalt  }
0x86: {  	_ =	shalt  }
0x87: {  	_ =	shalt  }
.Lfunc_end0:
.L_simem_size_0:
called_computation_lowered:
.L_overlay_start_0:
0x88: {  	s2 =	sld [smem:$0x3FD9]  }
0x89: {  	s3 =	sld [smem:$0x3FFE];
	_ =	sdelay $0x1  }
0x8a: {  	s1 =	srdreg.scid  }
0x8b: {  	s0 =	sand.u32 $0x1, s1  }
0x8c: {  	s14 =	sshll.u32 s0, $0xA;
	s2 =	sadd.s32 s3, s2  }
0x8d: {  	s2 =	sadd.s32 s2, s14  }
0x8e: {  	[smem:$0x3FC5] =	sst s2  }
0x8f: {  	_ = 	snop  }
0x90: {  	s2 =	sld [smem:$0x3FD0];
	_ =	sdelay $0x2  }
0x91: {  	s15 =	simm.s32 $0xA;
	s4 =	simm.s32 $0x10  }
0x92: {  	[smem:s4], [sflag:s15] =	dma.local [hbm:s2], $0x1  }
0x93: {  	_ =	swait.eq [sflag:s15], $0x1  }
0x94: {  	[sflag:s15] =	ssyncset.done $0x0  }
0x95: {  	[sflag:s15] =	ssyncadd.s32 $0xFFFFFFFF  }
0x96: {  	s16 =	sld [smem:$0x11];
	(tm) =	ssettm $0x1  }
0x97: {  	s17 =	sld [smem:$0x3FFB];
	_ =	sdelay $0x3  }
0x98: {  	_ =	strace s17  }
0x99: {  	s3 =	sld [smem:$0x3FFC];
	_ =	sdelay $0x3  }
0x9a: {  	_ =	strace s3  }
0x9b: {  	s3 =	sld [smem:$0x3FFD];
	_ =	sdelay $0x3  }
0x9c: {  	_ =	strace s3  }
0x9d: {  	_ =	strace $0x8FFFFFFF  }
0x9e: {  	s18 =	sld [smem:$0x3FDB];
	_ =	sdelay $0x1  }
0x9f: {  	s19 =	simm.s32 $_scs_section_size  }
0xa0: {  	s5 =	simm.s32 $_size__tile_overlayer_lowered;
	s6 =	simm.s32 $_tile_overlayer_lowered  }
0xa1: {  	s22 =	simm.s32 $0x1BFF;
	s21 =	sshll.u32 s6, $0x1;
	s3 =	sadd.s32 s19, s18  }
0xa2: {  	s7 =	simm.s32 $0x0;
	s20 =	sshll.u32 s5, $0x1;
	s5 =	sadd.s32 s21, s3  }
0xa3: {  	[timem:s7], [sflag:s22] =	dma.local [hbm:s5], s20  }
0xa4: {  	_ =	swait.ge [sflag:s22], s20  }
0xa5: {  	s4 =	ssub.s32 $0x0, s20;
	[sflag:s22] =	ssyncset.done $0x0  }
0xa6: {  	[sflag:s22] =	ssyncadd.s32 s4;
	_ =	sdelay $0x1  }
0xa7: {  	s23 =	simm.s32 $0x1B8B  }
0xa8: {  	_ =	swait.ge [sflag:s23], $0x1  }
0xa9: {  	[sflag:s23] =	ssyncset.done $0x0  }
0xaa: {  	s25 =	simm.s32 $0x1B8E;
	s24 =	sld [smem:$0x3FFE];
	[sflag:s23] =	ssyncadd.s32 $0xFFFFFFFF  }
0xab: {  	s26 =	simm.s32 $execute0_lowered;
	[smem:$0x3FD2] =	sst s25  }
0xac: {  	s5 =	sshll.u32 s26, $0x1;
	_ =	strace $0x80000046;
	[dreg:$0x1] =	wrdreg $0xFFFFFFFF  }
0xad: {  	s28 =	simm.s32 $_size_execute0_lowered;
	s3 =	sadd.s32 s3, s5;
	[dreg:$0x0] =	wrdreg $0x0  }
0xae: {  	s5 =	sshll.u32 s28, $0x1;
	[dreg:$0x2] =	wrdreg s3  }
0xaf: {  	[dreg:$0x3] =	wrdreg s5  }
0xb0: {  	[dreg:$0x4] =	wrdreg $0xC0  }
0xb1: {  	_ =	task [dreg:s7], $0x5FFFF  }
0xb2: {  	[dreg:$0x1] =	wrdreg $0xFFFFFFFF  }
0xb3: {  	[dreg:$0x0] =	wrdreg $0x60  }
0xb4: {  	[dreg:$0x2] =	wrdreg s24  }
0xb5: {  	[dreg:$0x3] =	wrdreg s16  }
0xb6: {  	[dreg:$0x4] =	wrdreg $0x9  }
0xb7: {  	_ =	task.clear_ibuf [dreg:s7], $0x5FFFF;
	_ =	strace $0x90000046  }
0xb8: {  	s29 =	simm.s32 $0x9;
	_ =	strace $0x80000048  }
0xb9: {  	_ =	swait.ge [sflag:s29], $0x1  }
0xba: {  	[sflag:s29] =	ssyncadd.s32 $0xFFFFFFFF  }
0xbb: {  	_ =	strace $0x90000048  }
0xbc: {  	_ =	sfence  }
0xbd: {  	s30 =	sld [smem:$0x0];
	_ =	sdelay $0x2  }
0xbe: {  	s31 =	sshll.u32 s1, $0xD;
	s1 =	sshrl.u32 s1, $0x2  }
0xbf: {  	s3 =	sand.u32 $0x4000, s31;
	s1 =	sadd.s32 s1, s30  }
0xc0: {  	s0 =	sor.u32 s3, s0;
	s1 =	sshll.u32 s1, $0x11  }
0xc1: {  	s0 =	sor.u32 s1, s0  }
0xc2: {  	s0 =	sadd.s32 $0x8F2B, s0  }
0xc3: {  	[sflag:s0] =	ssyncadd.remote.s32 $0x1  }
0xc4: {  	_ =	sfence.sel $0xFFFF  }
0xc5: {  	[dreg:$0x0] =	wrdreg $0xFFFFFFFF;
	(pc) =	sbr.abs _section_cstart, $3  }
0xc6: {  	[dreg:$0x1] =	wrdreg $0xFFFFFFFF  }
0xc7: {  	_ =	task.clear_ibuf [dreg:s7], $0x2FFFF;
	_ =	strace $0x9FFFFFFF  }
0xc8: {  	(tm) =	ssettm $0x7FFFFFFF  }
0xc9: {  	_ =	shalt  }
tec
execute0_lowered:
.L_overlay_start_1:
0x0: {  	(tag) =	ssettag $0x1  }
0x1: {  	s3 =	rddreg [dreg:$0x0]  }
0x2: {  	s4 =	rddreg [dreg:$0x1]  }
0x3: {  	s0 =	rddreg [dreg:$0x2]  }
0x4: {  	s2 =	simm.s32 $0x0;
	s1 =	stileid.u32;
	s5 =	srdreg.scid  }
0x5: {  	s10 =	simm.s32 $0x400;
	s11 =	simm.s32 $0x1;
	s12 =	simm.s32 $0x8000  }
0x6: {  	s13 =	simm.s32 $0x8200;
	s14 =	simm.s32 $0x8400;
	s15 =	simm.s32 $0x8600  }
0x7: {  	s16 =	simm.s32 $0x0;
	s6 =	sshll.u32 s1, $0xD;
	s5 =	sand.u32 $0x1, s5  }
0x8: {  	s7 =	sshll.u32 s1, $0x1;
	[smem:$0x7FF] =	sst s2;
	s6 =	sand.u32 $0x18000, s6  }
0x9: {  	s7 =	sor.u32 s5, s7;
	_ =	strace $0x80000047;
	s5 =	ssub.s32 $0x2, s5  }
0xa: {  	s6 =	sadd.s32 s6, s3;
	s8 =	sshll.u32 s7, $0x4;
	s7 =	sshll.u32 s7, $0x6  }
0xb: {  	s30 =	sshrl.u32 s5, $0x1;
	s8 =	sand.u32 $0x70, s8;
	s9 =	sadd.s32 s7, s3  }
0xc: {  	s31 =	ssub.s32 s5, s30;
	s4 =	sadd.s32 s4, s7;
	s6 =	sadd.s32 s8, s6  }
0xd: {  	s5 =	sadd.s32 $0x20C00, s9;
	s7 =	sadd.s32 $0x21C00, s9;
	s8 =	smax.u32 s31, $0x1  }
0xe: {  	v0 =	vimm.s32 $0x0;
	s3 =	sadd.s32 $0xC00, s6;
	s6 =	sadd.s32 $0x21400, s9;
	s9 =	simm.s32 $0x80  }
.LBB2_1:
0xf: {  	[tilespmem:s2], [sflag:$0x1] =	stream.strided.gather [hbm4b:s3+s9], $0x8000, s10, s9, $0x38;
	[tilespmem:$0x8800] =	vst v63  }
0x10: {  	_ =	swait.ge [sflag:s11], $0x8000  }
0x11: {  	[sflag:s11] =	ssyncset.done $0x0  }
0x12: {  	s17 =	simm.s32 $0x0;
	s18 =	simm.s32 $0x0;
	[sflag:s11] =	ssyncadd.s32 $0xFFFF8000  }
.LBB2_2:
0x13: {  	s19 =	sshra.s32 s18, $0x2  }
0x14: {  	s20 =	sand.u32 $0x1E0, s17;
	v1 =	vld [tilespmem:s19+$0x0]  }
0x15: {  	v2 =	vld [tilespmem:s20+$0x200]  }
0x16: {  	v3 =	vld [tilespmem:s19+$0x10]  }
0x17: {  	v4 =	vld [tilespmem:s19+$0x210];
	_ =	sdelay $0x3  }
0x18: {  	v5 =	vld [tilespmem:s20+$0x400];
	vm0 =	vgt.f32 v2, v1;
	vm2 =	vgt.f32 v2, $-1.000000000e+00  }
0x19: {  	vm6 =	vgt.f32 v4, v3;
	vm3 =	vgt.f32 v4, $-1.000000000e+00;
	vm1 =	vmneg vm0  }
0x1a: {  	v6 =	vnsel vm2, $0xBF800000, v2;
	vm7 =	vmneg vm6;
	v8 =	vsel vm0, $0x1, v0  }
0x1b: {  	v11 =	vld [tilespmem:s20+$0x600];
	v9 =	vnsel vm3, $0xBF800000, v4;
	v43 =	vsel vm6, $0x1, v0;
	vm2 =	vmand vm1, vm2  }
0x1c: {  	v6 =	vsel vm1, v6, v1;
	v1 =	vsel vm1, v1, v2;
	v2 =	vld [tilespmem:s19+$0x410];
	vm8 =	vmand vm7, vm3  }
0x1d: {  	v9 =	vsel vm7, v9, v3;
	v3 =	vsel vm7, v3, v4;
	vm9 =	vgt.f32 v5, v6  }
0x1e: {  	v7 =	vsel vm2, $0x1, v0;
	vm10 =	vgt.f32 v5, v1;
	v42 =	vsel vm9, v5, v6  }
0x1f: {  	v10 =	vsel vm8, $0x1, v0;
	v7 =	vsel vm9, $0x2, v7;
	v4 =	vsel vm10, v1, v42  }
0x20: {  	v44 =	vld [tilespmem:s19+$0x610];
	v7 =	vsel vm10, v8, v7;
	v1 =	vsel vm10, v5, v1;
	v8 =	vsel vm10, $0x2, v8  }
0x21: {  	vm13 =	vgt.f32 v11, v4;
	vm14 =	vgt.f32 v11, v1;
	vm11 =	vgt.f32 v2, v9  }
0x22: {  	v45 =	vld [tilespmem:s20+$0x800];
	vm12 =	vgt.f32 v2, v3;
	v7 =	vsel vm13, $0x3, v7;
	v9 =	vsel vm11, v2, v9  }
0x23: {  	v10 =	vsel vm11, $0x2, v10;
	v2 =	vsel vm12, v2, v3;
	v6 =	vsel vm12, $0x2, v43  }
0x24: {  	v7 =	vsel vm14, v8, v7;
	v8 =	vsel vm14, $0x3, v8;
	v9 =	vsel vm12, v3, v9  }
0x25: {  	v46 =	vld [tilespmem:s19+$0x810];
	v3 =	vsel vm13, v11, v4;
	v10 =	vsel vm12, v43, v10;
	vm4 =	vgt.f32 v44, v2  }
0x26: {  	v3 =	vsel vm14, v1, v3;
	v1 =	vsel vm14, v11, v1;
	vm15 =	vgt.f32 v44, v9  }
0x27: {  	v9 =	vsel vm15, v44, v9;
	v10 =	vsel vm15, $0x3, v10;
	vm5 =	vgt.f32 v45, v3  }
0x28: {  	v47 =	vld [tilespmem:s20+$0xA00];
	vm6 =	vgt.f32 v45, v1;
	v9 =	vsel vm4, v2, v9;
	v10 =	vsel vm4, v6, v10  }
0x29: {  	v2 =	vsel vm4, v44, v2;
	v6 =	vsel vm4, $0x3, v6;
	v3 =	vsel vm5, v45, v3  }
0x2a: {  	v7 =	vsel vm5, $0x4, v7;
	v3 =	vsel vm6, v1, v3;
	vm7 =	vgt.f32 v46, v9  }
0x2b: {  	v49 =	vld [tilespmem:s19+$0xA10];
	v1 =	vsel vm6, v45, v1;
	vm8 =	vgt.f32 v46, v2;
	v7 =	vsel vm6, v8, v7  }
0x2c: {  	v8 =	vsel vm6, $0x4, v8;
	v48 =	vsel vm7, v46, v9;
	v10 =	vsel vm7, $0x4, v10  }
0x2d: {  	v50 =	vld [tilespmem:s20+$0xC00];
	vm9 =	vgt.f32 v47, v3;
	vm10 =	vgt.f32 v47, v1;
	v4 =	vsel vm8, v2, v48  }
0x2e: {  	v2 =	vsel vm8, v46, v2;
	v10 =	vsel vm8, v6, v10;
	v3 =	vsel vm9, v47, v3  }
0x2f: {  	v6 =	vsel vm8, $0x4, v6;
	v7 =	vsel vm9, $0x5, v7;
	v3 =	vsel vm10, v1, v3  }
0x30: {  	v51 =	vld [tilespmem:s19+$0xC10];
	v7 =	vsel vm10, v8, v7;
	v1 =	vsel vm10, v47, v1;
	vm11 =	vgt.f32 v49, v4  }
0x31: {  	v8 =	vsel vm10, $0x5, v8;
	vm12 =	vgt.f32 v49, v2;
	v4 =	vsel vm11, v49, v4  }
0x32: {  	v52 =	vld [tilespmem:s20+$0xE00];
	v10 =	vsel vm11, $0x5, v10;
	vm13 =	vgt.f32 v50, v3;
	vm14 =	vgt.f32 v50, v1  }
0x33: {  	v4 =	vsel vm12, v2, v4;
	v2 =	vsel vm12, v49, v2;
	v3 =	vsel vm13, v50, v3  }
0x34: {  	v10 =	vsel vm12, v6, v10;
	v6 =	vsel vm12, $0x5, v6;
	v7 =	vsel vm13, $0x6, v7  }
0x35: {  	v53 =	vld [tilespmem:s19+$0xE10];
	v3 =	vsel vm14, v1, v3;
	v1 =	vsel vm14, v50, v1;
	vm15 =	vgt.f32 v51, v4  }
0x36: {  	v7 =	vsel vm14, v8, v7;
	vm4 =	vgt.f32 v51, v2;
	v8 =	vsel vm14, $0x6, v8  }
0x37: {  	v4 =	vsel vm15, v51, v4;
	v10 =	vsel vm15, $0x6, v10;
	vm5 =	vgt.f32 v52, v3  }
0x38: {  	v54 =	vld [tilespmem:s20+$0x1000];
	vm6 =	vgt.f32 v52, v1;
	v4 =	vsel vm4, v2, v4;
	v10 =	vsel vm4, v6, v10  }
0x39: {  	v2 =	vsel vm4, v51, v2;
	v6 =	vsel vm4, $0x6, v6;
	v3 =	vsel vm5, v52, v3  }
0x3a: {  	v7 =	vsel vm5, $0x7, v7;
	v3 =	vsel vm6, v1, v3;
	vm7 =	vgt.f32 v53, v4  }
0x3b: {  	v55 =	vld [tilespmem:s19+$0x1010];
	v1 =	vsel vm6, v52, v1;
	vm8 =	vgt.f32 v53, v2;
	v7 =	vsel vm6, v8, v7  }
0x3c: {  	v8 =	vsel vm6, $0x7, v8;
	v4 =	vsel vm7, v53, v4;
	v10 =	vsel vm7, $0x7, v10  }
0x3d: {  	v56 =	vld [tilespmem:s20+$0x1200];
	vm9 =	vgt.f32 v54, v3;
	vm10 =	vgt.f32 v54, v1;
	v4 =	vsel vm8, v2, v4  }
0x3e: {  	v2 =	vsel vm8, v53, v2;
	v10 =	vsel vm8, v6, v10;
	v3 =	vsel vm9, v54, v3  }
0x3f: {  	v6 =	vsel vm8, $0x7, v6;
	v7 =	vsel vm9, $0x8, v7;
	v3 =	vsel vm10, v1, v3  }
0x40: {  	v57 =	vld [tilespmem:s19+$0x1210];
	v7 =	vsel vm10, v8, v7;
	v1 =	vsel vm10, v54, v1;
	vm11 =	vgt.f32 v55, v4  }
0x41: {  	v8 =	vsel vm10, $0x8, v8;
	vm12 =	vgt.f32 v55, v2;
	v4 =	vsel vm11, v55, v4  }
0x42: {  	v58 =	vld [tilespmem:s20+$0x1400];
	v10 =	vsel vm11, $0x8, v10;
	vm13 =	vgt.f32 v56, v3;
	vm14 =	vgt.f32 v56, v1  }
0x43: {  	v4 =	vsel vm12, v2, v4;
	v2 =	vsel vm12, v55, v2;
	v3 =	vsel vm13, v56, v3  }
0x44: {  	v10 =	vsel vm12, v6, v10;
	v6 =	vsel vm12, $0x8, v6;
	v7 =	vsel vm13, $0x9, v7  }
0x45: {  	v59 =	vld [tilespmem:s19+$0x1410];
	v3 =	vsel vm14, v1, v3;
	v1 =	vsel vm14, v56, v1;
	vm15 =	vgt.f32 v57, v4  }
0x46: {  	v7 =	vsel vm14, v8, v7;
	vm4 =	vgt.f32 v57, v2;
	v8 =	vsel vm14, $0x9, v8  }
0x47: {  	v4 =	vsel vm15, v57, v4;
	v10 =	vsel vm15, $0x9, v10;
	vm5 =	vgt.f32 v58, v3  }
0x48: {  	v60 =	vld [tilespmem:s20+$0x1600];
	vm6 =	vgt.f32 v58, v1;
	v4 =	vsel vm4, v2, v4;
	v10 =	vsel vm4, v6, v10  }
0x49: {  	v2 =	vsel vm4, v57, v2;
	v6 =	vsel vm4, $0x9, v6;
	v3 =	vsel vm5, v58, v3  }
0x4a: {  	v7 =	vsel vm5, $0xA, v7;
	v3 =	vsel vm6, v1, v3;
	vm7 =	vgt.f32 v59, v4  }
0x4b: {  	v61 =	vld [tilespmem:s19+$0x1610];
	v1 =	vsel vm6, v58, v1;
	vm8 =	vgt.f32 v59, v2;
	v7 =	vsel vm6, v8, v7  }
0x4c: {  	v8 =	vsel vm6, $0xA, v8;
	v4 =	vsel vm7, v59, v4;
	v10 =	vsel vm7, $0xA, v10  }
0x4d: {  	v62 =	vld [tilespmem:s20+$0x1800];
	vm9 =	vgt.f32 v60, v3;
	vm10 =	vgt.f32 v60, v1;
	v4 =	vsel vm8, v2, v4  }
0x4e: {  	v2 =	vsel vm8, v59, v2;
	v10 =	vsel vm8, v6, v10;
	v3 =	vsel vm9, v60, v3  }
0x4f: {  	v6 =	vsel vm8, $0xA, v6;
	v7 =	vsel vm9, $0xB, v7;
	v3 =	vsel vm10, v1, v3  }
0x50: {  	v63 =	vld [tilespmem:s19+$0x1810];
	v7 =	vsel vm10, v8, v7;
	v1 =	vsel vm10, v60, v1;
	vm11 =	vgt.f32 v61, v4  }
0x51: {  	v8 =	vsel vm10, $0xB, v8;
	vm12 =	vgt.f32 v61, v2;
	v4 =	vsel vm11, v61, v4  }
0x52: {  	v12 =	vld [tilespmem:s20+$0x1A00];
	v10 =	vsel vm11, $0xB, v10;
	vm13 =	vgt.f32 v62, v3;
	vm14 =	vgt.f32 v62, v1  }
0x53: {  	v4 =	vsel vm12, v2, v4;
	v2 =	vsel vm12, v61, v2;
	v3 =	vsel vm13, v62, v3  }
0x54: {  	v10 =	vsel vm12, v6, v10;
	v6 =	vsel vm12, $0xB, v6;
	v7 =	vsel vm13, $0xC, v7  }
0x55: {  	v13 =	vld [tilespmem:s19+$0x1A10];
	v3 =	vsel vm14, v1, v3;
	v1 =	vsel vm14, v62, v1;
	vm15 =	vgt.f32 v63, v4  }
0x56: {  	v7 =	vsel vm14, v8, v7;
	vm4 =	vgt.f32 v63, v2;
	v8 =	vsel vm14, $0xC, v8  }
0x57: {  	v4 =	vsel vm15, v63, v4;
	v10 =	vsel vm15, $0xC, v10;
	vm5 =	vgt.f32 v12, v3  }
0x58: {  	v14 =	vld [tilespmem:s20+$0x1C00];
	vm6 =	vgt.f32 v12, v1;
	v4 =	vsel vm4, v2, v4;
	v10 =	vsel vm4, v6, v10  }
0x59: {  	v2 =	vsel vm4, v63, v2;
	v6 =	vsel vm4, $0xC, v6;
	v3 =	vsel vm5, v12, v3  }
0x5a: {  	v7 =	vsel vm5, $0xD, v7;
	v3 =	vsel vm6, v1, v3;
	vm7 =	vgt.f32 v13, v4  }
0x5b: {  	v15 =	vld [tilespmem:s19+$0x1C10];
	v1 =	vsel vm6, v12, v1;
	vm8 =	vgt.f32 v13, v2;
	v7 =	vsel vm6, v8, v7  }
0x5c: {  	v8 =	vsel vm6, $0xD, v8;
	v4 =	vsel vm7, v13, v4;
	v10 =	vsel vm7, $0xD, v10  }
0x5d: {  	v16 =	vld [tilespmem:s20+$0x1E00];
	vm9 =	vgt.f32 v14, v3;
	vm10 =	vgt.f32 v14, v1;
	v4 =	vsel vm8, v2, v4  }
0x5e: {  	v2 =	vsel vm8, v13, v2;
	v10 =	vsel vm8, v6, v10;
	v3 =	vsel vm9, v14, v3  }
0x5f: {  	v6 =	vsel vm8, $0xD, v6;
	v7 =	vsel vm9, $0xE, v7;
	v3 =	vsel vm10, v1, v3  }
0x60: {  	v17 =	vld [tilespmem:s19+$0x1E10];
	v7 =	vsel vm10, v8, v7;
	v1 =	vsel vm10, v14, v1;
	vm11 =	vgt.f32 v15, v4  }
0x61: {  	v8 =	vsel vm10, $0xE, v8;
	vm12 =	vgt.f32 v15, v2;
	v4 =	vsel vm11, v15, v4  }
0x62: {  	v18 =	vld [tilespmem:s20+$0x2000];
	v10 =	vsel vm11, $0xE, v10;
	vm13 =	vgt.f32 v16, v3;
	vm14 =	vgt.f32 v16, v1  }
0x63: {  	v4 =	vsel vm12, v2, v4;
	v2 =	vsel vm12, v15, v2;
	v3 =	vsel vm13, v16, v3  }
0x64: {  	v10 =	vsel vm12, v6, v10;
	v6 =	vsel vm12, $0xE, v6;
	v7 =	vsel vm13, $0xF, v7  }
0x65: {  	v19 =	vld [tilespmem:s19+$0x2010];
	v3 =	vsel vm14, v1, v3;
	v1 =	vsel vm14, v16, v1;
	vm15 =	vgt.f32 v17, v4  }
0x66: {  	v7 =	vsel vm14, v8, v7;
	vm4 =	vgt.f32 v17, v2;
	v8 =	vsel vm14, $0xF, v8  }
0x67: {  	v4 =	vsel vm15, v17, v4;
	v10 =	vsel vm15, $0xF, v10;
	vm5 =	vgt.f32 v18, v3  }
0x68: {  	v20 =	vld [tilespmem:s20+$0x2200];
	vm6 =	vgt.f32 v18, v1;
	v4 =	vsel vm4, v2, v4;
	v10 =	vsel vm4, v6, v10  }
0x69: {  	v2 =	vsel vm4, v17, v2;
	v6 =	vsel vm4, $0xF, v6;
	v3 =	vsel vm5, v18, v3  }
0x6a: {  	v7 =	vsel vm5, $0x10, v7;
	v3 =	vsel vm6, v1, v3;
	vm7 =	vgt.f32 v19, v4  }
0x6b: {  	v21 =	vld [tilespmem:s19+$0x2210];
	v1 =	vsel vm6, v18, v1;
	vm8 =	vgt.f32 v19, v2;
	v7 =	vsel vm6, v8, v7  }
0x6c: {  	v8 =	vsel vm6, $0x10, v8;
	v4 =	vsel vm7, v19, v4;
	v10 =	vsel vm7, $0x10, v10  }
0x6d: {  	v22 =	vld [tilespmem:s20+$0x2400];
	vm9 =	vgt.f32 v20, v3;
	vm10 =	vgt.f32 v20, v1;
	v4 =	vsel vm8, v2, v4  }
0x6e: {  	v2 =	vsel vm8, v19, v2;
	v10 =	vsel vm8, v6, v10;
	v3 =	vsel vm9, v20, v3  }
0x6f: {  	v6 =	vsel vm8, $0x10, v6;
	v7 =	vsel vm9, $0x11, v7;
	v3 =	vsel vm10, v1, v3  }
0x70: {  	v23 =	vld [tilespmem:s19+$0x2410];
	v7 =	vsel vm10, v8, v7;
	v1 =	vsel vm10, v20, v1;
	vm11 =	vgt.f32 v21, v4  }
0x71: {  	v8 =	vsel vm10, $0x11, v8;
	vm12 =	vgt.f32 v21, v2;
	v4 =	vsel vm11, v21, v4  }
0x72: {  	v24 =	vld [tilespmem:s20+$0x2600];
	v10 =	vsel vm11, $0x11, v10;
	vm13 =	vgt.f32 v22, v3;
	vm14 =	vgt.f32 v22, v1  }
0x73: {  	v4 =	vsel vm12, v2, v4;
	v2 =	vsel vm12, v21, v2;
	v3 =	vsel vm13, v22, v3  }
0x74: {  	v10 =	vsel vm12, v6, v10;
	v6 =	vsel vm12, $0x11, v6;
	v7 =	vsel vm13, $0x12, v7  }
0x75: {  	v25 =	vld [tilespmem:s19+$0x2610];
	v3 =	vsel vm14, v1, v3;
	v1 =	vsel vm14, v22, v1;
	vm15 =	vgt.f32 v23, v4  }
0x76: {  	v7 =	vsel vm14, v8, v7;
	vm4 =	vgt.f32 v23, v2;
	v8 =	vsel vm14, $0x12, v8  }
0x77: {  	v4 =	vsel vm15, v23, v4;
	v10 =	vsel vm15, $0x12, v10;
	vm5 =	vgt.f32 v24, v3  }
0x78: {  	v26 =	vld [tilespmem:s20+$0x2800];
	vm6 =	vgt.f32 v24, v1;
	v4 =	vsel vm4, v2, v4;
	v10 =	vsel vm4, v6, v10  }
0x79: {  	v2 =	vsel vm4, v23, v2;
	v6 =	vsel vm4, $0x12, v6;
	v3 =	vsel vm5, v24, v3  }
0x7a: {  	v7 =	vsel vm5, $0x13, v7;
	v3 =	vsel vm6, v1, v3;
	vm7 =	vgt.f32 v25, v4  }
0x7b: {  	v27 =	vld [tilespmem:s19+$0x2810];
	v1 =	vsel vm6, v24, v1;
	vm8 =	vgt.f32 v25, v2;
	v7 =	vsel vm6, v8, v7  }
0x7c: {  	v8 =	vsel vm6, $0x13, v8;
	v4 =	vsel vm7, v25, v4;
	v10 =	vsel vm7, $0x13, v10  }
0x7d: {  	v28 =	vld [tilespmem:s20+$0x2A00];
	vm9 =	vgt.f32 v26, v3;
	vm10 =	vgt.f32 v26, v1;
	v4 =	vsel vm8, v2, v4  }
0x7e: {  	v2 =	vsel vm8, v25, v2;
	v10 =	vsel vm8, v6, v10;
	v3 =	vsel vm9, v26, v3  }
0x7f: {  	v6 =	vsel vm8, $0x13, v6;
	v7 =	vsel vm9, $0x14, v7;
	v3 =	vsel vm10, v1, v3  }
0x80: {  	v29 =	vld [tilespmem:s19+$0x2A10];
	v7 =	vsel vm10, v8, v7;
	v1 =	vsel vm10, v26, v1;
	vm11 =	vgt.f32 v27, v4  }
0x81: {  	v8 =	vsel vm10, $0x14, v8;
	vm12 =	vgt.f32 v27, v2;
	v4 =	vsel vm11, v27, v4  }
0x82: {  	v30 =	vld [tilespmem:s20+$0x2C00];
	v10 =	vsel vm11, $0x14, v10;
	vm13 =	vgt.f32 v28, v3;
	vm14 =	vgt.f32 v28, v1  }
0x83: {  	v4 =	vsel vm12, v2, v4;
	v2 =	vsel vm12, v27, v2;
	v3 =	vsel vm13, v28, v3  }
0x84: {  	v10 =	vsel vm12, v6, v10;
	v6 =	vsel vm12, $0x14, v6;
	v7 =	vsel vm13, $0x15, v7  }
0x85: {  	v31 =	vld [tilespmem:s19+$0x2C10];
	v3 =	vsel vm14, v1, v3;
	v1 =	vsel vm14, v28, v1;
	vm15 =	vgt.f32 v29, v4  }
0x86: {  	v7 =	vsel vm14, v8, v7;
	vm4 =	vgt.f32 v29, v2;
	v8 =	vsel vm14, $0x15, v8  }
0x87: {  	v4 =	vsel vm15, v29, v4;
	v10 =	vsel vm15, $0x15, v10;
	vm5 =	vgt.f32 v30, v3  }
0x88: {  	v32 =	vld [tilespmem:s20+$0x2E00];
	vm6 =	vgt.f32 v30, v1;
	v4 =	vsel vm4, v2, v4;
	v10 =	vsel vm4, v6, v10  }
0x89: {  	v2 =	vsel vm4, v29, v2;
	v6 =	vsel vm4, $0x15, v6;
	v3 =	vsel vm5, v30, v3  }
0x8a: {  	v7 =	vsel vm5, $0x16, v7;
	v3 =	vsel vm6, v1, v3;
	vm7 =	vgt.f32 v31, v4  }
0x8b: {  	v33 =	vld [tilespmem:s19+$0x2E10];
	v1 =	vsel vm6, v30, v1;
	vm8 =	vgt.f32 v31, v2;
	v7 =	vsel vm6, v8, v7  }
0x8c: {  	v8 =	vsel vm6, $0x16, v8;
	v4 =	vsel vm7, v31, v4;
	v10 =	vsel vm7, $0x16, v10  }
0x8d: {  	v34 =	vld [tilespmem:s20+$0x3000];
	vm9 =	vgt.f32 v32, v3;
	vm10 =	vgt.f32 v32, v1;
	v4 =	vsel vm8, v2, v4  }
0x8e: {  	v2 =	vsel vm8, v31, v2;
	v10 =	vsel vm8, v6, v10;
	v3 =	vsel vm9, v32, v3  }
0x8f: {  	v6 =	vsel vm8, $0x16, v6;
	v7 =	vsel vm9, $0x17, v7;
	v3 =	vsel vm10, v1, v3  }
0x90: {  	v35 =	vld [tilespmem:s19+$0x3010];
	v7 =	vsel vm10, v8, v7;
	v1 =	vsel vm10, v32, v1;
	vm11 =	vgt.f32 v33, v4  }
0x91: {  	v8 =	vsel vm10, $0x17, v8;
	vm12 =	vgt.f32 v33, v2;
	v4 =	vsel vm11, v33, v4  }
0x92: {  	v36 =	vld [tilespmem:s20+$0x3200];
	v10 =	vsel vm11, $0x17, v10;
	vm13 =	vgt.f32 v34, v3;
	vm14 =	vgt.f32 v34, v1  }
0x93: {  	v4 =	vsel vm12, v2, v4;
	v2 =	vsel vm12, v33, v2;
	v3 =	vsel vm13, v34, v3  }
0x94: {  	v10 =	vsel vm12, v6, v10;
	v6 =	vsel vm12, $0x17, v6;
	v7 =	vsel vm13, $0x18, v7  }
0x95: {  	v37 =	vld [tilespmem:s19+$0x3210];
	v3 =	vsel vm14, v1, v3;
	v1 =	vsel vm14, v34, v1;
	vm15 =	vgt.f32 v35, v4  }
0x96: {  	v7 =	vsel vm14, v8, v7;
	vm4 =	vgt.f32 v35, v2;
	v8 =	vsel vm14, $0x18, v8  }
0x97: {  	v4 =	vsel vm15, v35, v4;
	v10 =	vsel vm15, $0x18, v10;
	vm5 =	vgt.f32 v36, v3  }
0x98: {  	v38 =	vld [tilespmem:s20+$0x3400];
	vm6 =	vgt.f32 v36, v1;
	v4 =	vsel vm4, v2, v4;
	v10 =	vsel vm4, v6, v10  }
0x99: {  	v2 =	vsel vm4, v35, v2;
	v6 =	vsel vm4, $0x18, v6;
	v3 =	vsel vm5, v36, v3  }
0x9a: {  	v7 =	vsel vm5, $0x19, v7;
	v3 =	vsel vm6, v1, v3;
	vm7 =	vgt.f32 v37, v4  }
0x9b: {  	v39 =	vld [tilespmem:s19+$0x3410];
	v1 =	vsel vm6, v36, v1;
	vm8 =	vgt.f32 v37, v2;
	v7 =	vsel vm6, v8, v7  }
0x9c: {  	v8 =	vsel vm6, $0x19, v8;
	v4 =	vsel vm7, v37, v4;
	v10 =	vsel vm7, $0x19, v10  }
0x9d: {  	v40 =	vld [tilespmem:s20+$0x3600];
	vm9 =	vgt.f32 v38, v3;
	vm10 =	vgt.f32 v38, v1;
	v4 =	vsel vm8, v2, v4  }
0x9e: {  	v2 =	vsel vm8, v37, v2;
	v10 =	vsel vm8, v6, v10;
	v3 =	vsel vm9, v38, v3  }
0x9f: {  	v6 =	vsel vm8, $0x19, v6;
	v7 =	vsel vm9, $0x1A, v7;
	v3 =	vsel vm10, v1, v3  }
0xa0: {  	v41 =	vld [tilespmem:s19+$0x3610];
	v7 =	vsel vm10, v8, v7;
	v1 =	vsel vm10, v38, v1;
	vm11 =	vgt.f32 v39, v4  }
0xa1: {  	v8 =	vsel vm10, $0x1A, v8;
	vm12 =	vgt.f32 v39, v2;
	v4 =	vsel vm11, v39, v4  }
0xa2: {  	v42 =	vld [tilespmem:s20+$0x3800];
	v10 =	vsel vm11, $0x1A, v10;
	vm13 =	vgt.f32 v40, v3;
	vm14 =	vgt.f32 v40, v1  }
0xa3: {  	v4 =	vsel vm12, v2, v4;
	v2 =	vsel vm12, v39, v2;
	v3 =	vsel vm13, v40, v3  }
0xa4: {  	v10 =	vsel vm12, v6, v10;
	v6 =	vsel vm12, $0x1A, v6;
	v7 =	vsel vm13, $0x1B, v7  }
0xa5: {  	v43 =	vld [tilespmem:s19+$0x3810];
	v3 =	vsel vm14, v1, v3;
	v1 =	vsel vm14, v40, v1;
	vm15 =	vgt.f32 v41, v4  }
0xa6: {  	v7 =	vsel vm14, v8, v7;
	vm4 =	vgt.f32 v41, v2;
	v8 =	vsel vm14, $0x1B, v8  }
0xa7: {  	v4 =	vsel vm15, v41, v4;
	v10 =	vsel vm15, $0x1B, v10;
	vm5 =	vgt.f32 v42, v3  }
0xa8: {  	v44 =	vld [tilespmem:s20+$0x3A00];
	vm6 =	vgt.f32 v42, v1;
	v4 =	vsel vm4, v2, v4;
	v10 =	vsel vm4, v6, v10  }
0xa9: {  	v2 =	vsel vm4, v41, v2;
	v6 =	vsel vm4, $0x1B, v6;
	v3 =	vsel vm5, v42, v3  }
0xaa: {  	v7 =	vsel vm5, $0x1C, v7;
	v3 =	vsel vm6, v1, v3;
	vm7 =	vgt.f32 v43, v4  }
0xab: {  	v45 =	vld [tilespmem:s19+$0x3A10];
	v1 =	vsel vm6, v42, v1;
	vm8 =	vgt.f32 v43, v2;
	v7 =	vsel vm6, v8, v7  }
0xac: {  	v8 =	vsel vm6, $0x1C, v8;
	v4 =	vsel vm7, v43, v4;
	v10 =	vsel vm7, $0x1C, v10  }
0xad: {  	v46 =	vld [tilespmem:s20+$0x3C00];
	vm9 =	vgt.f32 v44, v3;
	vm10 =	vgt.f32 v44, v1;
	v4 =	vsel vm8, v2, v4  }
0xae: {  	v2 =	vsel vm8, v43, v2;
	v10 =	vsel vm8, v6, v10;
	v3 =	vsel vm9, v44, v3  }
0xaf: {  	v6 =	vsel vm8, $0x1C, v6;
	v7 =	vsel vm9, $0x1D, v7;
	v3 =	vsel vm10, v1, v3  }
0xb0: {  	v47 =	vld [tilespmem:s19+$0x3C10];
	v7 =	vsel vm10, v8, v7;
	v1 =	vsel vm10, v44, v1;
	vm11 =	vgt.f32 v45, v4  }
0xb1: {  	v8 =	vsel vm10, $0x1D, v8;
	vm12 =	vgt.f32 v45, v2;
	v4 =	vsel vm11, v45, v4  }
0xb2: {  	v48 =	vld [tilespmem:s20+$0x3E00];
	v10 =	vsel vm11, $0x1D, v10;
	vm13 =	vgt.f32 v46, v3;
	vm14 =	vgt.f32 v46, v1  }
0xb3: {  	v4 =	vsel vm12, v2, v4;
	v2 =	vsel vm12, v45, v2;
	v3 =	vsel vm13, v46, v3  }
0xb4: {  	v10 =	vsel vm12, v6, v10;
	v6 =	vsel vm12, $0x1D, v6;
	v7 =	vsel vm13, $0x1E, v7  }
0xb5: {  	v49 =	vld [tilespmem:s19+$0x3E10];
	v3 =	vsel vm14, v1, v3;
	v1 =	vsel vm14, v46, v1;
	vm15 =	vgt.f32 v47, v4  }
0xb6: {  	v7 =	vsel vm14, v8, v7;
	vm4 =	vgt.f32 v47, v2;
	v8 =	vsel vm14, $0x1E, v8  }
0xb7: {  	v4 =	vsel vm15, v47, v4;
	v10 =	vsel vm15, $0x1E, v10;
	vm5 =	vgt.f32 v48, v3  }
0xb8: {  	v50 =	vld [tilespmem:s20+$0x4000];
	vm6 =	vgt.f32 v48, v1;
	v4 =	vsel vm4, v2, v4;
	v10 =	vsel vm4, v6, v10  }
0xb9: {  	v2 =	vsel vm4, v47, v2;
	v6 =	vsel vm4, $0x1E, v6;
	v3 =	vsel vm5, v48, v3  }
0xba: {  	v7 =	vsel vm5, $0x1F, v7;
	v3 =	vsel vm6, v1, v3;
	vm7 =	vgt.f32 v49, v4  }
0xbb: {  	v51 =	vld [tilespmem:s19+$0x4010];
	v1 =	vsel vm6, v48, v1;
	vm8 =	vgt.f32 v49, v2;
	v7 =	vsel vm6, v8, v7  }
0xbc: {  	v8 =	vsel vm6, $0x1F, v8;
	v4 =	vsel vm7, v49, v4;
	v10 =	vsel vm7, $0x1F, v10  }
0xbd: {  	v52 =	vld [tilespmem:s20+$0x4200];
	vm9 =	vgt.f32 v50, v3;
	vm10 =	vgt.f32 v50, v1;
	v4 =	vsel vm8, v2, v4  }
0xbe: {  	v2 =	vsel vm8, v49, v2;
	v10 =	vsel vm8, v6, v10;
	v3 =	vsel vm9, v50, v3  }
0xbf: {  	v6 =	vsel vm8, $0x1F, v6;
	v7 =	vsel vm9, $0x20, v7;
	v3 =	vsel vm10, v1, v3  }
0xc0: {  	v53 =	vld [tilespmem:s19+$0x4210];
	v7 =	vsel vm10, v8, v7;
	v1 =	vsel vm10, v50, v1;
	vm11 =	vgt.f32 v51, v4  }
0xc1: {  	v8 =	vsel vm10, $0x20, v8;
	vm12 =	vgt.f32 v51, v2;
	v4 =	vsel vm11, v51, v4  }
0xc2: {  	v54 =	vld [tilespmem:s20+$0x4400];
	v10 =	vsel vm11, $0x20, v10;
	vm13 =	vgt.f32 v52, v3;
	vm14 =	vgt.f32 v52, v1  }
0xc3: {  	v4 =	vsel vm12, v2, v4;
	v2 =	vsel vm12, v51, v2;
	v3 =	vsel vm13, v52, v3  }
0xc4: {  	v10 =	vsel vm12, v6, v10;
	v6 =	vsel vm12, $0x20, v6;
	v7 =	vsel vm13, $0x21, v7  }
0xc5: {  	v55 =	vld [tilespmem:s19+$0x4410];
	v3 =	vsel vm14, v1, v3;
	v1 =	vsel vm14, v52, v1;
	vm15 =	vgt.f32 v53, v4  }
0xc6: {  	v7 =	vsel vm14, v8, v7;
	vm4 =	vgt.f32 v53, v2;
	v8 =	vsel vm14, $0x21, v8  }
0xc7: {  	v4 =	vsel vm15, v53, v4;
	v10 =	vsel vm15, $0x21, v10;
	vm5 =	vgt.f32 v54, v3  }
0xc8: {  	v56 =	vld [tilespmem:s20+$0x4600];
	vm6 =	vgt.f32 v54, v1;
	v4 =	vsel vm4, v2, v4;
	v10 =	vsel vm4, v6, v10  }
0xc9: {  	v2 =	vsel vm4, v53, v2;
	v6 =	vsel vm4, $0x21, v6;
	v3 =	vsel vm5, v54, v3  }
0xca: {  	v7 =	vsel vm5, $0x22, v7;
	v3 =	vsel vm6, v1, v3;
	vm7 =	vgt.f32 v55, v4  }
0xcb: {  	v57 =	vld [tilespmem:s19+$0x4610];
	v1 =	vsel vm6, v54, v1;
	vm8 =	vgt.f32 v55, v2;
	v7 =	vsel vm6, v8, v7  }
0xcc: {  	v8 =	vsel vm6, $0x22, v8;
	v4 =	vsel vm7, v55, v4;
	v10 =	vsel vm7, $0x22, v10  }
0xcd: {  	v58 =	vld [tilespmem:s20+$0x4800];
	vm9 =	vgt.f32 v56, v3;
	vm10 =	vgt.f32 v56, v1;
	v4 =	vsel vm8, v2, v4  }
0xce: {  	v2 =	vsel vm8, v55, v2;
	v10 =	vsel vm8, v6, v10;
	v3 =	vsel vm9, v56, v3  }
0xcf: {  	v6 =	vsel vm8, $0x22, v6;
	v7 =	vsel vm9, $0x23, v7;
	v3 =	vsel vm10, v1, v3  }
0xd0: {  	v59 =	vld [tilespmem:s19+$0x4810];
	v7 =	vsel vm10, v8, v7;
	v1 =	vsel vm10, v56, v1;
	vm11 =	vgt.f32 v57, v4  }
0xd1: {  	v8 =	vsel vm10, $0x23, v8;
	vm12 =	vgt.f32 v57, v2;
	v4 =	vsel vm11, v57, v4  }
0xd2: {  	v60 =	vld [tilespmem:s20+$0x4A00];
	v10 =	vsel vm11, $0x23, v10;
	vm13 =	vgt.f32 v58, v3;
	vm14 =	vgt.f32 v58, v1  }
0xd3: {  	v4 =	vsel vm12, v2, v4;
	v2 =	vsel vm12, v57, v2;
	v3 =	vsel vm13, v58, v3  }
0xd4: {  	v10 =	vsel vm12, v6, v10;
	v6 =	vsel vm12, $0x23, v6;
	v7 =	vsel vm13, $0x24, v7  }
0xd5: {  	v61 =	vld [tilespmem:s19+$0x4A10];
	v3 =	vsel vm14, v1, v3;
	v1 =	vsel vm14, v58, v1;
	vm15 =	vgt.f32 v59, v4  }
0xd6: {  	v7 =	vsel vm14, v8, v7;
	vm4 =	vgt.f32 v59, v2;
	v8 =	vsel vm14, $0x24, v8  }
0xd7: {  	v4 =	vsel vm15, v59, v4;
	v10 =	vsel vm15, $0x24, v10;
	vm5 =	vgt.f32 v60, v3  }
0xd8: {  	v62 =	vld [tilespmem:s20+$0x4C00];
	vm6 =	vgt.f32 v60, v1;
	v4 =	vsel vm4, v2, v4;
	v10 =	vsel vm4, v6, v10  }
0xd9: {  	v2 =	vsel vm4, v59, v2;
	v6 =	vsel vm4, $0x24, v6;
	v3 =	vsel vm5, v60, v3  }
0xda: {  	v7 =	vsel vm5, $0x25, v7;
	v3 =	vsel vm6, v1, v3;
	vm7 =	vgt.f32 v61, v4  }
0xdb: {  	v63 =	vld [tilespmem:s19+$0x4C10];
	v1 =	vsel vm6, v60, v1;
	vm8 =	vgt.f32 v61, v2;
	v7 =	vsel vm6, v8, v7  }
0xdc: {  	v8 =	vsel vm6, $0x25, v8;
	v4 =	vsel vm7, v61, v4;
	v10 =	vsel vm7, $0x25, v10  }
0xdd: {  	v12 =	vld [tilespmem:s20+$0x4E00];
	vm9 =	vgt.f32 v62, v3;
	vm10 =	vgt.f32 v62, v1;
	v4 =	vsel vm8, v2, v4  }
0xde: {  	v2 =	vsel vm8, v61, v2;
	v10 =	vsel vm8, v6, v10;
	v3 =	vsel vm9, v62, v3  }
0xdf: {  	v6 =	vsel vm8, $0x25, v6;
	v7 =	vsel vm9, $0x26, v7;
	v3 =	vsel vm10, v1, v3  }
0xe0: {  	v13 =	vld [tilespmem:s19+$0x4E10];
	v7 =	vsel vm10, v8, v7;
	v1 =	vsel vm10, v62, v1;
	vm11 =	vgt.f32 v63, v4  }
0xe1: {  	v8 =	vsel vm10, $0x26, v8;
	vm12 =	vgt.f32 v63, v2;
	v4 =	vsel vm11, v63, v4  }
0xe2: {  	v14 =	vld [tilespmem:s20+$0x5000];
	v10 =	vsel vm11, $0x26, v10;
	vm13 =	vgt.f32 v12, v3;
	vm14 =	vgt.f32 v12, v1  }
0xe3: {  	v4 =	vsel vm12, v2, v4;
	v2 =	vsel vm12, v63, v2;
	v3 =	vsel vm13, v12, v3  }
0xe4: {  	v10 =	vsel vm12, v6, v10;
	v6 =	vsel vm12, $0x26, v6;
	v7 =	vsel vm13, $0x27, v7  }
0xe5: {  	v15 =	vld [tilespmem:s19+$0x5010];
	v3 =	vsel vm14, v1, v3;
	v1 =	vsel vm14, v12, v1;
	vm15 =	vgt.f32 v13, v4  }
0xe6: {  	v7 =	vsel vm14, v8, v7;
	vm4 =	vgt.f32 v13, v2;
	v8 =	vsel vm14, $0x27, v8  }
0xe7: {  	v4 =	vsel vm15, v13, v4;
	v10 =	vsel vm15, $0x27, v10;
	vm5 =	vgt.f32 v14, v3  }
0xe8: {  	v16 =	vld [tilespmem:s20+$0x5200];
	vm6 =	vgt.f32 v14, v1;
	v4 =	vsel vm4, v2, v4;
	v10 =	vsel vm4, v6, v10  }
0xe9: {  	v2 =	vsel vm4, v13, v2;
	v6 =	vsel vm4, $0x27, v6;
	v3 =	vsel vm5, v14, v3  }
0xea: {  	v7 =	vsel vm5, $0x28, v7;
	v3 =	vsel vm6, v1, v3;
	vm7 =	vgt.f32 v15, v4  }
0xeb: {  	v17 =	vld [tilespmem:s19+$0x5210];
	v1 =	vsel vm6, v14, v1;
	vm8 =	vgt.f32 v15, v2;
	v7 =	vsel vm6, v8, v7  }
0xec: {  	v8 =	vsel vm6, $0x28, v8;
	v4 =	vsel vm7, v15, v4;
	v10 =	vsel vm7, $0x28, v10  }
0xed: {  	v18 =	vld [tilespmem:s20+$0x5400];
	vm9 =	vgt.f32 v16, v3;
	vm10 =	vgt.f32 v16, v1;
	v4 =	vsel vm8, v2, v4  }
0xee: {  	v2 =	vsel vm8, v15, v2;
	v10 =	vsel vm8, v6, v10;
	v3 =	vsel vm9, v16, v3  }
0xef: {  	v6 =	vsel vm8, $0x28, v6;
	v7 =	vsel vm9, $0x29, v7;
	v3 =	vsel vm10, v1, v3  }
0xf0: {  	v19 =	vld [tilespmem:s19+$0x5410];
	v7 =	vsel vm10, v8, v7;
	v1 =	vsel vm10, v16, v1;
	vm11 =	vgt.f32 v17, v4  }
0xf1: {  	v8 =	vsel vm10, $0x29, v8;
	vm12 =	vgt.f32 v17, v2;
	v4 =	vsel vm11, v17, v4  }
0xf2: {  	v20 =	vld [tilespmem:s20+$0x5600];
	v10 =	vsel vm11, $0x29, v10;
	vm13 =	vgt.f32 v18, v3;
	vm14 =	vgt.f32 v18, v1  }
0xf3: {  	v4 =	vsel vm12, v2, v4;
	v2 =	vsel vm12, v17, v2;
	v3 =	vsel vm13, v18, v3  }
0xf4: {  	v10 =	vsel vm12, v6, v10;
	v6 =	vsel vm12, $0x29, v6;
	v7 =	vsel vm13, $0x2A, v7  }
0xf5: {  	v21 =	vld [tilespmem:s19+$0x5610];
	v3 =	vsel vm14, v1, v3;
	v1 =	vsel vm14, v18, v1;
	vm15 =	vgt.f32 v19, v4  }
0xf6: {  	v7 =	vsel vm14, v8, v7;
	vm4 =	vgt.f32 v19, v2;
	v8 =	vsel vm14, $0x2A, v8  }
0xf7: {  	v4 =	vsel vm15, v19, v4;
	v10 =	vsel vm15, $0x2A, v10;
	vm5 =	vgt.f32 v20, v3  }
0xf8: {  	v22 =	vld [tilespmem:s20+$0x5800];
	vm6 =	vgt.f32 v20, v1;
	v4 =	vsel vm4, v2, v4;
	v10 =	vsel vm4, v6, v10  }
0xf9: {  	v2 =	vsel vm4, v19, v2;
	v6 =	vsel vm4, $0x2A, v6;
	v3 =	vsel vm5, v20, v3  }
0xfa: {  	v7 =	vsel vm5, $0x2B, v7;
	v3 =	vsel vm6, v1, v3;
	vm7 =	vgt.f32 v21, v4  }
0xfb: {  	v23 =	vld [tilespmem:s19+$0x5810];
	v1 =	vsel vm6, v20, v1;
	vm8 =	vgt.f32 v21, v2;
	v7 =	vsel vm6, v8, v7  }
0xfc: {  	v8 =	vsel vm6, $0x2B, v8;
	v4 =	vsel vm7, v21, v4;
	v10 =	vsel vm7, $0x2B, v10  }
0xfd: {  	v24 =	vld [tilespmem:s20+$0x5A00];
	vm9 =	vgt.f32 v22, v3;
	vm10 =	vgt.f32 v22, v1;
	v4 =	vsel vm8, v2, v4  }
0xfe: {  	v2 =	vsel vm8, v21, v2;
	v10 =	vsel vm8, v6, v10;
	v3 =	vsel vm9, v22, v3  }
0xff: {  	v6 =	vsel vm8, $0x2B, v6;
	v7 =	vsel vm9, $0x2C, v7;
	v3 =	vsel vm10, v1, v3  }
0x100: {  	v25 =	vld [tilespmem:s19+$0x5A10];
	v7 =	vsel vm10, v8, v7;
	v1 =	vsel vm10, v22, v1;
	vm11 =	vgt.f32 v23, v4  }
0x101: {  	v8 =	vsel vm10, $0x2C, v8;
	vm12 =	vgt.f32 v23, v2;
	v4 =	vsel vm11, v23, v4  }
0x102: {  	v26 =	vld [tilespmem:s20+$0x5C00];
	v10 =	vsel vm11, $0x2C, v10;
	vm13 =	vgt.f32 v24, v3;
	vm14 =	vgt.f32 v24, v1  }
0x103: {  	v4 =	vsel vm12, v2, v4;
	v2 =	vsel vm12, v23, v2;
	v3 =	vsel vm13, v24, v3  }
0x104: {  	v10 =	vsel vm12, v6, v10;
	v6 =	vsel vm12, $0x2C, v6;
	v7 =	vsel vm13, $0x2D, v7  }
0x105: {  	v27 =	vld [tilespmem:s19+$0x5C10];
	v3 =	vsel vm14, v1, v3;
	v1 =	vsel vm14, v24, v1;
	vm15 =	vgt.f32 v25, v4  }
0x106: {  	v7 =	vsel vm14, v8, v7;
	vm4 =	vgt.f32 v25, v2;
	v8 =	vsel vm14, $0x2D, v8  }
0x107: {  	v4 =	vsel vm15, v25, v4;
	v10 =	vsel vm15, $0x2D, v10;
	vm5 =	vgt.f32 v26, v3  }
0x108: {  	v28 =	vld [tilespmem:s20+$0x5E00];
	vm6 =	vgt.f32 v26, v1;
	v4 =	vsel vm4, v2, v4;
	v10 =	vsel vm4, v6, v10  }
0x109: {  	v2 =	vsel vm4, v25, v2;
	v6 =	vsel vm4, $0x2D, v6;
	v3 =	vsel vm5, v26, v3  }
0x10a: {  	v7 =	vsel vm5, $0x2E, v7;
	v3 =	vsel vm6, v1, v3;
	vm7 =	vgt.f32 v27, v4  }
0x10b: {  	v29 =	vld [tilespmem:s19+$0x5E10];
	v1 =	vsel vm6, v26, v1;
	vm8 =	vgt.f32 v27, v2;
	v7 =	vsel vm6, v8, v7  }
0x10c: {  	v8 =	vsel vm6, $0x2E, v8;
	v4 =	vsel vm7, v27, v4;
	v10 =	vsel vm7, $0x2E, v10  }
0x10d: {  	v30 =	vld [tilespmem:s20+$0x6000];
	vm9 =	vgt.f32 v28, v3;
	vm10 =	vgt.f32 v28, v1;
	v4 =	vsel vm8, v2, v4  }
0x10e: {  	v2 =	vsel vm8, v27, v2;
	v10 =	vsel vm8, v6, v10;
	v3 =	vsel vm9, v28, v3  }
0x10f: {  	v6 =	vsel vm8, $0x2E, v6;
	v7 =	vsel vm9, $0x2F, v7;
	v3 =	vsel vm10, v1, v3  }
0x110: {  	v31 =	vld [tilespmem:s19+$0x6010];
	v7 =	vsel vm10, v8, v7;
	v1 =	vsel vm10, v28, v1;
	vm11 =	vgt.f32 v29, v4  }
0x111: {  	v8 =	vsel vm10, $0x2F, v8;
	vm12 =	vgt.f32 v29, v2;
	v4 =	vsel vm11, v29, v4  }
0x112: {  	v32 =	vld [tilespmem:s20+$0x6200];
	v10 =	vsel vm11, $0x2F, v10;
	vm13 =	vgt.f32 v30, v3;
	vm14 =	vgt.f32 v30, v1  }
0x113: {  	v4 =	vsel vm12, v2, v4;
	v2 =	vsel vm12, v29, v2;
	v3 =	vsel vm13, v30, v3  }
0x114: {  	v10 =	vsel vm12, v6, v10;
	v6 =	vsel vm12, $0x2F, v6;
	v7 =	vsel vm13, $0x30, v7  }
0x115: {  	v33 =	vld [tilespmem:s19+$0x6210];
	v3 =	vsel vm14, v1, v3;
	v1 =	vsel vm14, v30, v1;
	vm15 =	vgt.f32 v31, v4  }
0x116: {  	v7 =	vsel vm14, v8, v7;
	vm4 =	vgt.f32 v31, v2;
	v8 =	vsel vm14, $0x30, v8  }
0x117: {  	v4 =	vsel vm15, v31, v4;
	v10 =	vsel vm15, $0x30, v10;
	vm5 =	vgt.f32 v32, v3  }
0x118: {  	v34 =	vld [tilespmem:s20+$0x6400];
	vm6 =	vgt.f32 v32, v1;
	v4 =	vsel vm4, v2, v4;
	v10 =	vsel vm4, v6, v10  }
0x119: {  	v2 =	vsel vm4, v31, v2;
	v6 =	vsel vm4, $0x30, v6;
	v3 =	vsel vm5, v32, v3  }
0x11a: {  	v7 =	vsel vm5, $0x31, v7;
	v3 =	vsel vm6, v1, v3;
	vm7 =	vgt.f32 v33, v4  }
0x11b: {  	v35 =	vld [tilespmem:s19+$0x6410];
	v1 =	vsel vm6, v32, v1;
	vm8 =	vgt.f32 v33, v2;
	v7 =	vsel vm6, v8, v7  }
0x11c: {  	v8 =	vsel vm6, $0x31, v8;
	v4 =	vsel vm7, v33, v4;
	v10 =	vsel vm7, $0x31, v10  }
0x11d: {  	v36 =	vld [tilespmem:s20+$0x6600];
	vm9 =	vgt.f32 v34, v3;
	vm10 =	vgt.f32 v34, v1;
	v4 =	vsel vm8, v2, v4  }
0x11e: {  	v2 =	vsel vm8, v33, v2;
	v10 =	vsel vm8, v6, v10;
	v3 =	vsel vm9, v34, v3  }
0x11f: {  	v6 =	vsel vm8, $0x31, v6;
	v7 =	vsel vm9, $0x32, v7;
	v3 =	vsel vm10, v1, v3  }
0x120: {  	v37 =	vld [tilespmem:s19+$0x6610];
	v7 =	vsel vm10, v8, v7;
	v1 =	vsel vm10, v34, v1;
	vm11 =	vgt.f32 v35, v4  }
0x121: {  	v8 =	vsel vm10, $0x32, v8;
	vm12 =	vgt.f32 v35, v2;
	v4 =	vsel vm11, v35, v4  }
0x122: {  	v38 =	vld [tilespmem:s20+$0x6800];
	v10 =	vsel vm11, $0x32, v10;
	vm13 =	vgt.f32 v36, v3;
	vm14 =	vgt.f32 v36, v1  }
0x123: {  	v4 =	vsel vm12, v2, v4;
	v2 =	vsel vm12, v35, v2;
	v3 =	vsel vm13, v36, v3  }
0x124: {  	v10 =	vsel vm12, v6, v10;
	v6 =	vsel vm12, $0x32, v6;
	v7 =	vsel vm13, $0x33, v7  }
0x125: {  	v39 =	vld [tilespmem:s19+$0x6810];
	v3 =	vsel vm14, v1, v3;
	v1 =	vsel vm14, v36, v1;
	vm15 =	vgt.f32 v37, v4  }
0x126: {  	v7 =	vsel vm14, v8, v7;
	vm4 =	vgt.f32 v37, v2;
	v8 =	vsel vm14, $0x33, v8  }
0x127: {  	v4 =	vsel vm15, v37, v4;
	v10 =	vsel vm15, $0x33, v10;
	vm5 =	vgt.f32 v38, v3  }
0x128: {  	v40 =	vld [tilespmem:s20+$0x6A00];
	vm6 =	vgt.f32 v38, v1;
	v4 =	vsel vm4, v2, v4;
	v10 =	vsel vm4, v6, v10  }
0x129: {  	v2 =	vsel vm4, v37, v2;
	v6 =	vsel vm4, $0x33, v6;
	v3 =	vsel vm5, v38, v3  }
0x12a: {  	v7 =	vsel vm5, $0x34, v7;
	v3 =	vsel vm6, v1, v3;
	vm7 =	vgt.f32 v39, v4  }
0x12b: {  	v41 =	vld [tilespmem:s19+$0x6A10];
	v1 =	vsel vm6, v38, v1;
	vm8 =	vgt.f32 v39, v2;
	v7 =	vsel vm6, v8, v7  }
0x12c: {  	v8 =	vsel vm6, $0x34, v8;
	v4 =	vsel vm7, v39, v4;
	v10 =	vsel vm7, $0x34, v10  }
0x12d: {  	v42 =	vld [tilespmem:s20+$0x6C00];
	vm9 =	vgt.f32 v40, v3;
	vm10 =	vgt.f32 v40, v1;
	v4 =	vsel vm8, v2, v4  }
0x12e: {  	v2 =	vsel vm8, v39, v2;
	v10 =	vsel vm8, v6, v10;
	v3 =	vsel vm9, v40, v3  }
0x12f: {  	v6 =	vsel vm8, $0x34, v6;
	v7 =	vsel vm9, $0x35, v7;
	v3 =	vsel vm10, v1, v3  }
0x130: {  	v43 =	vld [tilespmem:s19+$0x6C10];
	v7 =	vsel vm10, v8, v7;
	v1 =	vsel vm10, v40, v1;
	vm11 =	vgt.f32 v41, v4  }
0x131: {  	v8 =	vsel vm10, $0x35, v8;
	vm12 =	vgt.f32 v41, v2;
	v4 =	vsel vm11, v41, v4  }
0x132: {  	v44 =	vld [tilespmem:s20+$0x6E00];
	v10 =	vsel vm11, $0x35, v10;
	vm13 =	vgt.f32 v42, v3;
	vm14 =	vgt.f32 v42, v1  }
0x133: {  	v4 =	vsel vm12, v2, v4;
	v2 =	vsel vm12, v41, v2;
	v3 =	vsel vm13, v42, v3  }
0x134: {  	v10 =	vsel vm12, v6, v10;
	v6 =	vsel vm12, $0x35, v6;
	v7 =	vsel vm13, $0x36, v7  }
0x135: {  	v45 =	vld [tilespmem:s19+$0x6E10];
	v3 =	vsel vm14, v1, v3;
	v1 =	vsel vm14, v42, v1;
	vm15 =	vgt.f32 v43, v4  }
0x136: {  	v7 =	vsel vm14, v8, v7;
	vm4 =	vgt.f32 v43, v2;
	v8 =	vsel vm14, $0x36, v8  }
0x137: {  	v4 =	vsel vm15, v43, v4;
	v10 =	vsel vm15, $0x36, v10;
	vm5 =	vgt.f32 v44, v3  }
0x138: {  	v46 =	vld [tilespmem:s20+$0x7000];
	vm6 =	vgt.f32 v44, v1;
	v4 =	vsel vm4, v2, v4;
	v10 =	vsel vm4, v6, v10  }
0x139: {  	v2 =	vsel vm4, v43, v2;
	v6 =	vsel vm4, $0x36, v6;
	v3 =	vsel vm5, v44, v3  }
0x13a: {  	v7 =	vsel vm5, $0x37, v7;
	v3 =	vsel vm6, v1, v3;
	vm7 =	vgt.f32 v45, v4  }
0x13b: {  	v47 =	vld [tilespmem:s19+$0x7010];
	v1 =	vsel vm6, v44, v1;
	vm8 =	vgt.f32 v45, v2;
	v7 =	vsel vm6, v8, v7  }
0x13c: {  	v8 =	vsel vm6, $0x37, v8;
	v4 =	vsel vm7, v45, v4;
	v10 =	vsel vm7, $0x37, v10  }
0x13d: {  	v48 =	vld [tilespmem:s20+$0x7200];
	vm9 =	vgt.f32 v46, v3;
	vm10 =	vgt.f32 v46, v1;
	v4 =	vsel vm8, v2, v4  }
0x13e: {  	v2 =	vsel vm8, v45, v2;
	v10 =	vsel vm8, v6, v10;
	v3 =	vsel vm9, v46, v3  }
0x13f: {  	v6 =	vsel vm8, $0x37, v6;
	v7 =	vsel vm9, $0x38, v7;
	v3 =	vsel vm10, v1, v3  }
0x140: {  	v49 =	vld [tilespmem:s19+$0x7210];
	v7 =	vsel vm10, v8, v7;
	v1 =	vsel vm10, v46, v1;
	vm11 =	vgt.f32 v47, v4  }
0x141: {  	v8 =	vsel vm10, $0x38, v8;
	vm12 =	vgt.f32 v47, v2;
	v4 =	vsel vm11, v47, v4  }
0x142: {  	v50 =	vld [tilespmem:s20+$0x7400];
	v10 =	vsel vm11, $0x38, v10;
	vm13 =	vgt.f32 v48, v3;
	vm14 =	vgt.f32 v48, v1  }
0x143: {  	v4 =	vsel vm12, v2, v4;
	v2 =	vsel vm12, v47, v2;
	v3 =	vsel vm13, v48, v3  }
0x144: {  	v10 =	vsel vm12, v6, v10;
	v6 =	vsel vm12, $0x38, v6;
	v7 =	vsel vm13, $0x39, v7  }
0x145: {  	v51 =	vld [tilespmem:s19+$0x7410];
	v3 =	vsel vm14, v1, v3;
	v1 =	vsel vm14, v48, v1;
	vm15 =	vgt.f32 v49, v4  }
0x146: {  	v7 =	vsel vm14, v8, v7;
	vm4 =	vgt.f32 v49, v2;
	v8 =	vsel vm14, $0x39, v8  }
0x147: {  	v4 =	vsel vm15, v49, v4;
	v10 =	vsel vm15, $0x39, v10;
	vm5 =	vgt.f32 v50, v3  }
0x148: {  	v52 =	vld [tilespmem:s20+$0x7600];
	vm6 =	vgt.f32 v50, v1;
	v4 =	vsel vm4, v2, v4;
	v10 =	vsel vm4, v6, v10  }
0x149: {  	v2 =	vsel vm4, v49, v2;
	v6 =	vsel vm4, $0x39, v6;
	v3 =	vsel vm5, v50, v3  }
0x14a: {  	v7 =	vsel vm5, $0x3A, v7;
	v3 =	vsel vm6, v1, v3;
	vm7 =	vgt.f32 v51, v4  }
0x14b: {  	v53 =	vld [tilespmem:s19+$0x7610];
	v1 =	vsel vm6, v50, v1;
	vm8 =	vgt.f32 v51, v2;
	v7 =	vsel vm6, v8, v7  }
0x14c: {  	v8 =	vsel vm6, $0x3A, v8;
	v4 =	vsel vm7, v51, v4;
	v10 =	vsel vm7, $0x3A, v10  }
0x14d: {  	v54 =	vld [tilespmem:s20+$0x7800];
	vm9 =	vgt.f32 v52, v3;
	vm10 =	vgt.f32 v52, v1;
	v4 =	vsel vm8, v2, v4  }
0x14e: {  	v2 =	vsel vm8, v51, v2;
	v10 =	vsel vm8, v6, v10;
	v3 =	vsel vm9, v52, v3  }
0x14f: {  	v6 =	vsel vm8, $0x3A, v6;
	v7 =	vsel vm9, $0x3B, v7;
	v3 =	vsel vm10, v1, v3  }
0x150: {  	v55 =	vld [tilespmem:s19+$0x7810];
	v7 =	vsel vm10, v8, v7;
	v1 =	vsel vm10, v52, v1;
	vm11 =	vgt.f32 v53, v4  }
0x151: {  	v8 =	vsel vm10, $0x3B, v8;
	vm12 =	vgt.f32 v53, v2;
	v4 =	vsel vm11, v53, v4  }
0x152: {  	v56 =	vld [tilespmem:s20+$0x7A00];
	v10 =	vsel vm11, $0x3B, v10;
	vm13 =	vgt.f32 v54, v3;
	vm14 =	vgt.f32 v54, v1  }
0x153: {  	v4 =	vsel vm12, v2, v4;
	v2 =	vsel vm12, v53, v2;
	v3 =	vsel vm13, v54, v3  }
0x154: {  	v10 =	vsel vm12, v6, v10;
	v6 =	vsel vm12, $0x3B, v6;
	v7 =	vsel vm13, $0x3C, v7  }
0x155: {  	v57 =	vld [tilespmem:s19+$0x7A10];
	v3 =	vsel vm14, v1, v3;
	v1 =	vsel vm14, v54, v1;
	vm15 =	vgt.f32 v55, v4  }
0x156: {  	v7 =	vsel vm14, v8, v7;
	vm4 =	vgt.f32 v55, v2;
	v8 =	vsel vm14, $0x3C, v8  }
0x157: {  	v4 =	vsel vm15, v55, v4;
	v10 =	vsel vm15, $0x3C, v10;
	vm5 =	vgt.f32 v56, v3  }
0x158: {  	v58 =	vld [tilespmem:s20+$0x7C00];
	vm6 =	vgt.f32 v56, v1;
	v4 =	vsel vm4, v2, v4;
	v10 =	vsel vm4, v6, v10  }
0x159: {  	v2 =	vsel vm4, v55, v2;
	v6 =	vsel vm4, $0x3C, v6;
	v3 =	vsel vm5, v56, v3  }
0x15a: {  	v7 =	vsel vm5, $0x3D, v7;
	v3 =	vsel vm6, v1, v3;
	vm7 =	vgt.f32 v57, v4  }
0x15b: {  	v59 =	vld [tilespmem:s19+$0x7C10];
	v1 =	vsel vm6, v56, v1;
	vm8 =	vgt.f32 v57, v2;
	v7 =	vsel vm6, v8, v7  }
0x15c: {  	v60 =	vld [tilespmem:s20+$0x7E00];
	v8 =	vsel vm6, $0x3D, v8;
	v4 =	vsel vm7, v57, v4;
	v10 =	vsel vm7, $0x3D, v10  }
0x15d: {  	vm9 =	vgt.f32 v58, v3;
	vm10 =	vgt.f32 v58, v1;
	v4 =	vsel vm8, v2, v4  }
0x15e: {  	v2 =	vsel vm8, v57, v2;
	v10 =	vsel vm8, v6, v10;
	v3 =	vsel vm9, v58, v3  }
0x15f: {  	v6 =	vsel vm8, $0x3D, v6;
	v7 =	vsel vm9, $0x3E, v7;
	v3 =	vsel vm10, v1, v3  }
0x160: {  	v61 =	vld [tilespmem:s19+$0x7E10];
	v7 =	vsel vm10, v8, v7;
	v1 =	vsel vm10, v58, v1;
	vm11 =	vgt.f32 v59, v2  }
0x161: {  	vm12 =	vgt.f32 v59, v4;
	vm13 =	vgt.f32 v60, v1;
	vm4 =	vgt.f32 v60, v3  }
0x162: {  	v8 =	vsel vm10, $0x3E, v8;
	v3 =	vsel vm4, v60, v3;
	v11 =	vsel vm13, v60, v1  }
0x163: {  	v4 =	vsel vm12, v59, v4;
	v62 =	vsel vm4, $0x3F, v7;
	v1 =	vsel vm13, v1, v3;
	[tilespmem:s19+$0x8000] =	vst v11  }
0x164: {  	v3 =	vsel vm11, v2, v4;
	v2 =	vsel vm11, v59, v2;
	v4 =	vsel vm13, v8, v62;
	[tilespmem:s19+$0x8200] =	vst v1  }
0x165: {  	p0 =	sne.s32 s18, $0x780;
	v1 =	vsel vm13, $0x3F, v8;
	vm14 =	vgt.f32 v61, v2;
	vm15 =	vgt.f32 v61, v3;
	[tilespmem:s19+$0x8600] =	vst v4  }
.Ltmp0:
0x166: {  	[tilespmem:s19+$0x8400] =	vst v1;
	v1 =	vsel vm12, $0x3E, v10;
	v3 =	vsel vm15, v61, v3;
	v5 =	vsel vm14, v61, v2;
	(pc) =	sbr.rel @p0 .LBB2_2-.Ltmp0, $4  }
0x167: {  	v63 =	vsel vm11, $0x3E, v6;
	v1 =	vsel vm11, v6, v1;
	v2 =	vsel vm14, v2, v3;
	[tilespmem:s19+$0x8010] =	vst v5  }
0x168: {  	v3 =	vsel vm14, $0x3F, v63;
	v1 =	vsel vm15, $0x3F, v1;
	[tilespmem:s19+$0x8210] =	vst v2  }
0x169: {  	[tilespmem:s19+$0x8410] =	vst v3;
	v1 =	vsel vm14, v63, v1  }
0x16a: {  	s17 =	sadd.s32 $0x20, s17;
	s18 =	sadd.s32 $0x80, s18;
	[tilespmem:s19+$0x8610] =	vst v1  }
0x16b: {  	[hbm4b:s4+s2] =	stream.linear.scatter [tilespmem:s12], [sflag:$0x1], $0x200, $0x38;
	[tilespmem:$0x8800] =	vst v63  }
0x16c: {  	_ =	swait.ge [sflag:s11], $0x200  }
0x16d: {  	[sflag:s11] =	ssyncset.done $0x0  }
0x16e: {  	[sflag:s11] =	ssyncadd.s32 $0xFFFFFE00  }
0x16f: {  	[hbm4b:s5+s2] =	stream.linear.scatter [tilespmem:s13], [sflag:$0x1], $0x200, $0x38;
	[tilespmem:$0x8800] =	vst v63  }
0x170: {  	_ =	swait.ge [sflag:s11], $0x200  }
0x171: {  	[sflag:s11] =	ssyncset.done $0x0  }
0x172: {  	[sflag:s11] =	ssyncadd.s32 $0xFFFFFE00  }
0x173: {  	[hbm4b:s6+s2] =	stream.linear.scatter [tilespmem:s14], [sflag:$0x1], $0x200, $0x38;
	[tilespmem:$0x8800] =	vst v63  }
0x174: {  	s16 =	sadd.s32 $0x1, s16;
	_ =	swait.ge [sflag:s11], $0x200  }
0x175: {  	p0 =	sne.s32 s16, s8;
	[sflag:s11] =	ssyncset.done $0x0  }
.Ltmp1:
0x176: {  	[sflag:s11] =	ssyncadd.s32 $0xFFFFFE00;
	(pc) =	sbr.rel @p0 .LBB2_1-.Ltmp1, $4  }
0x177: {  	[hbm4b:s7+s2] =	stream.linear.scatter [tilespmem:s15], [sflag:$0x1], $0x200, $0x38;
	[tilespmem:$0x8800] =	vst v63  }
0x178: {  	_ =	swait.ge [sflag:s11], $0x200  }
0x179: {  	[sflag:s11] =	ssyncset.done $0x0  }
0x17a: {  	[sflag:s11] =	ssyncadd.s32 $0xFFFFFE00  }
0x17b: {  	_ =	sfence.sel $0x180000  }
0x17c: {  	[bflag:$0x0] =	sbarrier.arrive $0xFFFF  }
0x17d: {  	p0 =	sne.s32 s1, $0x0;
	_ =	strace $0x90000047  }
0x17e: {  	s0 =	sadd.s32 @!p0 $0x100000, s0;
	[bflag:$0x2] =	sbarrier.arrive $0xFFFF  }
0x17f: {  	[sflag:s0] =	ssyncadd.tile.s32 @!p0 $0x1;
	_ =	shalt  }
.Lfunc_end2:
_tile_overlayer_lowered:
.L_overlay_start_2:
0x180: {  	(tag) =	ssettag $0x2  }
0x181: {  	s0 =	rddreg [dreg:$0x0];
	s2 =	stileid.u32  }
0x182: {  	s1 =	rddreg [dreg:$0x1];
	p0 =	sne.s32 s2, $0x0  }
0x183: {  	s3 =	rddreg [dreg:$0x2];
	[bflag:$0x3] =	sbarrier.arrive $0xFFFF;
	s2 =	simm.s32 @!p0 $0x1C01  }
0x184: {  	[timem:s3], [sflag:s2] =	dma.local @!p0 [hbm:s0], s1  }
0x185: {  	s0 =	simm.s32 @!p0 $0x1  }
0x186: {  	_ =	swait.ge @!p0 [sflag:s0], s1  }
0x187: {  	s1 =	ssub.s32 @!p0 $0x0, s1;
	[sflag:s0] =	ssyncset.done @!p0 $0x0  }
0x188: {  	[sflag:s0] =	ssyncadd.s32 @!p0 s1  }
0x189: {  	[bflag:$0x3] =	sbarrier.arrive $0xFFFF  }
0x18a: {  	_ =	shalt  }

</sc_bundles>
